<compile_context>
chip_gen: v7x
topology: tpu7x:2x2x1
jax: 0.10.2.dev20260603
libtpu: 0.0.44.dev20260713+nightly
codegen_flags: <defaults>
</compile_context>

<pallas_src>
import functools

import jax
import jax.numpy as jnp
from jax import lax
from jax.experimental import pallas as pl
from jax.experimental.pallas import tpu as pltpu
from jax.experimental.pallas import tpu_sc as plsc

N = 10000
E = 320000
D = 128

NC = 2
NS = 16
L = 16
NW = NC * NS

ROWS_PER_TILE = 640
NP = NS * ROWS_PER_TILE
CHUNK = 80
NBUF = 3
UNROLL = 5
BLOCKS = 25
NCHUNKS = BLOCKS * UNROLL
EPW = NCHUNKS * CHUNK

_mesh = plsc.VectorSubcoreMesh(core_axis_name="c", subcore_axis_name="s")


@functools.partial(
    pl.kernel,
    out_type=jax.ShapeDtypeStruct((NC, NP), jnp.float32),
    mesh=_mesh,
    scratch_types=[
        pltpu.VMEM((BLOCKS, UNROLL, CHUNK), jnp.int32),
        pltpu.VMEM((CHUNK,), jnp.float32),
        pltpu.VMEM((ROWS_PER_TILE,), jnp.float32),
        pltpu.VMEM_SHARED((NP,), jnp.float32),
        pltpu.SemaphoreType.DMA,
    ],
)
def _histogram(ei5, deg_out, idx_v, ones_v, zbuf_v, acc_sh, sem):
    cid = lax.axis_index("c")
    sid = lax.axis_index("s")
    wid = sid * NC + cid
    row0 = sid * ROWS_PER_TILE

    pltpu.sync_copy(ei5.at[1, wid], idx_v)

    def fill_z(i, _):
        zbuf_v[pl.ds(i * L, L)] = jnp.zeros((L,), jnp.float32)
        return 0

    lax.fori_loop(0, ROWS_PER_TILE // L, fill_z, 0)

    def fill_1(i, _):
        ones_v[pl.ds(i * L, L)] = jnp.ones((L,), jnp.float32)
        return 0

    lax.fori_loop(0, CHUNK // L, fill_1, 0)

    pltpu.sync_copy(zbuf_v, acc_sh.at[pl.ds(row0, ROWS_PER_TILE)])
    plsc.subcore_barrier()

    def step(i, _):
        descs = [
            pltpu.async_copy(ones_v, acc_sh.at[idx_v.at[i, k]], sem, add=True)
            for k in range(UNROLL)
        ]
        for d in descs:
            d.wait()
        return 0

    lax.fori_loop(0, BLOCKS, step, 0)

    plsc.subcore_barrier()
    pltpu.sync_copy(
        acc_sh.at[pl.ds(row0, ROWS_PER_TILE)],
        deg_out.at[cid, pl.ds(row0, ROWS_PER_TILE)],
    )


BR = 640
GR = NP // BR


def _mm_body(x_ref, w_ref, dinv_ref, hp_ref):
    h = jnp.dot(x_ref[...], w_ref[...], preferred_element_type=jnp.float32)
    hp_ref[...] = h * dinv_ref[...]


BR2 = 1000
_mm = pl.pallas_call(
    _mm_body,
    grid=(N // BR2,),
    in_specs=[
        pl.BlockSpec((BR2, D), lambda i: (i, 0)),
        pl.BlockSpec((D, D), lambda i: (0, 0)),
        pl.BlockSpec((BR2, 1), lambda i: (i, 0)),
    ],
    out_specs=pl.BlockSpec((BR2, D), lambda i: (i, 0)),
    out_shape=jax.ShapeDtypeStruct((NP, D), jnp.float32),
)


@functools.partial(
    pl.kernel,
    out_type=jax.ShapeDtypeStruct((NC, NP, D), jnp.float32),
    mesh=_mesh,
    scratch_types=[
        pltpu.VMEM((2, UNROLL, CHUNK), jnp.int32),
        pltpu.VMEM((2, UNROLL, CHUNK), jnp.int32),
        pltpu.VMEM((NBUF, CHUNK, D), jnp.float32),
        pltpu.VMEM_SHARED((NP, D), jnp.float32),
        pltpu.SemaphoreType.DMA,
        pltpu.SemaphoreType.DMA,
        pltpu.SemaphoreType.DMA,
        pltpu.SemaphoreType.DMA,
        pltpu.SemaphoreType.DMA,
        pltpu.SemaphoreType.DMA,
    ],
)
def _aggregate(ei5, hp_hbm, out_p, sidx_v, didx_v, rows_v, acc_sh,
               g0, g1, g2, s0, s1, s2):
    gsem = [g0, g1, g2]
    ssem = [s0, s1, s2]
    cid = lax.axis_index("c")
    sid = lax.axis_index("s")
    wid = sid * NC + cid
    row0 = sid * ROWS_PER_TILE

    @pl.when(cid == 0)
    def _():
        pltpu.sync_copy(
            hp_hbm.at[pl.ds(row0, ROWS_PER_TILE)],
            acc_sh.at[pl.ds(row0, ROWS_PER_TILE)],
        )

    @pl.when(cid != 0)
    def _():
        def zrow(r, _):
            def zlane(l2, __):
                rows_v[0, r, pl.ds(l2 * L, L)] = jnp.zeros((L,), jnp.float32)
                return 0

            lax.fori_loop(0, D // L, zlane, 0)
            return 0

        lax.fori_loop(0, CHUNK, zrow, 0)

        def zcopy(k, _):
            pltpu.sync_copy(rows_v.at[0], acc_sh.at[pl.ds(row0 + k * CHUNK, CHUNK)])
            return 0

        lax.fori_loop(0, ROWS_PER_TILE // CHUNK, zcopy, 0)

    plsc.subcore_barrier()

    def _span(nchunks):
        gd = {}
        sd = {}
        for k in range(min(NBUF, nchunks)):
            gd[k] = pltpu.async_copy(
                hp_hbm.at[sidx_v.at[k // UNROLL, k % UNROLL]],
                rows_v.at[k % NBUF],
                gsem[k % NBUF],
            )
        for k in range(nchunks):
            b = k % NBUF
            gd[k].wait()
            sd[k] = pltpu.async_copy(
                rows_v.at[b],
                acc_sh.at[didx_v.at[k // UNROLL, k % UNROLL]],
                ssem[b],
                add=True,
            )
            if k + NBUF < nchunks:
                sd[k].wait()
                kn = k + NBUF
                gd[kn] = pltpu.async_copy(
                    hp_hbm.at[sidx_v.at[kn // UNROLL, kn % UNROLL]],
                    rows_v.at[b],
                    gsem[b],
                )
        for k in range(max(0, nchunks - NBUF), nchunks):
            sd[k].wait()

    def body(i, _):
        pltpu.sync_copy(ei5.at[0, wid, pl.ds(2 * i, 2)], sidx_v)
        pltpu.sync_copy(ei5.at[1, wid, pl.ds(2 * i, 2)], didx_v)
        _span(2 * UNROLL)
        return 0

    lax.fori_loop(0, BLOCKS // 2, body, 0)

    pltpu.sync_copy(ei5.at[0, wid, BLOCKS - 1], sidx_v.at[0])
    pltpu.sync_copy(ei5.at[1, wid, BLOCKS - 1], didx_v.at[0])
    _span(UNROLL)

    plsc.subcore_barrier()
    pltpu.sync_copy(
        acc_sh.at[pl.ds(row0, ROWS_PER_TILE)],
        out_p.at[cid, pl.ds(row0, ROWS_PER_TILE)],
    )


def _combine_body(p_ref, dinv_ref, b_ref, out_ref):
    out_ref[...] = (p_ref[0] + p_ref[1]) * dinv_ref[...] + b_ref[...]


_combine = pl.pallas_call(
    _combine_body,
    grid=(N // BR2,),
    in_specs=[
        pl.BlockSpec((NC, BR2, D), lambda i: (0, i, 0)),
        pl.BlockSpec((BR2, 1), lambda i: (i, 0)),
        pl.BlockSpec((1, D), lambda i: (0, 0)),
    ],
    out_specs=pl.BlockSpec((BR2, D), lambda i: (i, 0)),
    out_shape=jax.ShapeDtypeStruct((N, D), jnp.float32),
)


def kernel(x, edge_index, W, b):
    ei5 = edge_index.astype(jnp.int32).reshape(2, NW, BLOCKS, UNROLL, CHUNK)

    deg_p = _histogram(ei5)
    deg = deg_p[0] + deg_p[1] + 1.0
    dinv2 = lax.rsqrt(deg).reshape(NP, 1)

    hp = _mm(x, W, dinv2)
    parts = _aggregate(ei5, hp)
    return _combine(parts, dinv2, b.reshape(1, D))

# --- scband reference (transcript-rebuilt; emitter-appended) ---
"""Pipeline reference for scband-linear-encoder-57071525429452 (READ-ONLY COPY).

The authoritative reference and input builder live on the scoring server;
editing this copy changes nothing except your own understanding.
"""

import jax, jax.numpy as jnp
import numpy as np

N = 10000
E = 320000
D_IN = 128
D_OUT = 128


def setup_inputs(seed: int = 0) -> dict:
    key = jax.random.key(seed)
    k1, k2, k3 = jax.random.split(key, 3)
    x = jax.random.normal(k1, (N, D_IN), dtype=jnp.float32)
    edge_index = jax.random.randint(k2, (2, E), 0, N)
    # GCNConv learned params: linear weight (no bias in lin) + separate bias
    W = jax.random.normal(k3, (D_IN, D_OUT), dtype=jnp.float32) * (1.0 / np.sqrt(D_IN))
    b = jnp.zeros((D_OUT,), dtype=jnp.float32)
    return {"x": x, "edge_index": edge_index, "W": W, "b": b}


def reference(x, edge_index, W, b):
    # Faithful GCNConv: add self-loops, symmetric D^-1/2 A_hat D^-1/2 normalization,
    # linear transform, scatter-add aggregation to dst nodes, then bias.
    n = x.shape[0]
    loops = jnp.arange(n, dtype=edge_index.dtype)
    src = jnp.concatenate([edge_index[0], loops])
    dst = jnp.concatenate([edge_index[1], loops])
    deg = jnp.zeros((n,), dtype=x.dtype).at[dst].add(1.0)
    dinv = jnp.where(deg > 0, jax.lax.rsqrt(deg), 0.0)
    norm = dinv[src] * dinv[dst]
    h = x @ W                       # dense transform
    msg = jnp.take(h, src, axis=0) * norm[:, None]   # gather
    out = jnp.zeros((n, W.shape[1]), dtype=x.dtype).at[dst].add(msg)  # scatter-add
    return out + b

if __name__ == "__main__":
    import jax
    _d = setup_inputs()
    print(jax.jit(kernel)(*tuple(_d.values())))

</pallas_src>

<mosaic_0001>
#map = affine_map<(d0, d1) -> (0, 0, 0, 0, 0)>
#map1 = affine_map<(d0, d1) -> (0, 0)>
module attributes {stable_mosaic.version = 14 : i64} {
  func.func @_histogram(%arg0: i32, %arg1: i32, %arg2: memref<2x32x25x5x80xi32, #tpu.memory_space<hbm>>, %arg3: memref<2x10240xf32, #tpu.memory_space<hbm>>, %arg4: memref<25x5x80xi32, #tpu.memory_space<vmem>>, %arg5: memref<80xf32, #tpu.memory_space<vmem>>, %arg6: memref<640xf32, #tpu.memory_space<vmem>>, %arg7: memref<10240xf32, #tpu.memory_space<vmem_shared>>, %arg8: memref<!tpu.dma_semaphore, #tpu.memory_space<semaphore_mem>>) attributes {dimension_semantics = [#tpu.dimension_semantics<core_parallel>, #tpu.dimension_semantics<subcore_parallel>], iteration_bounds = array<i64: 2, 16>, scalar_prefetch = 0 : i64, scratch_operands = 5 : i64, tpu.core_type = #tpu.core_type<sc_vector_subcore>, window_params = [{transform_indices = #map}, {transform_indices = #map1}]} {
    %mul3A = arith.constant 2 : i32
    %mul3A_0 = arith.muli %arg1, %mul3A : i32
    %add3A = arith.addi %mul3A_0, %arg0 : i32
    %mul3A_1 = arith.constant 640 : i32
    %mul3A_2 = arith.muli %arg1, %mul3A_1 : i32
    %run_scoped3A = arith.constant 1 : i32
    "tpu.region"() ({
      %run_scoped3A_24 = tpu.sem_alloc : memref<!tpu.dma_semaphore, #tpu.memory_space<semaphore_mem>>
      %dma_start3A = arith.constant 0 : i32
      %dma_start3A_25 = arith.constant 0 : i32
      %dma_start3A_26 = arith.constant 0 : i32
      %dma_start3A_27 = tpu.memref_slice %arg2[%run_scoped3A, %add3A, %dma_start3A, %dma_start3A_25, %dma_start3A_26] : memref<2x32x25x5x80xi32, #tpu.memory_space<hbm>> -> memref<1x1x25x5x80xi32, #tpu.memory_space<hbm>>
      %dma_start3A_28 = tpu.memref_squeeze %dma_start3A_27 : memref<1x1x25x5x80xi32, #tpu.memory_space<hbm>> -> memref<25x5x80xi32, #tpu.memory_space<hbm>>
      %dma_start3A_29 = arith.constant 0 : i32
      %dma_start3A_30 = arith.constant 0 : i32
      %dma_start3A_31 = arith.constant 0 : i32
      %dma_start3A_32 = tpu.memref_slice %arg2[%run_scoped3A, %add3A, %dma_start3A_29, %dma_start3A_30, %dma_start3A_31] : memref<2x32x25x5x80xi32, #tpu.memory_space<hbm>> -> memref<1x1x25x5x80xi32, #tpu.memory_space<hbm>>
      %dma_start3A_33 = tpu.memref_squeeze %dma_start3A_32 : memref<1x1x25x5x80xi32, #tpu.memory_space<hbm>> -> memref<25x5x80xi32, #tpu.memory_space<hbm>>
      tpu.enqueue_dma source(%dma_start3A_33 : memref<25x5x80xi32, #tpu.memory_space<hbm>>) target(%arg4 : memref<25x5x80xi32, #tpu.memory_space<vmem>>) target_semaphore(%run_scoped3A_24 : memref<!tpu.dma_semaphore, #tpu.memory_space<semaphore_mem>>)
      %dma_wait3A = arith.constant 0 : i32
      %dma_wait3A_34 = arith.constant 0 : i32
      %dma_wait3A_35 = arith.constant 0 : i32
      %dma_wait3A_36 = tpu.memref_slice %arg2[%run_scoped3A, %add3A, %dma_wait3A, %dma_wait3A_34, %dma_wait3A_35] : memref<2x32x25x5x80xi32, #tpu.memory_space<hbm>> -> memref<1x1x25x5x80xi32, #tpu.memory_space<hbm>>
      %dma_wait3A_37 = tpu.memref_squeeze %dma_wait3A_36 : memref<1x1x25x5x80xi32, #tpu.memory_space<hbm>> -> memref<25x5x80xi32, #tpu.memory_space<hbm>>
      %dma_wait3A_38 = arith.constant 0 : i32
      %dma_wait3A_39 = arith.constant 0 : i32
      %dma_wait3A_40 = arith.constant 0 : i32
      %dma_wait3A_41 = tpu.memref_slice %arg2[%run_scoped3A, %add3A, %dma_wait3A_38, %dma_wait3A_39, %dma_wait3A_40] : memref<2x32x25x5x80xi32, #tpu.memory_space<hbm>> -> memref<1x1x25x5x80xi32, #tpu.memory_space<hbm>>
      %dma_wait3A_42 = tpu.memref_squeeze %dma_wait3A_41 : memref<1x1x25x5x80xi32, #tpu.memory_space<hbm>> -> memref<25x5x80xi32, #tpu.memory_space<hbm>>
      tpu.wait_dma2 semaphore(%run_scoped3A_24 : memref<!tpu.dma_semaphore, #tpu.memory_space<semaphore_mem>>) src(%dma_wait3A_42 : memref<25x5x80xi32, #tpu.memory_space<hbm>>) dst(%arg4 : memref<25x5x80xi32, #tpu.memory_space<vmem>>)
      tpu.yield
    }) : () -> ()
    %scan3A = arith.constant 0 : i32
    %scan3A_3 = arith.constant 0 : i32
    %scan3A_4 = arith.constant 40 : i32
    %scan3A_5 = arith.addi %scan3A_3, %scan3A_4 : i32
    %scan3A_6 = arith.constant 1 : i32
    %scan3A_7 = scf.for %scan3A_24 = %scan3A_3 to %scan3A_5 step %scan3A_6 iter_args(%scan3A_25 = %scan3A) -> (i32)  : i32 {
      %broadcast_in_dim3A = arith.constant 0.000000e+00 : f32
      %broadcast_in_dim3A_26 = vector.broadcast %broadcast_in_dim3A : f32 to vector<16xf32>
      %mul3A_27 = arith.constant 16 : i32
      %mul3A_28 = arith.muli %scan3A_24, %mul3A_27 : i32
      %swap3A = arith.index_cast %mul3A_28 : i32 to index
      %swap3A_29 = tpu.vector_load %arg6[%swap3A] {strides = array<i32>} : memref<640xf32, #tpu.memory_space<vmem>>, vector<16xf32>,
      %swap3A_30 = vector.shape_cast %swap3A_29 : vector<16xf32> to vector<16xf32>
      %swap3A_31 = vector.shape_cast %broadcast_in_dim3A_26 : vector<16xf32> to vector<16xf32>
      tpu.vector_store %arg6[%swap3A], %swap3A_31 {strides = array<i32>} : memref<640xf32, #tpu.memory_space<vmem>>, vector<16xf32>,
      %scan3A_32 = arith.constant 0 : i32
      scf.yield %scan3A_32 : i32
    }
    %scan3A_8 = arith.constant 40 : i32
    %scan3A_9 = arith.constant 0 : i32
    %scan3A_10 = arith.constant 0 : i32
    %scan3A_11 = arith.constant 5 : i32
    %scan3A_12 = arith.addi %scan3A_10, %scan3A_11 : i32
    %scan3A_13 = arith.constant 1 : i32
    %scan3A_14 = scf.for %scan3A_24 = %scan3A_10 to %scan3A_12 step %scan3A_13 iter_args(%scan3A_25 = %scan3A_9) -> (i32)  : i32 {
      %broadcast_in_dim3A = arith.constant 1.000000e+00 : f32
      %broadcast_in_dim3A_26 = vector.broadcast %broadcast_in_dim3A : f32 to vector<16xf32>
      %mul3A_27 = arith.constant 16 : i32
      %mul3A_28 = arith.muli %scan3A_24, %mul3A_27 : i32
      %swap3A = arith.index_cast %mul3A_28 : i32 to index
      %swap3A_29 = tpu.vector_load %arg5[%swap3A] {strides = array<i32>} : memref<80xf32, #tpu.memory_space<vmem>>, vector<16xf32>,
      %swap3A_30 = vector.shape_cast %swap3A_29 : vector<16xf32> to vector<16xf32>
      %swap3A_31 = vector.shape_cast %broadcast_in_dim3A_26 : vector<16xf32> to vector<16xf32>
      tpu.vector_store %arg5[%swap3A], %swap3A_31 {strides = array<i32>} : memref<80xf32, #tpu.memory_space<vmem>>, vector<16xf32>,
      %scan3A_32 = arith.constant 0 : i32
      scf.yield %scan3A_32 : i32
    }
    %scan3A_15 = arith.constant 5 : i32
    "tpu.region"() ({
      %run_scoped3A_24 = tpu.sem_alloc : memref<!tpu.dma_semaphore, #tpu.memory_space<semaphore_mem>>
      %dma_start3A = tpu.memref_slice %arg7[%mul3A_2] : memref<10240xf32, #tpu.memory_space<vmem_shared>> -> memref<640xf32, #tpu.memory_space<vmem_shared>>
      %dma_start3A_25 = tpu.memref_slice %arg7[%mul3A_2] : memref<10240xf32, #tpu.memory_space<vmem_shared>> -> memref<640xf32, #tpu.memory_space<vmem_shared>>
      tpu.enqueue_dma source(%arg6 : memref<640xf32, #tpu.memory_space<vmem>>) target(%dma_start3A_25 : memref<640xf32, #tpu.memory_space<vmem_shared>>) target_semaphore(%run_scoped3A_24 : memref<!tpu.dma_semaphore, #tpu.memory_space<semaphore_mem>>)
      %dma_wait3A = tpu.memref_slice %arg7[%mul3A_2] : memref<10240xf32, #tpu.memory_space<vmem_shared>> -> memref<640xf32, #tpu.memory_space<vmem_shared>>
      %dma_wait3A_26 = tpu.memref_slice %arg7[%mul3A_2] : memref<10240xf32, #tpu.memory_space<vmem_shared>> -> memref<640xf32, #tpu.memory_space<vmem_shared>>
      tpu.wait_dma2 semaphore(%run_scoped3A_24 : memref<!tpu.dma_semaphore, #tpu.memory_space<semaphore_mem>>) src(%arg6 : memref<640xf32, #tpu.memory_space<vmem>>) dst(%dma_wait3A_26 : memref<640xf32, #tpu.memory_space<vmem_shared>>)
      tpu.yield
    }) : () -> ()
    %barrier3A = arith.constant 0 : index
    tpu.barrier barrier_id(%barrier3A)
    %scan3A_16 = arith.constant 0 : i32
    %scan3A_17 = arith.constant 0 : i32
    %scan3A_18 = arith.constant 25 : i32
    %scan3A_19 = arith.addi %scan3A_17, %scan3A_18 : i32
    %scan3A_20 = arith.constant 1 : i32
    %scan3A_21 = scf.for %scan3A_24 = %scan3A_17 to %scan3A_19 step %scan3A_20 iter_args(%scan3A_25 = %scan3A_16) -> (i32)  : i32 {
      %dma_start3A = arith.constant 0 : i32
      %dma_start3A_26 = arith.constant 0 : i32
      %dma_start3A_27 = tpu.memref_slice %arg4[%scan3A_24, %dma_start3A, %dma_start3A_26] : memref<25x5x80xi32, #tpu.memory_space<vmem>> -> memref<1x1x80xi32, #tpu.memory_space<vmem>>
      %dma_start3A_28 = tpu.memref_squeeze %dma_start3A_27 : memref<1x1x80xi32, #tpu.memory_space<vmem>> -> memref<80xi32, #tpu.memory_space<vmem>>
      %dma_start3A_29 = arith.constant 0 : i32
      %dma_start3A_30 = tpu.memref_slice %arg7[%dma_start3A_29] : memref<10240xf32, #tpu.memory_space<vmem_shared>> -> memref<10240xf32, #tpu.memory_space<vmem_shared>>
      tpu.enqueue_indirect_dma source(%arg5 : memref<80xf32, #tpu.memory_space<vmem>>) target(%dma_start3A_30 : memref<10240xf32, #tpu.memory_space<vmem_shared>>) offsets(%dma_start3A_28 : memref<80xi32, #tpu.memory_space<vmem>>) semaphore(%arg8 : memref<!tpu.dma_semaphore, #tpu.memory_space<semaphore_mem>>) {add = true}
      %dma_start3A_31 = arith.constant 1 : i32
      %dma_start3A_32 = arith.constant 0 : i32
      %dma_start3A_33 = tpu.memref_slice %arg4[%scan3A_24, %dma_start3A_31, %dma_start3A_32] : memref<25x5x80xi32, #tpu.memory_space<vmem>> -> memref<1x1x80xi32, #tpu.memory_space<vmem>>
      %dma_start3A_34 = tpu.memref_squeeze %dma_start3A_33 : memref<1x1x80xi32, #tpu.memory_space<vmem>> -> memref<80xi32, #tpu.memory_space<vmem>>
      %dma_start3A_35 = arith.constant 0 : i32
      %dma_start3A_36 = tpu.memref_slice %arg7[%dma_start3A_35] : memref<10240xf32, #tpu.memory_space<vmem_shared>> -> memref<10240xf32, #tpu.memory_space<vmem_shared>>
      tpu.enqueue_indirect_dma source(%arg5 : memref<80xf32, #tpu.memory_space<vmem>>) target(%dma_start3A_36 : memref<10240xf32, #tpu.memory_space<vmem_shared>>) offsets(%dma_start3A_34 : memref<80xi32, #tpu.memory_space<vmem>>) semaphore(%arg8 : memref<!tpu.dma_semaphore, #tpu.memory_space<semaphore_mem>>) {add = true}
      %dma_start3A_37 = arith.constant 2 : i32
      %dma_start3A_38 = arith.constant 0 : i32
      %dma_start3A_39 = tpu.memref_slice %arg4[%scan3A_24, %dma_start3A_37, %dma_start3A_38] : memref<25x5x80xi32, #tpu.memory_space<vmem>> -> memref<1x1x80xi32, #tpu.memory_space<vmem>>
      %dma_start3A_40 = tpu.memref_squeeze %dma_start3A_39 : memref<1x1x80xi32, #tpu.memory_space<vmem>> -> memref<80xi32, #tpu.memory_space<vmem>>
      %dma_start3A_41 = arith.constant 0 : i32
      %dma_start3A_42 = tpu.memref_slice %arg7[%dma_start3A_41] : memref<10240xf32, #tpu.memory_space<vmem_shared>> -> memref<10240xf32, #tpu.memory_space<vmem_shared>>
      tpu.enqueue_indirect_dma source(%arg5 : memref<80xf32, #tpu.memory_space<vmem>>) target(%dma_start3A_42 : memref<10240xf32, #tpu.memory_space<vmem_shared>>) offsets(%dma_start3A_40 : memref<80xi32, #tpu.memory_space<vmem>>) semaphore(%arg8 : memref<!tpu.dma_semaphore, #tpu.memory_space<semaphore_mem>>) {add = true}
      %dma_start3A_43 = arith.constant 3 : i32
      %dma_start3A_44 = arith.constant 0 : i32
      %dma_start3A_45 = tpu.memref_slice %arg4[%scan3A_24, %dma_start3A_43, %dma_start3A_44] : memref<25x5x80xi32, #tpu.memory_space<vmem>> -> memref<1x1x80xi32, #tpu.memory_space<vmem>>
      %dma_start3A_46 = tpu.memref_squeeze %dma_start3A_45 : memref<1x1x80xi32, #tpu.memory_space<vmem>> -> memref<80xi32, #tpu.memory_space<vmem>>
      %dma_start3A_47 = arith.constant 0 : i32
      %dma_start3A_48 = tpu.memref_slice %arg7[%dma_start3A_47] : memref<10240xf32, #tpu.memory_space<vmem_shared>> -> memref<10240xf32, #tpu.memory_space<vmem_shared>>
      tpu.enqueue_indirect_dma source(%arg5 : memref<80xf32, #tpu.memory_space<vmem>>) target(%dma_start3A_48 : memref<10240xf32, #tpu.memory_space<vmem_shared>>) offsets(%dma_start3A_46 : memref<80xi32, #tpu.memory_space<vmem>>) semaphore(%arg8 : memref<!tpu.dma_semaphore, #tpu.memory_space<semaphore_mem>>) {add = true}
      %dma_start3A_49 = arith.constant 4 : i32
      %dma_start3A_50 = arith.constant 0 : i32
      %dma_start3A_51 = tpu.memref_slice %arg4[%scan3A_24, %dma_start3A_49, %dma_start3A_50] : memref<25x5x80xi32, #tpu.memory_space<vmem>> -> memref<1x1x80xi32, #tpu.memory_space<vmem>>
      %dma_start3A_52 = tpu.memref_squeeze %dma_start3A_51 : memref<1x1x80xi32, #tpu.memory_space<vmem>> -> memref<80xi32, #tpu.memory_space<vmem>>
      %dma_start3A_53 = arith.constant 0 : i32
      %dma_start3A_54 = tpu.memref_slice %arg7[%dma_start3A_53] : memref<10240xf32, #tpu.memory_space<vmem_shared>> -> memref<10240xf32, #tpu.memory_space<vmem_shared>>
      tpu.enqueue_indirect_dma source(%arg5 : memref<80xf32, #tpu.memory_space<vmem>>) target(%dma_start3A_54 : memref<10240xf32, #tpu.memory_space<vmem_shared>>) offsets(%dma_start3A_52 : memref<80xi32, #tpu.memory_space<vmem>>) semaphore(%arg8 : memref<!tpu.dma_semaphore, #tpu.memory_space<semaphore_mem>>) {add = true}
      %dma_wait3A = arith.constant 0 : i32
      %dma_wait3A_55 = arith.constant 0 : i32
      %dma_wait3A_56 = tpu.memref_slice %arg4[%scan3A_24, %dma_wait3A, %dma_wait3A_55] : memref<25x5x80xi32, #tpu.memory_space<vmem>> -> memref<1x1x80xi32, #tpu.memory_space<vmem>>
      %dma_wait3A_57 = tpu.memref_squeeze %dma_wait3A_56 : memref<1x1x80xi32, #tpu.memory_space<vmem>> -> memref<80xi32, #tpu.memory_space<vmem>>
      %dma_wait3A_58 = arith.constant 0 : i32
      %dma_wait3A_59 = tpu.memref_slice %arg7[%dma_wait3A_58] : memref<10240xf32, #tpu.memory_space<vmem_shared>> -> memref<10240xf32, #tpu.memory_space<vmem_shared>>
      tpu.wait_indirect_dma semaphore(%arg8 : memref<!tpu.dma_semaphore, #tpu.memory_space<semaphore_mem>>) src(%arg5 : memref<80xf32, #tpu.memory_space<vmem>>) dst(%dma_wait3A_59 : memref<10240xf32, #tpu.memory_space<vmem_shared>>)
      %dma_wait3A_60 = arith.constant 1 : i32
      %dma_wait3A_61 = arith.constant 0 : i32
      %dma_wait3A_62 = tpu.memref_slice %arg4[%scan3A_24, %dma_wait3A_60, %dma_wait3A_61] : memref<25x5x80xi32, #tpu.memory_space<vmem>> -> memref<1x1x80xi32, #tpu.memory_space<vmem>>
      %dma_wait3A_63 = tpu.memref_squeeze %dma_wait3A_62 : memref<1x1x80xi32, #tpu.memory_space<vmem>> -> memref<80xi32, #tpu.memory_space<vmem>>
      %dma_wait3A_64 = arith.constant 0 : i32
      %dma_wait3A_65 = tpu.memref_slice %arg7[%dma_wait3A_64] : memref<10240xf32, #tpu.memory_space<vmem_shared>> -> memref<10240xf32, #tpu.memory_space<vmem_shared>>
      tpu.wait_indirect_dma semaphore(%arg8 : memref<!tpu.dma_semaphore, #tpu.memory_space<semaphore_mem>>) src(%arg5 : memref<80xf32, #tpu.memory_space<vmem>>) dst(%dma_wait3A_65 : memref<10240xf32, #tpu.memory_space<vmem_shared>>)
      %dma_wait3A_66 = arith.constant 2 : i32
      %dma_wait3A_67 = arith.constant 0 : i32
      %dma_wait3A_68 = tpu.memref_slice %arg4[%scan3A_24, %dma_wait3A_66, %dma_wait3A_67] : memref<25x5x80xi32, #tpu.memory_space<vmem>> -> memref<1x1x80xi32, #tpu.memory_space<vmem>>
      %dma_wait3A_69 = tpu.memref_squeeze %dma_wait3A_68 : memref<1x1x80xi32, #tpu.memory_space<vmem>> -> memref<80xi32, #tpu.memory_space<vmem>>
      %dma_wait3A_70 = arith.constant 0 : i32
      %dma_wait3A_71 = tpu.memref_slice %arg7[%dma_wait3A_70] : memref<10240xf32, #tpu.memory_space<vmem_shared>> -> memref<10240xf32, #tpu.memory_space<vmem_shared>>
      tpu.wait_indirect_dma semaphore(%arg8 : memref<!tpu.dma_semaphore, #tpu.memory_space<semaphore_mem>>) src(%arg5 : memref<80xf32, #tpu.memory_space<vmem>>) dst(%dma_wait3A_71 : memref<10240xf32, #tpu.memory_space<vmem_shared>>)
      %dma_wait3A_72 = arith.constant 3 : i32
      %dma_wait3A_73 = arith.constant 0 : i32
      %dma_wait3A_74 = tpu.memref_slice %arg4[%scan3A_24, %dma_wait3A_72, %dma_wait3A_73] : memref<25x5x80xi32, #tpu.memory_space<vmem>> -> memref<1x1x80xi32, #tpu.memory_space<vmem>>
      %dma_wait3A_75 = tpu.memref_squeeze %dma_wait3A_74 : memref<1x1x80xi32, #tpu.memory_space<vmem>> -> memref<80xi32, #tpu.memory_space<vmem>>
      %dma_wait3A_76 = arith.constant 0 : i32
      %dma_wait3A_77 = tpu.memref_slice %arg7[%dma_wait3A_76] : memref<10240xf32, #tpu.memory_space<vmem_shared>> -> memref<10240xf32, #tpu.memory_space<vmem_shared>>
      tpu.wait_indirect_dma semaphore(%arg8 : memref<!tpu.dma_semaphore, #tpu.memory_space<semaphore_mem>>) src(%arg5 : memref<80xf32, #tpu.memory_space<vmem>>) dst(%dma_wait3A_77 : memref<10240xf32, #tpu.memory_space<vmem_shared>>)
      %dma_wait3A_78 = arith.constant 4 : i32
      %dma_wait3A_79 = arith.constant 0 : i32
      %dma_wait3A_80 = tpu.memref_slice %arg4[%scan3A_24, %dma_wait3A_78, %dma_wait3A_79] : memref<25x5x80xi32, #tpu.memory_space<vmem>> -> memref<1x1x80xi32, #tpu.memory_space<vmem>>
      %dma_wait3A_81 = tpu.memref_squeeze %dma_wait3A_80 : memref<1x1x80xi32, #tpu.memory_space<vmem>> -> memref<80xi32, #tpu.memory_space<vmem>>
      %dma_wait3A_82 = arith.constant 0 : i32
      %dma_wait3A_83 = tpu.memref_slice %arg7[%dma_wait3A_82] : memref<10240xf32, #tpu.memory_space<vmem_shared>> -> memref<10240xf32, #tpu.memory_space<vmem_shared>>
      tpu.wait_indirect_dma semaphore(%arg8 : memref<!tpu.dma_semaphore, #tpu.memory_space<semaphore_mem>>) src(%arg5 : memref<80xf32, #tpu.memory_space<vmem>>) dst(%dma_wait3A_83 : memref<10240xf32, #tpu.memory_space<vmem_shared>>)
      %scan3A_84 = arith.constant 0 : i32
      scf.yield %scan3A_84 : i32
    }
    %scan3A_22 = arith.constant 25 : i32
    %barrier3A_23 = arith.constant 0 : index
    tpu.barrier barrier_id(%barrier3A_23)
    "tpu.region"() ({
      %run_scoped3A_24 = tpu.sem_alloc : memref<!tpu.dma_semaphore, #tpu.memory_space<semaphore_mem>>
      %dma_start3A = tpu.memref_slice %arg3[%arg0, %mul3A_2] : memref<2x10240xf32, #tpu.memory_space<hbm>> -> memref<1x640xf32, #tpu.memory_space<hbm>>
      %dma_start3A_25 = tpu.memref_squeeze %dma_start3A : memref<1x640xf32, #tpu.memory_space<hbm>> -> memref<640xf32, #tpu.memory_space<hbm>>
      %dma_start3A_26 = tpu.memref_slice %arg7[%mul3A_2] : memref<10240xf32, #tpu.memory_space<vmem_shared>> -> memref<640xf32, #tpu.memory_space<vmem_shared>>
      tpu.enqueue_dma source(%dma_start3A_26 : memref<640xf32, #tpu.memory_space<vmem_shared>>) target(%dma_start3A_25 : memref<640xf32, #tpu.memory_space<hbm>>) target_semaphore(%run_scoped3A_24 : memref<!tpu.dma_semaphore, #tpu.memory_space<semaphore_mem>>)
      %dma_wait3A = tpu.memref_slice %arg3[%arg0, %mul3A_2] : memref<2x10240xf32, #tpu.memory_space<hbm>> -> memref<1x640xf32, #tpu.memory_space<hbm>>
      %dma_wait3A_27 = tpu.memref_squeeze %dma_wait3A : memref<1x640xf32, #tpu.memory_space<hbm>> -> memref<640xf32, #tpu.memory_space<hbm>>
      %dma_wait3A_28 = tpu.memref_slice %arg7[%mul3A_2] : memref<10240xf32, #tpu.memory_space<vmem_shared>> -> memref<640xf32, #tpu.memory_space<vmem_shared>>
      tpu.wait_dma2 semaphore(%run_scoped3A_24 : memref<!tpu.dma_semaphore, #tpu.memory_space<semaphore_mem>>) src(%dma_wait3A_28 : memref<640xf32, #tpu.memory_space<vmem_shared>>) dst(%dma_wait3A_27 : memref<640xf32, #tpu.memory_space<hbm>>)
      tpu.yield
    }) : () -> ()
    return
  }
}

#map = affine_map<(d0, d1) -> (0, 0, 0, 0, 0)>
#map1 = affine_map<(d0, d1) -> (0, 0)>
#map2 = affine_map<(d0, d1) -> (0, 0, 0)>
module attributes {stable_mosaic.version = 14 : i64} {
  func.func @_aggregate(%arg0: i32, %arg1: i32, %arg2: memref<2x32x25x5x80xi32, #tpu.memory_space<hbm>>, %arg3: memref<10240x128xf32, #tpu.memory_space<hbm>>, %arg4: memref<2x10240x128xf32, #tpu.memory_space<hbm>>, %arg5: memref<2x5x80xi32, #tpu.memory_space<vmem>>, %arg6: memref<2x5x80xi32, #tpu.memory_space<vmem>>, %arg7: memref<3x80x128xf32, #tpu.memory_space<vmem>>, %arg8: memref<10240x128xf32, #tpu.memory_space<vmem_shared>>, %arg9: memref<!tpu.dma_semaphore, #tpu.memory_space<semaphore_mem>>, %arg10: memref<!tpu.dma_semaphore, #tpu.memory_space<semaphore_mem>>, %arg11: memref<!tpu.dma_semaphore, #tpu.memory_space<semaphore_mem>>, %arg12: memref<!tpu.dma_semaphore, #tpu.memory_space<semaphore_mem>>, %arg13: memref<!tpu.dma_semaphore, #tpu.memory_space<semaphore_mem>>, %arg14: memref<!tpu.dma_semaphore, #tpu.memory_space<semaphore_mem>>) attributes {dimension_semantics = [#tpu.dimension_semantics<core_parallel>, #tpu.dimension_semantics<subcore_parallel>], iteration_bounds = array<i64: 2, 16>, scalar_prefetch = 0 : i64, scratch_operands = 10 : i64, tpu.core_type = #tpu.core_type<sc_vector_subcore>, window_params = [{transform_indices = #map}, {transform_indices = #map1}, {transform_indices = #map2}]} {
    %mul3A = arith.constant 2 : i32
    %mul3A_0 = arith.muli %arg1, %mul3A : i32
    %add3A = arith.addi %mul3A_0, %arg0 : i32
    %mul3A_1 = arith.constant 640 : i32
    %mul3A_2 = arith.muli %arg1, %mul3A_1 : i32
    %eq3A = arith.constant 0 : i32
    %eq3A_3 = arith.cmpi eq, %arg0, %eq3A : i32
    %convert_element_type3A = arith.extui %eq3A_3 : i1 to i32
    %cond3A = arith.constant 0 : i32
    %cond3A_4 = arith.cmpi ne, %convert_element_type3A, %cond3A : i32
    scf.if %cond3A_4 {
      "tpu.region"() ({
        %run_scoped3A_279 = tpu.sem_alloc : memref<!tpu.dma_semaphore, #tpu.memory_space<semaphore_mem>>
        %dma_start3A_280 = arith.constant 0 : i32
        %dma_start3A_281 = tpu.memref_slice %arg8[%mul3A_2, %dma_start3A_280] : memref<10240x128xf32, #tpu.memory_space<vmem_shared>> -> memref<640x128xf32, #tpu.memory_space<vmem_shared>>
        %dma_start3A_282 = arith.constant 0 : i32
        %dma_start3A_283 = tpu.memref_slice %arg3[%mul3A_2, %dma_start3A_282] : memref<10240x128xf32, #tpu.memory_space<hbm>> -> memref<640x128xf32, #tpu.memory_space<hbm>>
        tpu.enqueue_dma source(%dma_start3A_283 : memref<640x128xf32, #tpu.memory_space<hbm>>) target(%dma_start3A_281 : memref<640x128xf32, #tpu.memory_space<vmem_shared>>) target_semaphore(%run_scoped3A_279 : memref<!tpu.dma_semaphore, #tpu.memory_space<semaphore_mem>>)
        %dma_wait3A_284 = arith.constant 0 : i32
        %dma_wait3A_285 = tpu.memref_slice %arg8[%mul3A_2, %dma_wait3A_284] : memref<10240x128xf32, #tpu.memory_space<vmem_shared>> -> memref<640x128xf32, #tpu.memory_space<vmem_shared>>
        %dma_wait3A_286 = arith.constant 0 : i32
        %dma_wait3A_287 = tpu.memref_slice %arg3[%mul3A_2, %dma_wait3A_286] : memref<10240x128xf32, #tpu.memory_space<hbm>> -> memref<640x128xf32, #tpu.memory_space<hbm>>
        tpu.wait_dma2 semaphore(%run_scoped3A_279 : memref<!tpu.dma_semaphore, #tpu.memory_space<semaphore_mem>>) src(%dma_wait3A_287 : memref<640x128xf32, #tpu.memory_space<hbm>>) dst(%dma_wait3A_285 : memref<640x128xf32, #tpu.memory_space<vmem_shared>>)
        tpu.yield
      }) : () -> ()
    } else {
    }
    %ne3A = arith.constant 0 : i32
    %ne3A_5 = arith.cmpi ne, %arg0, %ne3A : i32
    %convert_element_type3A_6 = arith.extui %ne3A_5 : i1 to i32
    %cond3A_7 = arith.constant 0 : i32
    %cond3A_8 = arith.cmpi ne, %convert_element_type3A_6, %cond3A_7 : i32
    scf.if %cond3A_8 {
      %scan3A_279 = arith.constant 0 : i32
      %scan3A_280 = arith.constant 0 : i32
      %scan3A_281 = arith.constant 80 : i32
      %scan3A_282 = arith.addi %scan3A_280, %scan3A_281 : i32
      %scan3A_283 = arith.constant 1 : i32
      %scan3A_284 = scf.for %scan3A_293 = %scan3A_280 to %scan3A_282 step %scan3A_283 iter_args(%scan3A_294 = %scan3A_279) -> (i32)  : i32 {
        %scan3A_295 = arith.constant 0 : i32
        %scan3A_296 = arith.constant 0 : i32
        %scan3A_297 = arith.constant 8 : i32
        %scan3A_298 = arith.addi %scan3A_296, %scan3A_297 : i32
        %scan3A_299 = arith.constant 1 : i32
        %scan3A_300 = scf.for %scan3A_303 = %scan3A_296 to %scan3A_298 step %scan3A_299 iter_args(%scan3A_304 = %scan3A_295) -> (i32)  : i32 {
          %broadcast_in_dim3A = arith.constant 0.000000e+00 : f32
          %broadcast_in_dim3A_305 = vector.broadcast %broadcast_in_dim3A : f32 to vector<16xf32>
          %mul3A_306 = arith.constant 16 : i32
          %mul3A_307 = arith.muli %scan3A_303, %mul3A_306 : i32
          %swap3A = arith.constant 0 : i32
          %swap3A_308 = arith.index_cast %swap3A : i32 to index
          %swap3A_309 = arith.index_cast %scan3A_293 : i32 to index
          %swap3A_310 = arith.index_cast %mul3A_307 : i32 to index
          %swap3A_311 = tpu.vector_load %arg7[%swap3A_308, %swap3A_309, %swap3A_310] {strides = array<i32>} : memref<3x80x128xf32, #tpu.memory_space<vmem>>, vector<1x1x16xf32>,
          %swap3A_312 = vector.shape_cast %swap3A_311 : vector<1x1x16xf32> to vector<16xf32>
          %swap3A_313 = vector.shape_cast %broadcast_in_dim3A_305 : vector<16xf32> to vector<1x1x16xf32>
          tpu.vector_store %arg7[%swap3A_308, %swap3A_309, %swap3A_310], %swap3A_313 {strides = array<i32>} : memref<3x80x128xf32, #tpu.memory_space<vmem>>, vector<1x1x16xf32>,
          %scan3A_314 = arith.constant 0 : i32
          scf.yield %scan3A_314 : i32
        }
        %scan3A_301 = arith.constant 8 : i32
        %scan3A_302 = arith.constant 0 : i32
        scf.yield %scan3A_302 : i32
      }
      %scan3A_285 = arith.constant 80 : i32
      %scan3A_286 = arith.constant 0 : i32
      %scan3A_287 = arith.constant 0 : i32
      %scan3A_288 = arith.constant 8 : i32
      %scan3A_289 = arith.addi %scan3A_287, %scan3A_288 : i32
      %scan3A_290 = arith.constant 1 : i32
      %scan3A_291 = scf.for %scan3A_293 = %scan3A_287 to %scan3A_289 step %scan3A_290 iter_args(%scan3A_294 = %scan3A_286) -> (i32)  : i32 {
        %mul3A_295 = arith.constant 80 : i32
        %mul3A_296 = arith.muli %scan3A_293, %mul3A_295 : i32
        %add3A_297 = arith.addi %mul3A_2, %mul3A_296 : i32
        %run_scoped3A_298 = arith.constant 0 : i32
        "tpu.region"() ({
          %run_scoped3A_300 = tpu.sem_alloc : memref<!tpu.dma_semaphore, #tpu.memory_space<semaphore_mem>>
          %dma_start3A_301 = arith.constant 0 : i32
          %dma_start3A_302 = arith.constant 0 : i32
          %dma_start3A_303 = tpu.memref_slice %arg7[%run_scoped3A_298, %dma_start3A_301, %dma_start3A_302] : memref<3x80x128xf32, #tpu.memory_space<vmem>> -> memref<1x80x128xf32, #tpu.memory_space<vmem>>
          %dma_start3A_304 = tpu.memref_squeeze %dma_start3A_303 : memref<1x80x128xf32, #tpu.memory_space<vmem>> -> memref<80x128xf32, #tpu.memory_space<vmem>>
          %dma_start3A_305 = arith.constant 0 : i32
          %dma_start3A_306 = tpu.memref_slice %arg8[%add3A_297, %dma_start3A_305] : memref<10240x128xf32, #tpu.memory_space<vmem_shared>> -> memref<80x128xf32, #tpu.memory_space<vmem_shared>>
          %dma_start3A_307 = arith.constant 0 : i32
          %dma_start3A_308 = tpu.memref_slice %arg8[%add3A_297, %dma_start3A_307] : memref<10240x128xf32, #tpu.memory_space<vmem_shared>> -> memref<80x128xf32, #tpu.memory_space<vmem_shared>>
          %dma_start3A_309 = arith.constant 0 : i32
          %dma_start3A_310 = arith.constant 0 : i32
          %dma_start3A_311 = tpu.memref_slice %arg7[%run_scoped3A_298, %dma_start3A_309, %dma_start3A_310] : memref<3x80x128xf32, #tpu.memory_space<vmem>> -> memref<1x80x128xf32, #tpu.memory_space<vmem>>
          %dma_start3A_312 = tpu.memref_squeeze %dma_start3A_311 : memref<1x80x128xf32, #tpu.memory_space<vmem>> -> memref<80x128xf32, #tpu.memory_space<vmem>>
          tpu.enqueue_dma source(%dma_start3A_312 : memref<80x128xf32, #tpu.memory_space<vmem>>) target(%dma_start3A_308 : memref<80x128xf32, #tpu.memory_space<vmem_shared>>) target_semaphore(%run_scoped3A_300 : memref<!tpu.dma_semaphore, #tpu.memory_space<semaphore_mem>>)
          %dma_wait3A_313 = arith.constant 0 : i32
          %dma_wait3A_314 = arith.constant 0 : i32
          %dma_wait3A_315 = tpu.memref_slice %arg7[%run_scoped3A_298, %dma_wait3A_313, %dma_wait3A_314] : memref<3x80x128xf32, #tpu.memory_space<vmem>> -> memref<1x80x128xf32, #tpu.memory_space<vmem>>
          %dma_wait3A_316 = tpu.memref_squeeze %dma_wait3A_315 : memref<1x80x128xf32, #tpu.memory_space<vmem>> -> memref<80x128xf32, #tpu.memory_space<vmem>>
          %dma_wait3A_317 = arith.constant 0 : i32
          %dma_wait3A_318 = tpu.memref_slice %arg8[%add3A_297, %dma_wait3A_317] : memref<10240x128xf32, #tpu.memory_space<vmem_shared>> -> memref<80x128xf32, #tpu.memory_space<vmem_shared>>
          %dma_wait3A_319 = arith.constant 0 : i32
          %dma_wait3A_320 = tpu.memref_slice %arg8[%add3A_297, %dma_wait3A_319] : memref<10240x128xf32, #tpu.memory_space<vmem_shared>> -> memref<80x128xf32, #tpu.memory_space<vmem_shared>>
          %dma_wait3A_321 = arith.constant 0 : i32
          %dma_wait3A_322 = arith.constant 0 : i32
          %dma_wait3A_323 = tpu.memref_slice %arg7[%run_scoped3A_298, %dma_wait3A_321, %dma_wait3A_322] : memref<3x80x128xf32, #tpu.memory_space<vmem>> -> memref<1x80x128xf32, #tpu.memory_space<vmem>>
          %dma_wait3A_324 = tpu.memref_squeeze %dma_wait3A_323 : memref<1x80x128xf32, #tpu.memory_space<vmem>> -> memref<80x128xf32, #tpu.memory_space<vmem>>
          tpu.wait_dma2 semaphore(%run_scoped3A_300 : memref<!tpu.dma_semaphore, #tpu.memory_space<semaphore_mem>>) src(%dma_wait3A_324 : memref<80x128xf32, #tpu.memory_space<vmem>>) dst(%dma_wait3A_320 : memref<80x128xf32, #tpu.memory_space<vmem_shared>>)
          tpu.yield
        }) : () -> ()
        %scan3A_299 = arith.constant 0 : i32
        scf.yield %scan3A_299 : i32
      }
      %scan3A_292 = arith.constant 8 : i32
    } else {
    }
    %barrier3A = arith.constant 0 : index
    tpu.barrier barrier_id(%barrier3A)
    %scan3A = arith.constant 0 : i32
    %scan3A_9 = arith.constant 0 : i32
    %scan3A_10 = arith.constant 12 : i32
    %scan3A_11 = arith.addi %scan3A_9, %scan3A_10 : i32
    %scan3A_12 = arith.constant 1 : i32
    %scan3A_13 = scf.for %scan3A_279 = %scan3A_9 to %scan3A_11 step %scan3A_12 iter_args(%scan3A_280 = %scan3A) -> (i32)  : i32 {
      %mul3A_281 = arith.constant 2 : i32
      %mul3A_282 = arith.muli %mul3A_281, %scan3A_279 : i32
      %run_scoped3A_283 = arith.constant 0 : i32
      "tpu.region"() ({
        %run_scoped3A_808 = tpu.sem_alloc : memref<!tpu.dma_semaphore, #tpu.memory_space<semaphore_mem>>
        %dma_start3A_809 = arith.constant 0 : i32
        %dma_start3A_810 = arith.constant 0 : i32
        %dma_start3A_811 = tpu.memref_slice %arg2[%run_scoped3A_283, %add3A, %mul3A_282, %dma_start3A_809, %dma_start3A_810] : memref<2x32x25x5x80xi32, #tpu.memory_space<hbm>> -> memref<1x1x2x5x80xi32, #tpu.memory_space<hbm>>
        %dma_start3A_812 = tpu.memref_squeeze %dma_start3A_811 : memref<1x1x2x5x80xi32, #tpu.memory_space<hbm>> -> memref<2x5x80xi32, #tpu.memory_space<hbm>>
        %dma_start3A_813 = arith.constant 0 : i32
        %dma_start3A_814 = arith.constant 0 : i32
        %dma_start3A_815 = tpu.memref_slice %arg2[%run_scoped3A_283, %add3A, %mul3A_282, %dma_start3A_813, %dma_start3A_814] : memref<2x32x25x5x80xi32, #tpu.memory_space<hbm>> -> memref<1x1x2x5x80xi32, #tpu.memory_space<hbm>>
        %dma_start3A_816 = tpu.memref_squeeze %dma_start3A_815 : memref<1x1x2x5x80xi32, #tpu.memory_space<hbm>> -> memref<2x5x80xi32, #tpu.memory_space<hbm>>
        tpu.enqueue_dma source(%dma_start3A_816 : memref<2x5x80xi32, #tpu.memory_space<hbm>>) target(%arg5 : memref<2x5x80xi32, #tpu.memory_space<vmem>>) target_semaphore(%run_scoped3A_808 : memref<!tpu.dma_semaphore, #tpu.memory_space<semaphore_mem>>)
        %dma_wait3A_817 = arith.constant 0 : i32
        %dma_wait3A_818 = arith.constant 0 : i32
        %dma_wait3A_819 = tpu.memref_slice %arg2[%run_scoped3A_283, %add3A, %mul3A_282, %dma_wait3A_817, %dma_wait3A_818] : memref<2x32x25x5x80xi32, #tpu.memory_space<hbm>> -> memref<1x1x2x5x80xi32, #tpu.memory_space<hbm>>
        %dma_wait3A_820 = tpu.memref_squeeze %dma_wait3A_819 : memref<1x1x2x5x80xi32, #tpu.memory_space<hbm>> -> memref<2x5x80xi32, #tpu.memory_space<hbm>>
        %dma_wait3A_821 = arith.constant 0 : i32
        %dma_wait3A_822 = arith.constant 0 : i32
        %dma_wait3A_823 = tpu.memref_slice %arg2[%run_scoped3A_283, %add3A, %mul3A_282, %dma_wait3A_821, %dma_wait3A_822] : memref<2x32x25x5x80xi32, #tpu.memory_space<hbm>> -> memref<1x1x2x5x80xi32, #tpu.memory_space<hbm>>
        %dma_wait3A_824 = tpu.memref_squeeze %dma_wait3A_823 : memref<1x1x2x5x80xi32, #tpu.memory_space<hbm>> -> memref<2x5x80xi32, #tpu.memory_space<hbm>>
        tpu.wait_dma2 semaphore(%run_scoped3A_808 : memref<!tpu.dma_semaphore, #tpu.memory_space<semaphore_mem>>) src(%dma_wait3A_824 : memref<2x5x80xi32, #tpu.memory_space<hbm>>) dst(%arg5 : memref<2x5x80xi32, #tpu.memory_space<vmem>>)
        tpu.yield
      }) : () -> ()
      %mul3A_284 = arith.constant 2 : i32
      %mul3A_285 = arith.muli %mul3A_284, %scan3A_279 : i32
      %run_scoped3A_286 = arith.constant 1 : i32
      "tpu.region"() ({
        %run_scoped3A_808 = tpu.sem_alloc : memref<!tpu.dma_semaphore, #tpu.memory_space<semaphore_mem>>
        %dma_start3A_809 = arith.constant 0 : i32
        %dma_start3A_810 = arith.constant 0 : i32
        %dma_start3A_811 = tpu.memref_slice %arg2[%run_scoped3A_286, %add3A, %mul3A_285, %dma_start3A_809, %dma_start3A_810] : memref<2x32x25x5x80xi32, #tpu.memory_space<hbm>> -> memref<1x1x2x5x80xi32, #tpu.memory_space<hbm>>
        %dma_start3A_812 = tpu.memref_squeeze %dma_start3A_811 : memref<1x1x2x5x80xi32, #tpu.memory_space<hbm>> -> memref<2x5x80xi32, #tpu.memory_space<hbm>>
        %dma_start3A_813 = arith.constant 0 : i32
        %dma_start3A_814 = arith.constant 0 : i32
        %dma_start3A_815 = tpu.memref_slice %arg2[%run_scoped3A_286, %add3A, %mul3A_285, %dma_start3A_813, %dma_start3A_814] : memref<2x32x25x5x80xi32, #tpu.memory_space<hbm>> -> memref<1x1x2x5x80xi32, #tpu.memory_space<hbm>>
        %dma_start3A_816 = tpu.memref_squeeze %dma_start3A_815 : memref<1x1x2x5x80xi32, #tpu.memory_space<hbm>> -> memref<2x5x80xi32, #tpu.memory_space<hbm>>
        tpu.enqueue_dma source(%dma_start3A_816 : memref<2x5x80xi32, #tpu.memory_space<hbm>>) target(%arg6 : memref<2x5x80xi32, #tpu.memory_space<vmem>>) target_semaphore(%run_scoped3A_808 : memref<!tpu.dma_semaphore, #tpu.memory_space<semaphore_mem>>)
        %dma_wait3A_817 = arith.constant 0 : i32
        %dma_wait3A_818 = arith.constant 0 : i32
        %dma_wait3A_819 = tpu.memref_slice %arg2[%run_scoped3A_286, %add3A, %mul3A_285, %dma_wait3A_817, %dma_wait3A_818] : memref<2x32x25x5x80xi32, #tpu.memory_space<hbm>> -> memref<1x1x2x5x80xi32, #tpu.memory_space<hbm>>
        %dma_wait3A_820 = tpu.memref_squeeze %dma_wait3A_819 : memref<1x1x2x5x80xi32, #tpu.memory_space<hbm>> -> memref<2x5x80xi32, #tpu.memory_space<hbm>>
        %dma_wait3A_821 = arith.constant 0 : i32
        %dma_wait3A_822 = arith.constant 0 : i32
        %dma_wait3A_823 = tpu.memref_slice %arg2[%run_scoped3A_286, %add3A, %mul3A_285, %dma_wait3A_821, %dma_wait3A_822] : memref<2x32x25x5x80xi32, #tpu.memory_space<hbm>> -> memref<1x1x2x5x80xi32, #tpu.memory_space<hbm>>
        %dma_wait3A_824 = tpu.memref_squeeze %dma_wait3A_823 : memref<1x1x2x5x80xi32, #tpu.memory_space<hbm>> -> memref<2x5x80xi32, #tpu.memory_space<hbm>>
        tpu.wait_dma2 semaphore(%run_scoped3A_808 : memref<!tpu.dma_semaphore, #tpu.memory_space<semaphore_mem>>) src(%dma_wait3A_824 : memref<2x5x80xi32, #tpu.memory_space<hbm>>) dst(%arg6 : memref<2x5x80xi32, #tpu.memory_space<vmem>>)
        tpu.yield
      }) : () -> ()
      %dma_start3A_287 = arith.constant 0 : i32
      %dma_start3A_288 = arith.constant 0 : i32
      %dma_start3A_289 = arith.constant 0 : i32
      %dma_start3A_290 = arith.constant 0 : i32
      %dma_start3A_291 = arith.constant 0 : i32
      %dma_start3A_292 = tpu.memref_slice %arg7[%dma_start3A_289, %dma_start3A_290, %dma_start3A_291] : memref<3x80x128xf32, #tpu.memory_space<vmem>> -> memref<1x80x128xf32, #tpu.memory_space<vmem>>
      %dma_start3A_293 = tpu.memref_squeeze %dma_start3A_292 : memref<1x80x128xf32, #tpu.memory_space<vmem>> -> memref<80x128xf32, #tpu.memory_space<vmem>>
      %dma_start3A_294 = arith.constant 0 : i32
      %dma_start3A_295 = tpu.memref_slice %arg5[%dma_start3A_287, %dma_start3A_288, %dma_start3A_294] : memref<2x5x80xi32, #tpu.memory_space<vmem>> -> memref<1x1x80xi32, #tpu.memory_space<vmem>>
      %dma_start3A_296 = tpu.memref_squeeze %dma_start3A_295 : memref<1x1x80xi32, #tpu.memory_space<vmem>> -> memref<80xi32, #tpu.memory_space<vmem>>
      %dma_start3A_297 = arith.constant 0 : i32
      %dma_start3A_298 = arith.constant 0 : i32
      %dma_start3A_299 = tpu.memref_slice %arg3[%dma_start3A_297, %dma_start3A_298] : memref<10240x128xf32, #tpu.memory_space<hbm>> -> memref<10240x128xf32, #tpu.memory_space<hbm>>
      tpu.enqueue_indirect_dma source(%dma_start3A_299 : memref<10240x128xf32, #tpu.memory_space<hbm>>) target(%dma_start3A_293 : memref<80x128xf32, #tpu.memory_space<vmem>>) offsets(%dma_start3A_296 : memref<80xi32, #tpu.memory_space<vmem>>) semaphore(%arg9 : memref<!tpu.dma_semaphore, #tpu.memory_space<semaphore_mem>>)
      %dma_start3A_300 = arith.constant 0 : i32
      %dma_start3A_301 = arith.constant 1 : i32
      %dma_start3A_302 = arith.constant 1 : i32
      %dma_start3A_303 = arith.constant 0 : i32
      %dma_start3A_304 = arith.constant 0 : i32
      %dma_start3A_305 = tpu.memref_slice %arg7[%dma_start3A_302, %dma_start3A_303, %dma_start3A_304] : memref<3x80x128xf32, #tpu.memory_space<vmem>> -> memref<1x80x128xf32, #tpu.memory_space<vmem>>
      %dma_start3A_306 = tpu.memref_squeeze %dma_start3A_305 : memref<1x80x128xf32, #tpu.memory_space<vmem>> -> memref<80x128xf32, #tpu.memory_space<vmem>>
      %dma_start3A_307 = arith.constant 0 : i32
      %dma_start3A_308 = tpu.memref_slice %arg5[%dma_start3A_300, %dma_start3A_301, %dma_start3A_307] : memref<2x5x80xi32, #tpu.memory_space<vmem>> -> memref<1x1x80xi32, #tpu.memory_space<vmem>>
      %dma_start3A_309 = tpu.memref_squeeze %dma_start3A_308 : memref<1x1x80xi32, #tpu.memory_space<vmem>> -> memref<80xi32, #tpu.memory_space<vmem>>
      %dma_start3A_310 = arith.constant 0 : i32
      %dma_start3A_311 = arith.constant 0 : i32
      %dma_start3A_312 = tpu.memref_slice %arg3[%dma_start3A_310, %dma_start3A_311] : memref<10240x128xf32, #tpu.memory_space<hbm>> -> memref<10240x128xf32, #tpu.memory_space<hbm>>
      tpu.enqueue_indirect_dma source(%dma_start3A_312 : memref<10240x128xf32, #tpu.memory_space<hbm>>) target(%dma_start3A_306 : memref<80x128xf32, #tpu.memory_space<vmem>>) offsets(%dma_start3A_309 : memref<80xi32, #tpu.memory_space<vmem>>) semaphore(%arg10 : memref<!tpu.dma_semaphore, #tpu.memory_space<semaphore_mem>>)
      %dma_start3A_313 = arith.constant 0 : i32
      %dma_start3A_314 = arith.constant 2 : i32
      %dma_start3A_315 = arith.constant 2 : i32
      %dma_start3A_316 = arith.constant 0 : i32
      %dma_start3A_317 = arith.constant 0 : i32
      %dma_start3A_318 = tpu.memref_slice %arg7[%dma_start3A_315, %dma_start3A_316, %dma_start3A_317] : memref<3x80x128xf32, #tpu.memory_space<vmem>> -> memref<1x80x128xf32, #tpu.memory_space<vmem>>
      %dma_start3A_319 = tpu.memref_squeeze %dma_start3A_318 : memref<1x80x128xf32, #tpu.memory_space<vmem>> -> memref<80x128xf32, #tpu.memory_space<vmem>>
      %dma_start3A_320 = arith.constant 0 : i32
      %dma_start3A_321 = tpu.memref_slice %arg5[%dma_start3A_313, %dma_start3A_314, %dma_start3A_320] : memref<2x5x80xi32, #tpu.memory_space<vmem>> -> memref<1x1x80xi32, #tpu.memory_space<vmem>>
      %dma_start3A_322 = tpu.memref_squeeze %dma_start3A_321 : memref<1x1x80xi32, #tpu.memory_space<vmem>> -> memref<80xi32, #tpu.memory_space<vmem>>
      %dma_start3A_323 = arith.constant 0 : i32
      %dma_start3A_324 = arith.constant 0 : i32
      %dma_start3A_325 = tpu.memref_slice %arg3[%dma_start3A_323, %dma_start3A_324] : memref<10240x128xf32, #tpu.memory_space<hbm>> -> memref<10240x128xf32, #tpu.memory_space<hbm>>
      tpu.enqueue_indirect_dma source(%dma_start3A_325 : memref<10240x128xf32, #tpu.memory_space<hbm>>) target(%dma_start3A_319 : memref<80x128xf32, #tpu.memory_space<vmem>>) offsets(%dma_start3A_322 : memref<80xi32, #tpu.memory_space<vmem>>) semaphore(%arg11 : memref<!tpu.dma_semaphore, #tpu.memory_space<semaphore_mem>>)
      %dma_wait3A_326 = arith.constant 0 : i32
      %dma_wait3A_327 = arith.constant 0 : i32
      %dma_wait3A_328 = arith.constant 0 : i32
      %dma_wait3A_329 = arith.constant 0 : i32
      %dma_wait3A_330 = arith.constant 0 : i32
      %dma_wait3A_331 = tpu.memref_slice %arg7[%dma_wait3A_328, %dma_wait3A_329, %dma_wait3A_330] : memref<3x80x128xf32, #tpu.memory_space<vmem>> -> memref<1x80x128xf32, #tpu.memory_space<vmem>>
      %dma_wait3A_332 = tpu.memref_squeeze %dma_wait3A_331 : memref<1x80x128xf32, #tpu.memory_space<vmem>> -> memref<80x128xf32, #tpu.memory_space<vmem>>
      %dma_wait3A_333 = arith.constant 0 : i32
      %dma_wait3A_334 = tpu.memref_slice %arg5[%dma_wait3A_326, %dma_wait3A_327, %dma_wait3A_333] : memref<2x5x80xi32, #tpu.memory_space<vmem>> -> memref<1x1x80xi32, #tpu.memory_space<vmem>>
      %dma_wait3A_335 = tpu.memref_squeeze %dma_wait3A_334 : memref<1x1x80xi32, #tpu.memory_space<vmem>> -> memref<80xi32, #tpu.memory_space<vmem>>
      %dma_wait3A_336 = arith.constant 0 : i32
      %dma_wait3A_337 = arith.constant 0 : i32
      %dma_wait3A_338 = tpu.memref_slice %arg3[%dma_wait3A_336, %dma_wait3A_337] : memref<10240x128xf32, #tpu.memory_space<hbm>> -> memref<10240x128xf32, #tpu.memory_space<hbm>>
      tpu.wait_indirect_dma semaphore(%arg9 : memref<!tpu.dma_semaphore, #tpu.memory_space<semaphore_mem>>) src(%dma_wait3A_338 : memref<10240x128xf32, #tpu.memory_space<hbm>>) dst(%dma_wait3A_332 : memref<80x128xf32, #tpu.memory_space<vmem>>)
      %dma_start3A_339 = arith.constant 0 : i32
      %dma_start3A_340 = arith.constant 0 : i32
      %dma_start3A_341 = arith.constant 0 : i32
      %dma_start3A_342 = arith.constant 0 : i32
      %dma_start3A_343 = arith.constant 0 : i32
      %dma_start3A_344 = tpu.memref_slice %arg7[%dma_start3A_339, %dma_start3A_342, %dma_start3A_343] : memref<3x80x128xf32, #tpu.memory_space<vmem>> -> memref<1x80x128xf32, #tpu.memory_space<vmem>>
      %dma_start3A_345 = tpu.memref_squeeze %dma_start3A_344 : memref<1x80x128xf32, #tpu.memory_space<vmem>> -> memref<80x128xf32, #tpu.memory_space<vmem>>
      %dma_start3A_346 = arith.constant 0 : i32
      %dma_start3A_347 = tpu.memref_slice %arg6[%dma_start3A_340, %dma_start3A_341, %dma_start3A_346] : memref<2x5x80xi32, #tpu.memory_space<vmem>> -> memref<1x1x80xi32, #tpu.memory_space<vmem>>
      %dma_start3A_348 = tpu.memref_squeeze %dma_start3A_347 : memref<1x1x80xi32, #tpu.memory_space<vmem>> -> memref<80xi32, #tpu.memory_space<vmem>>
      %dma_start3A_349 = arith.constant 0 : i32
      %dma_start3A_350 = arith.constant 0 : i32
      %dma_start3A_351 = tpu.memref_slice %arg8[%dma_start3A_349, %dma_start3A_350] : memref<10240x128xf32, #tpu.memory_space<vmem_shared>> -> memref<10240x128xf32, #tpu.memory_space<vmem_shared>>
      tpu.enqueue_indirect_dma source(%dma_start3A_345 : memref<80x128xf32, #tpu.memory_space<vmem>>) target(%dma_start3A_351 : memref<10240x128xf32, #tpu.memory_space<vmem_shared>>) offsets(%dma_start3A_348 : memref<80xi32, #tpu.memory_space<vmem>>) semaphore(%arg12 : memref<!tpu.dma_semaphore, #tpu.memory_space<semaphore_mem>>) {add = true}
      %dma_wait3A_352 = arith.constant 0 : i32
      %dma_wait3A_353 = arith.constant 0 : i32
      %dma_wait3A_354 = arith.constant 0 : i32
      %dma_wait3A_355 = arith.constant 0 : i32
      %dma_wait3A_356 = arith.constant 0 : i32
      %dma_wait3A_357 = tpu.memref_slice %arg7[%dma_wait3A_352, %dma_wait3A_355, %dma_wait3A_356] : memref<3x80x128xf32, #tpu.memory_space<vmem>> -> memref<1x80x128xf32, #tpu.memory_space<vmem>>
      %dma_wait3A_358 = tpu.memref_squeeze %dma_wait3A_357 : memref<1x80x128xf32, #tpu.memory_space<vmem>> -> memref<80x128xf32, #tpu.memory_space<vmem>>
      %dma_wait3A_359 = arith.constant 0 : i32
      %dma_wait3A_360 = tpu.memref_slice %arg6[%dma_wait3A_353, %dma_wait3A_354, %dma_wait3A_359] : memref<2x5x80xi32, #tpu.memory_space<vmem>> -> memref<1x1x80xi32, #tpu.memory_space<vmem>>
      %dma_wait3A_361 = tpu.memref_squeeze %dma_wait3A_360 : memref<1x1x80xi32, #tpu.memory_space<vmem>> -> memref<80xi32, #tpu.memory_space<vmem>>
      %dma_wait3A_362 = arith.constant 0 : i32
      %dma_wait3A_363 = arith.constant 0 : i32
      %dma_wait3A_364 = tpu.memref_slice %arg8[%dma_wait3A_362, %dma_wait3A_363] : memref<10240x128xf32, #tpu.memory_space<vmem_shared>> -> memref<10240x128xf32, #tpu.memory_space<vmem_shared>>
      tpu.wait_indirect_dma semaphore(%arg12 : memref<!tpu.dma_semaphore, #tpu.memory_space<semaphore_mem>>) src(%dma_wait3A_358 : memref<80x128xf32, #tpu.memory_space<vmem>>) dst(%dma_wait3A_364 : memref<10240x128xf32, #tpu.memory_space<vmem_shared>>)
      %dma_start3A_365 = arith.constant 0 : i32
      %dma_start3A_366 = arith.constant 3 : i32
      %dma_start3A_367 = arith.constant 0 : i32
      %dma_start3A_368 = arith.constant 0 : i32
      %dma_start3A_369 = arith.constant 0 : i32
      %dma_start3A_370 = tpu.memref_slice %arg7[%dma_start3A_367, %dma_start3A_368, %dma_start3A_369] : memref<3x80x128xf32, #tpu.memory_space<vmem>> -> memref<1x80x128xf32, #tpu.memory_space<vmem>>
      %dma_start3A_371 = tpu.memref_squeeze %dma_start3A_370 : memref<1x80x128xf32, #tpu.memory_space<vmem>> -> memref<80x128xf32, #tpu.memory_space<vmem>>
      %dma_start3A_372 = arith.constant 0 : i32
      %dma_start3A_373 = tpu.memref_slice %arg5[%dma_start3A_365, %dma_start3A_366, %dma_start3A_372] : memref<2x5x80xi32, #tpu.memory_space<vmem>> -> memref<1x1x80xi32, #tpu.memory_space<vmem>>
      %dma_start3A_374 = tpu.memref_squeeze %dma_start3A_373 : memref<1x1x80xi32, #tpu.memory_space<vmem>> -> memref<80xi32, #tpu.memory_space<vmem>>
      %dma_start3A_375 = arith.constant 0 : i32
      %dma_start3A_376 = arith.constant 0 : i32
      %dma_start3A_377 = tpu.memref_slice %arg3[%dma_start3A_375, %dma_start3A_376] : memref<10240x128xf32, #tpu.memory_space<hbm>> -> memref<10240x128xf32, #tpu.memory_space<hbm>>
      tpu.enqueue_indirect_dma source(%dma_start3A_377 : memref<10240x128xf32, #tpu.memory_space<hbm>>) target(%dma_start3A_371 : memref<80x128xf32, #tpu.memory_space<vmem>>) offsets(%dma_start3A_374 : memref<80xi32, #tpu.memory_space<vmem>>) semaphore(%arg9 : memref<!tpu.dma_semaphore, #tpu.memory_space<semaphore_mem>>)
      %dma_wait3A_378 = arith.constant 0 : i32
      %dma_wait3A_379 = arith.constant 1 : i32
      %dma_wait3A_380 = arith.constant 1 : i32
      %dma_wait3A_381 = arith.constant 0 : i32
      %dma_wait3A_382 = arith.constant 0 : i32
      %dma_wait3A_383 = tpu.memref_slice %arg7[%dma_wait3A_380, %dma_wait3A_381, %dma_wait3A_382] : memref<3x80x128xf32, #tpu.memory_space<vmem>> -> memref<1x80x128xf32, #tpu.memory_space<vmem>>
      %dma_wait3A_384 = tpu.memref_squeeze %dma_wait3A_383 : memref<1x80x128xf32, #tpu.memory_space<vmem>> -> memref<80x128xf32, #tpu.memory_space<vmem>>
      %dma_wait3A_385 = arith.constant 0 : i32
      %dma_wait3A_386 = tpu.memref_slice %arg5[%dma_wait3A_378, %dma_wait3A_379, %dma_wait3A_385] : memref<2x5x80xi32, #tpu.memory_space<vmem>> -> memref<1x1x80xi32, #tpu.memory_space<vmem>>
      %dma_wait3A_387 = tpu.memref_squeeze %dma_wait3A_386 : memref<1x1x80xi32, #tpu.memory_space<vmem>> -> memref<80xi32, #tpu.memory_space<vmem>>
      %dma_wait3A_388 = arith.constant 0 : i32
      %dma_wait3A_389 = arith.constant 0 : i32
      %dma_wait3A_390 = tpu.memref_slice %arg3[%dma_wait3A_388, %dma_wait3A_389] : memref<10240x128xf32, #tpu.memory_space<hbm>> -> memref<10240x128xf32, #tpu.memory_space<hbm>>
      tpu.wait_indirect_dma semaphore(%arg10 : memref<!tpu.dma_semaphore, #tpu.memory_space<semaphore_mem>>) src(%dma_wait3A_390 : memref<10240x128xf32, #tpu.memory_space<hbm>>) dst(%dma_wait3A_384 : memref<80x128xf32, #tpu.memory_space<vmem>>)
      %dma_start3A_391 = arith.constant 1 : i32
      %dma_start3A_392 = arith.constant 0 : i32
      %dma_start3A_393 = arith.constant 1 : i32
      %dma_start3A_394 = arith.constant 0 : i32
      %dma_start3A_395 = arith.constant 0 : i32
      %dma_start3A_396 = tpu.memref_slice %arg7[%dma_start3A_391, %dma_start3A_394, %dma_start3A_395] : memref<3x80x128xf32, #tpu.memory_space<vmem>> -> memref<1x80x128xf32, #tpu.memory_space<vmem>>
      %dma_start3A_397 = tpu.memref_squeeze %dma_start3A_396 : memref<1x80x128xf32, #tpu.memory_space<vmem>> -> memref<80x128xf32, #tpu.memory_space<vmem>>
      %dma_start3A_398 = arith.constant 0 : i32
      %dma_start3A_399 = tpu.memref_slice %arg6[%dma_start3A_392, %dma_start3A_393, %dma_start3A_398] : memref<2x5x80xi32, #tpu.memory_space<vmem>> -> memref<1x1x80xi32, #tpu.memory_space<vmem>>
      %dma_start3A_400 = tpu.memref_squeeze %dma_start3A_399 : memref<1x1x80xi32, #tpu.memory_space<vmem>> -> memref<80xi32, #tpu.memory_space<vmem>>
      %dma_start3A_401 = arith.constant 0 : i32
      %dma_start3A_402 = arith.constant 0 : i32
      %dma_start3A_403 = tpu.memref_slice %arg8[%dma_start3A_401, %dma_start3A_402] : memref<10240x128xf32, #tpu.memory_space<vmem_shared>> -> memref<10240x128xf32, #tpu.memory_space<vmem_shared>>
      tpu.enqueue_indirect_dma source(%dma_start3A_397 : memref<80x128xf32, #tpu.memory_space<vmem>>) target(%dma_start3A_403 : memref<10240x128xf32, #tpu.memory_space<vmem_shared>>) offsets(%dma_start3A_400 : memref<80xi32, #tpu.memory_space<vmem>>) semaphore(%arg13 : memref<!tpu.dma_semaphore, #tpu.memory_space<semaphore_mem>>) {add = true}
      %dma_wait3A_404 = arith.constant 1 : i32
      %dma_wait3A_405 = arith.constant 0 : i32
      %dma_wait3A_406 = arith.constant 1 : i32
      %dma_wait3A_407 = arith.constant 0 : i32
      %dma_wait3A_408 = arith.constant 0 : i32
      %dma_wait3A_409 = tpu.memref_slice %arg7[%dma_wait3A_404, %dma_wait3A_407, %dma_wait3A_408] : memref<3x80x128xf32, #tpu.memory_space<vmem>> -> memref<1x80x128xf32, #tpu.memory_space<vmem>>
      %dma_wait3A_410 = tpu.memref_squeeze %dma_wait3A_409 : memref<1x80x128xf32, #tpu.memory_space<vmem>> -> memref<80x128xf32, #tpu.memory_space<vmem>>
      %dma_wait3A_411 = arith.constant 0 : i32
      %dma_wait3A_412 = tpu.memref_slice %arg6[%dma_wait3A_405, %dma_wait3A_406, %dma_wait3A_411] : memref<2x5x80xi32, #tpu.memory_space<vmem>> -> memref<1x1x80xi32, #tpu.memory_space<vmem>>
      %dma_wait3A_413 = tpu.memref_squeeze %dma_wait3A_412 : memref<1x1x80xi32, #tpu.memory_space<vmem>> -> memref<80xi32, #tpu.memory_space<vmem>>
      %dma_wait3A_414 = arith.constant 0 : i32
      %dma_wait3A_415 = arith.constant 0 : i32
      %dma_wait3A_416 = tpu.memref_slice %arg8[%dma_wait3A_414, %dma_wait3A_415] : memref<10240x128xf32, #tpu.memory_space<vmem_shared>> -> memref<10240x128xf32, #tpu.memory_space<vmem_shared>>
      tpu.wait_indirect_dma semaphore(%arg13 : memref<!tpu.dma_semaphore, #tpu.memory_space<semaphore_mem>>) src(%dma_wait3A_410 : memref<80x128xf32, #tpu.memory_space<vmem>>) dst(%dma_wait3A_416 : memref<10240x128xf32, #tpu.memory_space<vmem_shared>>)
      %dma_start3A_417 = arith.constant 0 : i32
      %dma_start3A_418 = arith.constant 4 : i32
      %dma_start3A_419 = arith.constant 1 : i32
      %dma_start3A_420 = arith.constant 0 : i32
      %dma_start3A_421 = arith.constant 0 : i32
      %dma_start3A_422 = tpu.memref_slice %arg7[%dma_start3A_419, %dma_start3A_420, %dma_start3A_421] : memref<3x80x128xf32, #tpu.memory_space<vmem>> -> memref<1x80x128xf32, #tpu.memory_space<vmem>>
      %dma_start3A_423 = tpu.memref_squeeze %dma_start3A_422 : memref<1x80x128xf32, #tpu.memory_space<vmem>> -> memref<80x128xf32, #tpu.memory_space<vmem>>
      %dma_start3A_424 = arith.constant 0 : i32
      %dma_start3A_425 = tpu.memref_slice %arg5[%dma_start3A_417, %dma_start3A_418, %dma_start3A_424] : memref<2x5x80xi32, #tpu.memory_space<vmem>> -> memref<1x1x80xi32, #tpu.memory_space<vmem>>
      %dma_start3A_426 = tpu.memref_squeeze %dma_start3A_425 : memref<1x1x80xi32, #tpu.memory_space<vmem>> -> memref<80xi32, #tpu.memory_space<vmem>>
      %dma_start3A_427 = arith.constant 0 : i32
      %dma_start3A_428 = arith.constant 0 : i32
      %dma_start3A_429 = tpu.memref_slice %arg3[%dma_start3A_427, %dma_start3A_428] : memref<10240x128xf32, #tpu.memory_space<hbm>> -> memref<10240x128xf32, #tpu.memory_space<hbm>>
      tpu.enqueue_indirect_dma source(%dma_start3A_429 : memref<10240x128xf32, #tpu.memory_space<hbm>>) target(%dma_start3A_423 : memref<80x128xf32, #tpu.memory_space<vmem>>) offsets(%dma_start3A_426 : memref<80xi32, #tpu.memory_space<vmem>>) semaphore(%arg10 : memref<!tpu.dma_semaphore, #tpu.memory_space<semaphore_mem>>)
      %dma_wait3A_430 = arith.constant 0 : i32
      %dma_wait3A_431 = arith.constant 2 : i32
      %dma_wait3A_432 = arith.constant 2 : i32
      %dma_wait3A_433 = arith.constant 0 : i32
      %dma_wait3A_434 = arith.constant 0 : i32
      %dma_wait3A_435 = tpu.memref_slice %arg7[%dma_wait3A_432, %dma_wait3A_433, %dma_wait3A_434] : memref<3x80x128xf32, #tpu.memory_space<vmem>> -> memref<1x80x128xf32, #tpu.memory_space<vmem>>
      %dma_wait3A_436 = tpu.memref_squeeze %dma_wait3A_435 : memref<1x80x128xf32, #tpu.memory_space<vmem>> -> memref<80x128xf32, #tpu.memory_space<vmem>>
      %dma_wait3A_437 = arith.constant 0 : i32
      %dma_wait3A_438 = tpu.memref_slice %arg5[%dma_wait3A_430, %dma_wait3A_431, %dma_wait3A_437] : memref<2x5x80xi32, #tpu.memory_space<vmem>> -> memref<1x1x80xi32, #tpu.memory_space<vmem>>
      %dma_wait3A_439 = tpu.memref_squeeze %dma_wait3A_438 : memref<1x1x80xi32, #tpu.memory_space<vmem>> -> memref<80xi32, #tpu.memory_space<vmem>>
      %dma_wait3A_440 = arith.constant 0 : i32
      %dma_wait3A_441 = arith.constant 0 : i32
      %dma_wait3A_442 = tpu.memref_slice %arg3[%dma_wait3A_440, %dma_wait3A_441] : memref<10240x128xf32, #tpu.memory_space<hbm>> -> memref<10240x128xf32, #tpu.memory_space<hbm>>
      tpu.wait_indirect_dma semaphore(%arg11 : memref<!tpu.dma_semaphore, #tpu.memory_space<semaphore_mem>>) src(%dma_wait3A_442 : memref<10240x128xf32, #tpu.memory_space<hbm>>) dst(%dma_wait3A_436 : memref<80x128xf32, #tpu.memory_space<vmem>>)
      %dma_start3A_443 = arith.constant 2 : i32
      %dma_start3A_444 = arith.constant 0 : i32
      %dma_start3A_445 = arith.constant 2 : i32
      %dma_start3A_446 = arith.constant 0 : i32
      %dma_start3A_447 = arith.constant 0 : i32
      %dma_start3A_448 = tpu.memref_slice %arg7[%dma_start3A_443, %dma_start3A_446, %dma_start3A_447] : memref<3x80x128xf32, #tpu.memory_space<vmem>> -> memref<1x80x128xf32, #tpu.memory_space<vmem>>
      %dma_start3A_449 = tpu.memref_squeeze %dma_start3A_448 : memref<1x80x128xf32, #tpu.memory_space<vmem>> -> memref<80x128xf32, #tpu.memory_space<vmem>>
      %dma_start3A_450 = arith.constant 0 : i32
      %dma_start3A_451 = tpu.memref_slice %arg6[%dma_start3A_444, %dma_start3A_445, %dma_start3A_450] : memref<2x5x80xi32, #tpu.memory_space<vmem>> -> memref<1x1x80xi32, #tpu.memory_space<vmem>>
      %dma_start3A_452 = tpu.memref_squeeze %dma_start3A_451 : memref<1x1x80xi32, #tpu.memory_space<vmem>> -> memref<80xi32, #tpu.memory_space<vmem>>
      %dma_start3A_453 = arith.constant 0 : i32
      %dma_start3A_454 = arith.constant 0 : i32
      %dma_start3A_455 = tpu.memref_slice %arg8[%dma_start3A_453, %dma_start3A_454] : memref<10240x128xf32, #tpu.memory_space<vmem_shared>> -> memref<10240x128xf32, #tpu.memory_space<vmem_shared>>
      tpu.enqueue_indirect_dma source(%dma_start3A_449 : memref<80x128xf32, #tpu.memory_space<vmem>>) target(%dma_start3A_455 : memref<10240x128xf32, #tpu.memory_space<vmem_shared>>) offsets(%dma_start3A_452 : memref<80xi32, #tpu.memory_space<vmem>>) semaphore(%arg14 : memref<!tpu.dma_semaphore, #tpu.memory_space<semaphore_mem>>) {add = true}
      %dma_wait3A_456 = arith.constant 2 : i32
      %dma_wait3A_457 = arith.constant 0 : i32
      %dma_wait3A_458 = arith.constant 2 : i32
      %dma_wait3A_459 = arith.constant 0 : i32
      %dma_wait3A_460 = arith.constant 0 : i32
      %dma_wait3A_461 = tpu.memref_slice %arg7[%dma_wait3A_456, %dma_wait3A_459, %dma_wait3A_460] : memref<3x80x128xf32, #tpu.memory_space<vmem>> -> memref<1x80x128xf32, #tpu.memory_space<vmem>>
      %dma_wait3A_462 = tpu.memref_squeeze %dma_wait3A_461 : memref<1x80x128xf32, #tpu.memory_space<vmem>> -> memref<80x128xf32, #tpu.memory_space<vmem>>
      %dma_wait3A_463 = arith.constant 0 : i32
      %dma_wait3A_464 = tpu.memref_slice %arg6[%dma_wait3A_457, %dma_wait3A_458, %dma_wait3A_463] : memref<2x5x80xi32, #tpu.memory_space<vmem>> -> memref<1x1x80xi32, #tpu.memory_space<vmem>>
      %dma_wait3A_465 = tpu.memref_squeeze %dma_wait3A_464 : memref<1x1x80xi32, #tpu.memory_space<vmem>> -> memref<80xi32, #tpu.memory_space<vmem>>
      %dma_wait3A_466 = arith.constant 0 : i32
      %dma_wait3A_467 = arith.constant 0 : i32
      %dma_wait3A_468 = tpu.memref_slice %arg8[%dma_wait3A_466, %dma_wait3A_467] : memref<10240x128xf32, #tpu.memory_space<vmem_shared>> -> memref<10240x128xf32, #tpu.memory_space<vmem_shared>>
      tpu.wait_indirect_dma semaphore(%arg14 : memref<!tpu.dma_semaphore, #tpu.memory_space<semaphore_mem>>) src(%dma_wait3A_462 : memref<80x128xf32, #tpu.memory_space<vmem>>) dst(%dma_wait3A_468 : memref<10240x128xf32, #tpu.memory_space<vmem_shared>>)
      %dma_start3A_469 = arith.constant 1 : i32
      %dma_start3A_470 = arith.constant 0 : i32
      %dma_start3A_471 = arith.constant 2 : i32
      %dma_start3A_472 = arith.constant 0 : i32
      %dma_start3A_473 = arith.constant 0 : i32
      %dma_start3A_474 = tpu.memref_slice %arg7[%dma_start3A_471, %dma_start3A_472, %dma_start3A_473] : memref<3x80x128xf32, #tpu.memory_space<vmem>> -> memref<1x80x128xf32, #tpu.memory_space<vmem>>
      %dma_start3A_475 = tpu.memref_squeeze %dma_start3A_474 : memref<1x80x128xf32, #tpu.memory_space<vmem>> -> memref<80x128xf32, #tpu.memory_space<vmem>>
      %dma_start3A_476 = arith.constant 0 : i32
      %dma_start3A_477 = tpu.memref_slice %arg5[%dma_start3A_469, %dma_start3A_470, %dma_start3A_476] : memref<2x5x80xi32, #tpu.memory_space<vmem>> -> memref<1x1x80xi32, #tpu.memory_space<vmem>>
      %dma_start3A_478 = tpu.memref_squeeze %dma_start3A_477 : memref<1x1x80xi32, #tpu.memory_space<vmem>> -> memref<80xi32, #tpu.memory_space<vmem>>
      %dma_start3A_479 = arith.constant 0 : i32
      %dma_start3A_480 = arith.constant 0 : i32
      %dma_start3A_481 = tpu.memref_slice %arg3[%dma_start3A_479, %dma_start3A_480] : memref<10240x128xf32, #tpu.memory_space<hbm>> -> memref<10240x128xf32, #tpu.memory_space<hbm>>
      tpu.enqueue_indirect_dma source(%dma_start3A_481 : memref<10240x128xf32, #tpu.memory_space<hbm>>) target(%dma_start3A_475 : memref<80x128xf32, #tpu.memory_space<vmem>>) offsets(%dma_start3A_478 : memref<80xi32, #tpu.memory_space<vmem>>) semaphore(%arg11 : memref<!tpu.dma_semaphore, #tpu.memory_space<semaphore_mem>>)
      %dma_wait3A_482 = arith.constant 0 : i32
      %dma_wait3A_483 = arith.constant 3 : i32
      %dma_wait3A_484 = arith.constant 0 : i32
      %dma_wait3A_485 = arith.constant 0 : i32
      %dma_wait3A_486 = arith.constant 0 : i32
      %dma_wait3A_487 = tpu.memref_slice %arg7[%dma_wait3A_484, %dma_wait3A_485, %dma_wait3A_486] : memref<3x80x128xf32, #tpu.memory_space<vmem>> -> memref<1x80x128xf32, #tpu.memory_space<vmem>>
      %dma_wait3A_488 = tpu.memref_squeeze %dma_wait3A_487 : memref<1x80x128xf32, #tpu.memory_space<vmem>> -> memref<80x128xf32, #tpu.memory_space<vmem>>
      %dma_wait3A_489 = arith.constant 0 : i32
      %dma_wait3A_490 = tpu.memref_slice %arg5[%dma_wait3A_482, %dma_wait3A_483, %dma_wait3A_489] : memref<2x5x80xi32, #tpu.memory_space<vmem>> -> memref<1x1x80xi32, #tpu.memory_space<vmem>>
      %dma_wait3A_491 = tpu.memref_squeeze %dma_wait3A_490 : memref<1x1x80xi32, #tpu.memory_space<vmem>> -> memref<80xi32, #tpu.memory_space<vmem>>
      %dma_wait3A_492 = arith.constant 0 : i32
      %dma_wait3A_493 = arith.constant 0 : i32
      %dma_wait3A_494 = tpu.memref_slice %arg3[%dma_wait3A_492, %dma_wait3A_493] : memref<10240x128xf32, #tpu.memory_space<hbm>> -> memref<10240x128xf32, #tpu.memory_space<hbm>>
      tpu.wait_indirect_dma semaphore(%arg9 : memref<!tpu.dma_semaphore, #tpu.memory_space<semaphore_mem>>) src(%dma_wait3A_494 : memref<10240x128xf32, #tpu.memory_space<hbm>>) dst(%dma_wait3A_488 : memref<80x128xf32, #tpu.memory_space<vmem>>)
      %dma_start3A_495 = arith.constant 0 : i32
      %dma_start3A_496 = arith.constant 0 : i32
      %dma_start3A_497 = arith.constant 3 : i32
      %dma_start3A_498 = arith.constant 0 : i32
      %dma_start3A_499 = arith.constant 0 : i32
      %dma_start3A_500 = tpu.memref_slice %arg7[%dma_start3A_495, %dma_start3A_498, %dma_start3A_499] : memref<3x80x128xf32, #tpu.memory_space<vmem>> -> memref<1x80x128xf32, #tpu.memory_space<vmem>>
      %dma_start3A_501 = tpu.memref_squeeze %dma_start3A_500 : memref<1x80x128xf32, #tpu.memory_space<vmem>> -> memref<80x128xf32, #tpu.memory_space<vmem>>
      %dma_start3A_502 = arith.constant 0 : i32
      %dma_start3A_503 = tpu.memref_slice %arg6[%dma_start3A_496, %dma_start3A_497, %dma_start3A_502] : memref<2x5x80xi32, #tpu.memory_space<vmem>> -> memref<1x1x80xi32, #tpu.memory_space<vmem>>
      %dma_start3A_504 = tpu.memref_squeeze %dma_start3A_503 : memref<1x1x80xi32, #tpu.memory_space<vmem>> -> memref<80xi32, #tpu.memory_space<vmem>>
      %dma_start3A_505 = arith.constant 0 : i32
      %dma_start3A_506 = arith.constant 0 : i32
      %dma_start3A_507 = tpu.memref_slice %arg8[%dma_start3A_505, %dma_start3A_506] : memref<10240x128xf32, #tpu.memory_space<vmem_shared>> -> memref<10240x128xf32, #tpu.memory_space<vmem_shared>>
      tpu.enqueue_indirect_dma source(%dma_start3A_501 : memref<80x128xf32, #tpu.memory_space<vmem>>) target(%dma_start3A_507 : memref<10240x128xf32, #tpu.memory_space<vmem_shared>>) offsets(%dma_start3A_504 : memref<80xi32, #tpu.memory_space<vmem>>) semaphore(%arg12 : memref<!tpu.dma_semaphore, #tpu.memory_space<semaphore_mem>>) {add = true}
      %dma_wait3A_508 = arith.constant 0 : i32
      %dma_wait3A_509 = arith.constant 0 : i32
      %dma_wait3A_510 = arith.constant 3 : i32
      %dma_wait3A_511 = arith.constant 0 : i32
      %dma_wait3A_512 = arith.constant 0 : i32
      %dma_wait3A_513 = tpu.memref_slice %arg7[%dma_wait3A_508, %dma_wait3A_511, %dma_wait3A_512] : memref<3x80x128xf32, #tpu.memory_space<vmem>> -> memref<1x80x128xf32, #tpu.memory_space<vmem>>
      %dma_wait3A_514 = tpu.memref_squeeze %dma_wait3A_513 : memref<1x80x128xf32, #tpu.memory_space<vmem>> -> memref<80x128xf32, #tpu.memory_space<vmem>>
      %dma_wait3A_515 = arith.constant 0 : i32
      %dma_wait3A_516 = tpu.memref_slice %arg6[%dma_wait3A_509, %dma_wait3A_510, %dma_wait3A_515] : memref<2x5x80xi32, #tpu.memory_space<vmem>> -> memref<1x1x80xi32, #tpu.memory_space<vmem>>
      %dma_wait3A_517 = tpu.memref_squeeze %dma_wait3A_516 : memref<1x1x80xi32, #tpu.memory_space<vmem>> -> memref<80xi32, #tpu.memory_space<vmem>>
      %dma_wait3A_518 = arith.constant 0 : i32
      %dma_wait3A_519 = arith.constant 0 : i32
      %dma_wait3A_520 = tpu.memref_slice %arg8[%dma_wait3A_518, %dma_wait3A_519] : memref<10240x128xf32, #tpu.memory_space<vmem_shared>> -> memref<10240x128xf32, #tpu.memory_space<vmem_shared>>
      tpu.wait_indirect_dma semaphore(%arg12 : memref<!tpu.dma_semaphore, #tpu.memory_space<semaphore_mem>>) src(%dma_wait3A_514 : memref<80x128xf32, #tpu.memory_space<vmem>>) dst(%dma_wait3A_520 : memref<10240x128xf32, #tpu.memory_space<vmem_shared>>)
      %dma_start3A_521 = arith.constant 1 : i32
      %dma_start3A_522 = arith.constant 1 : i32
      %dma_start3A_523 = arith.constant 0 : i32
      %dma_start3A_524 = arith.constant 0 : i32
      %dma_start3A_525 = arith.constant 0 : i32
      %dma_start3A_526 = tpu.memref_slice %arg7[%dma_start3A_523, %dma_start3A_524, %dma_start3A_525] : memref<3x80x128xf32, #tpu.memory_space<vmem>> -> memref<1x80x128xf32, #tpu.memory_space<vmem>>
      %dma_start3A_527 = tpu.memref_squeeze %dma_start3A_526 : memref<1x80x128xf32, #tpu.memory_space<vmem>> -> memref<80x128xf32, #tpu.memory_space<vmem>>
      %dma_start3A_528 = arith.constant 0 : i32
      %dma_start3A_529 = tpu.memref_slice %arg5[%dma_start3A_521, %dma_start3A_522, %dma_start3A_528] : memref<2x5x80xi32, #tpu.memory_space<vmem>> -> memref<1x1x80xi32, #tpu.memory_space<vmem>>
      %dma_start3A_530 = tpu.memref_squeeze %dma_start3A_529 : memref<1x1x80xi32, #tpu.memory_space<vmem>> -> memref<80xi32, #tpu.memory_space<vmem>>
      %dma_start3A_531 = arith.constant 0 : i32
      %dma_start3A_532 = arith.constant 0 : i32
      %dma_start3A_533 = tpu.memref_slice %arg3[%dma_start3A_531, %dma_start3A_532] : memref<10240x128xf32, #tpu.memory_space<hbm>> -> memref<10240x128xf32, #tpu.memory_space<hbm>>
      tpu.enqueue_indirect_dma source(%dma_start3A_533 : memref<10240x128xf32, #tpu.memory_space<hbm>>) target(%dma_start3A_527 : memref<80x128xf32, #tpu.memory_space<vmem>>) offsets(%dma_start3A_530 : memref<80xi32, #tpu.memory_space<vmem>>) semaphore(%arg9 : memref<!tpu.dma_semaphore, #tpu.memory_space<semaphore_mem>>)
      %dma_wait3A_534 = arith.constant 0 : i32
      %dma_wait3A_535 = arith.constant 4 : i32
      %dma_wait3A_536 = arith.constant 1 : i32
      %dma_wait3A_537 = arith.constant 0 : i32
      %dma_wait3A_538 = arith.constant 0 : i32
      %dma_wait3A_539 = tpu.memref_slice %arg7[%dma_wait3A_536, %dma_wait3A_537, %dma_wait3A_538] : memref<3x80x128xf32, #tpu.memory_space<vmem>> -> memref<1x80x128xf32, #tpu.memory_space<vmem>>
      %dma_wait3A_540 = tpu.memref_squeeze %dma_wait3A_539 : memref<1x80x128xf32, #tpu.memory_space<vmem>> -> memref<80x128xf32, #tpu.memory_space<vmem>>
      %dma_wait3A_541 = arith.constant 0 : i32
      %dma_wait3A_542 = tpu.memref_slice %arg5[%dma_wait3A_534, %dma_wait3A_535, %dma_wait3A_541] : memref<2x5x80xi32, #tpu.memory_space<vmem>> -> memref<1x1x80xi32, #tpu.memory_space<vmem>>
      %dma_wait3A_543 = tpu.memref_squeeze %dma_wait3A_542 : memref<1x1x80xi32, #tpu.memory_space<vmem>> -> memref<80xi32, #tpu.memory_space<vmem>>
      %dma_wait3A_544 = arith.constant 0 : i32
      %dma_wait3A_545 = arith.constant 0 : i32
      %dma_wait3A_546 = tpu.memref_slice %arg3[%dma_wait3A_544, %dma_wait3A_545] : memref<10240x128xf32, #tpu.memory_space<hbm>> -> memref<10240x128xf32, #tpu.memory_space<hbm>>
      tpu.wait_indirect_dma semaphore(%arg10 : memref<!tpu.dma_semaphore, #tpu.memory_space<semaphore_mem>>) src(%dma_wait3A_546 : memref<10240x128xf32, #tpu.memory_space<hbm>>) dst(%dma_wait3A_540 : memref<80x128xf32, #tpu.memory_space<vmem>>)
      %dma_start3A_547 = arith.constant 1 : i32
      %dma_start3A_548 = arith.constant 0 : i32
      %dma_start3A_549 = arith.constant 4 : i32
      %dma_start3A_550 = arith.constant 0 : i32
      %dma_start3A_551 = arith.constant 0 : i32
      %dma_start3A_552 = tpu.memref_slice %arg7[%dma_start3A_547, %dma_start3A_550, %dma_start3A_551] : memref<3x80x128xf32, #tpu.memory_space<vmem>> -> memref<1x80x128xf32, #tpu.memory_space<vmem>>
      %dma_start3A_553 = tpu.memref_squeeze %dma_start3A_552 : memref<1x80x128xf32, #tpu.memory_space<vmem>> -> memref<80x128xf32, #tpu.memory_space<vmem>>
      %dma_start3A_554 = arith.constant 0 : i32
      %dma_start3A_555 = tpu.memref_slice %arg6[%dma_start3A_548, %dma_start3A_549, %dma_start3A_554] : memref<2x5x80xi32, #tpu.memory_space<vmem>> -> memref<1x1x80xi32, #tpu.memory_space<vmem>>
      %dma_start3A_556 = tpu.memref_squeeze %dma_start3A_555 : memref<1x1x80xi32, #tpu.memory_space<vmem>> -> memref<80xi32, #tpu.memory_space<vmem>>
      %dma_start3A_557 = arith.constant 0 : i32
      %dma_start3A_558 = arith.constant 0 : i32
      %dma_start3A_559 = tpu.memref_slice %arg8[%dma_start3A_557, %dma_start3A_558] : memref<10240x128xf32, #tpu.memory_space<vmem_shared>> -> memref<10240x128xf32, #tpu.memory_space<vmem_shared>>
      tpu.enqueue_indirect_dma source(%dma_start3A_553 : memref<80x128xf32, #tpu.memory_space<vmem>>) target(%dma_start3A_559 : memref<10240x128xf32, #tpu.memory_space<vmem_shared>>) offsets(%dma_start3A_556 : memref<80xi32, #tpu.memory_space<vmem>>) semaphore(%arg13 : memref<!tpu.dma_semaphore, #tpu.memory_space<semaphore_mem>>) {add = true}
      %dma_wait3A_560 = arith.constant 1 : i32
      %dma_wait3A_561 = arith.constant 0 : i32
      %dma_wait3A_562 = arith.constant 4 : i32
      %dma_wait3A_563 = arith.constant 0 : i32
      %dma_wait3A_564 = arith.constant 0 : i32
      %dma_wait3A_565 = tpu.memref_slice %arg7[%dma_wait3A_560, %dma_wait3A_563, %dma_wait3A_564] : memref<3x80x128xf32, #tpu.memory_space<vmem>> -> memref<1x80x128xf32, #tpu.memory_space<vmem>>
      %dma_wait3A_566 = tpu.memref_squeeze %dma_wait3A_565 : memref<1x80x128xf32, #tpu.memory_space<vmem>> -> memref<80x128xf32, #tpu.memory_space<vmem>>
      %dma_wait3A_567 = arith.constant 0 : i32
      %dma_wait3A_568 = tpu.memref_slice %arg6[%dma_wait3A_561, %dma_wait3A_562, %dma_wait3A_567] : memref<2x5x80xi32, #tpu.memory_space<vmem>> -> memref<1x1x80xi32, #tpu.memory_space<vmem>>
      %dma_wait3A_569 = tpu.memref_squeeze %dma_wait3A_568 : memref<1x1x80xi32, #tpu.memory_space<vmem>> -> memref<80xi32, #tpu.memory_space<vmem>>
      %dma_wait3A_570 = arith.constant 0 : i32
      %dma_wait3A_571 = arith.constant 0 : i32
      %dma_wait3A_572 = tpu.memref_slice %arg8[%dma_wait3A_570, %dma_wait3A_571] : memref<10240x128xf32, #tpu.memory_space<vmem_shared>> -> memref<10240x128xf32, #tpu.memory_space<vmem_shared>>
      tpu.wait_indirect_dma semaphore(%arg13 : memref<!tpu.dma_semaphore, #tpu.memory_space<semaphore_mem>>) src(%dma_wait3A_566 : memref<80x128xf32, #tpu.memory_space<vmem>>) dst(%dma_wait3A_572 : memref<10240x128xf32, #tpu.memory_space<vmem_shared>>)
      %dma_start3A_573 = arith.constant 1 : i32
      %dma_start3A_574 = arith.constant 2 : i32
      %dma_start3A_575 = arith.constant 1 : i32
      %dma_start3A_576 = arith.constant 0 : i32
      %dma_start3A_577 = arith.constant 0 : i32
      %dma_start3A_578 = tpu.memref_slice %arg7[%dma_start3A_575, %dma_start3A_576, %dma_start3A_577] : memref<3x80x128xf32, #tpu.memory_space<vmem>> -> memref<1x80x128xf32, #tpu.memory_space<vmem>>
      %dma_start3A_579 = tpu.memref_squeeze %dma_start3A_578 : memref<1x80x128xf32, #tpu.memory_space<vmem>> -> memref<80x128xf32, #tpu.memory_space<vmem>>
      %dma_start3A_580 = arith.constant 0 : i32
      %dma_start3A_581 = tpu.memref_slice %arg5[%dma_start3A_573, %dma_start3A_574, %dma_start3A_580] : memref<2x5x80xi32, #tpu.memory_space<vmem>> -> memref<1x1x80xi32, #tpu.memory_space<vmem>>
      %dma_start3A_582 = tpu.memref_squeeze %dma_start3A_581 : memref<1x1x80xi32, #tpu.memory_space<vmem>> -> memref<80xi32, #tpu.memory_space<vmem>>
      %dma_start3A_583 = arith.constant 0 : i32
      %dma_start3A_584 = arith.constant 0 : i32
      %dma_start3A_585 = tpu.memref_slice %arg3[%dma_start3A_583, %dma_start3A_584] : memref<10240x128xf32, #tpu.memory_space<hbm>> -> memref<10240x128xf32, #tpu.memory_space<hbm>>
      tpu.enqueue_indirect_dma source(%dma_start3A_585 : memref<10240x128xf32, #tpu.memory_space<hbm>>) target(%dma_start3A_579 : memref<80x128xf32, #tpu.memory_space<vmem>>) offsets(%dma_start3A_582 : memref<80xi32, #tpu.memory_space<vmem>>) semaphore(%arg10 : memref<!tpu.dma_semaphore, #tpu.memory_space<semaphore_mem>>)
      %dma_wait3A_586 = arith.constant 1 : i32
      %dma_wait3A_587 = arith.constant 0 : i32
      %dma_wait3A_588 = arith.constant 2 : i32
      %dma_wait3A_589 = arith.constant 0 : i32
      %dma_wait3A_590 = arith.constant 0 : i32
      %dma_wait3A_591 = tpu.memref_slice %arg7[%dma_wait3A_588, %dma_wait3A_589, %dma_wait3A_590] : memref<3x80x128xf32, #tpu.memory_space<vmem>> -> memref<1x80x128xf32, #tpu.memory_space<vmem>>
      %dma_wait3A_592 = tpu.memref_squeeze %dma_wait3A_591 : memref<1x80x128xf32, #tpu.memory_space<vmem>> -> memref<80x128xf32, #tpu.memory_space<vmem>>
      %dma_wait3A_593 = arith.constant 0 : i32
      %dma_wait3A_594 = tpu.memref_slice %arg5[%dma_wait3A_586, %dma_wait3A_587, %dma_wait3A_593] : memref<2x5x80xi32, #tpu.memory_space<vmem>> -> memref<1x1x80xi32, #tpu.memory_space<vmem>>
      %dma_wait3A_595 = tpu.memref_squeeze %dma_wait3A_594 : memref<1x1x80xi32, #tpu.memory_space<vmem>> -> memref<80xi32, #tpu.memory_space<vmem>>
      %dma_wait3A_596 = arith.constant 0 : i32
      %dma_wait3A_597 = arith.constant 0 : i32
      %dma_wait3A_598 = tpu.memref_slice %arg3[%dma_wait3A_596, %dma_wait3A_597] : memref<10240x128xf32, #tpu.memory_space<hbm>> -> memref<10240x128xf32, #tpu.memory_space<hbm>>
      tpu.wait_indirect_dma semaphore(%arg11 : memref<!tpu.dma_semaphore, #tpu.memory_space<semaphore_mem>>) src(%dma_wait3A_598 : memref<10240x128xf32, #tpu.memory_space<hbm>>) dst(%dma_wait3A_592 : memref<80x128xf32, #tpu.memory_space<vmem>>)
      %dma_start3A_599 = arith.constant 2 : i32
      %dma_start3A_600 = arith.constant 1 : i32
      %dma_start3A_601 = arith.constant 0 : i32
      %dma_start3A_602 = arith.constant 0 : i32
      %dma_start3A_603 = arith.constant 0 : i32
      %dma_start3A_604 = tpu.memref_slice %arg7[%dma_start3A_599, %dma_start3A_602, %dma_start3A_603] : memref<3x80x128xf32, #tpu.memory_space<vmem>> -> memref<1x80x128xf32, #tpu.memory_space<vmem>>
      %dma_start3A_605 = tpu.memref_squeeze %dma_start3A_604 : memref<1x80x128xf32, #tpu.memory_space<vmem>> -> memref<80x128xf32, #tpu.memory_space<vmem>>
      %dma_start3A_606 = arith.constant 0 : i32
      %dma_start3A_607 = tpu.memref_slice %arg6[%dma_start3A_600, %dma_start3A_601, %dma_start3A_606] : memref<2x5x80xi32, #tpu.memory_space<vmem>> -> memref<1x1x80xi32, #tpu.memory_space<vmem>>
      %dma_start3A_608 = tpu.memref_squeeze %dma_start3A_607 : memref<1x1x80xi32, #tpu.memory_space<vmem>> -> memref<80xi32, #tpu.memory_space<vmem>>
      %dma_start3A_609 = arith.constant 0 : i32
      %dma_start3A_610 = arith.constant 0 : i32
      %dma_start3A_611 = tpu.memref_slice %arg8[%dma_start3A_609, %dma_start3A_610] : memref<10240x128xf32, #tpu.memory_space<vmem_shared>> -> memref<10240x128xf32, #tpu.memory_space<vmem_shared>>
      tpu.enqueue_indirect_dma source(%dma_start3A_605 : memref<80x128xf32, #tpu.memory_space<vmem>>) target(%dma_start3A_611 : memref<10240x128xf32, #tpu.memory_space<vmem_shared>>) offsets(%dma_start3A_608 : memref<80xi32, #tpu.memory_space<vmem>>) semaphore(%arg14 : memref<!tpu.dma_semaphore, #tpu.memory_space<semaphore_mem>>) {add = true}
      %dma_wait3A_612 = arith.constant 2 : i32
      %dma_wait3A_613 = arith.constant 1 : i32
      %dma_wait3A_614 = arith.constant 0 : i32
      %dma_wait3A_615 = arith.constant 0 : i32
      %dma_wait3A_616 = arith.constant 0 : i32
      %dma_wait3A_617 = tpu.memref_slice %arg7[%dma_wait3A_612, %dma_wait3A_615, %dma_wait3A_616] : memref<3x80x128xf32, #tpu.memory_space<vmem>> -> memref<1x80x128xf32, #tpu.memory_space<vmem>>
      %dma_wait3A_618 = tpu.memref_squeeze %dma_wait3A_617 : memref<1x80x128xf32, #tpu.memory_space<vmem>> -> memref<80x128xf32, #tpu.memory_space<vmem>>
      %dma_wait3A_619 = arith.constant 0 : i32
      %dma_wait3A_620 = tpu.memref_slice %arg6[%dma_wait3A_613, %dma_wait3A_614, %dma_wait3A_619] : memref<2x5x80xi32, #tpu.memory_space<vmem>> -> memref<1x1x80xi32, #tpu.memory_space<vmem>>
      %dma_wait3A_621 = tpu.memref_squeeze %dma_wait3A_620 : memref<1x1x80xi32, #tpu.memory_space<vmem>> -> memref<80xi32, #tpu.memory_space<vmem>>
      %dma_wait3A_622 = arith.constant 0 : i32
      %dma_wait3A_623 = arith.constant 0 : i32
      %dma_wait3A_624 = tpu.memref_slice %arg8[%dma_wait3A_622, %dma_wait3A_623] : memref<10240x128xf32, #tpu.memory_space<vmem_shared>> -> memref<10240x128xf32, #tpu.memory_space<vmem_shared>>
      tpu.wait_indirect_dma semaphore(%arg14 : memref<!tpu.dma_semaphore, #tpu.memory_space<semaphore_mem>>) src(%dma_wait3A_618 : memref<80x128xf32, #tpu.memory_space<vmem>>) dst(%dma_wait3A_624 : memref<10240x128xf32, #tpu.memory_space<vmem_shared>>)
      %dma_start3A_625 = arith.constant 1 : i32
      %dma_start3A_626 = arith.constant 3 : i32
      %dma_start3A_627 = arith.constant 2 : i32
      %dma_start3A_628 = arith.constant 0 : i32
      %dma_start3A_629 = arith.constant 0 : i32
      %dma_start3A_630 = tpu.memref_slice %arg7[%dma_start3A_627, %dma_start3A_628, %dma_start3A_629] : memref<3x80x128xf32, #tpu.memory_space<vmem>> -> memref<1x80x128xf32, #tpu.memory_space<vmem>>
      %dma_start3A_631 = tpu.memref_squeeze %dma_start3A_630 : memref<1x80x128xf32, #tpu.memory_space<vmem>> -> memref<80x128xf32, #tpu.memory_space<vmem>>
      %dma_start3A_632 = arith.constant 0 : i32
      %dma_start3A_633 = tpu.memref_slice %arg5[%dma_start3A_625, %dma_start3A_626, %dma_start3A_632] : memref<2x5x80xi32, #tpu.memory_space<vmem>> -> memref<1x1x80xi32, #tpu.memory_space<vmem>>
      %dma_start3A_634 = tpu.memref_squeeze %dma_start3A_633 : memref<1x1x80xi32, #tpu.memory_space<vmem>> -> memref<80xi32, #tpu.memory_space<vmem>>
      %dma_start3A_635 = arith.constant 0 : i32
      %dma_start3A_636 = arith.constant 0 : i32
      %dma_start3A_637 = tpu.memref_slice %arg3[%dma_start3A_635, %dma_start3A_636] : memref<10240x128xf32, #tpu.memory_space<hbm>> -> memref<10240x128xf32, #tpu.memory_space<hbm>>
      tpu.enqueue_indirect_dma source(%dma_start3A_637 : memref<10240x128xf32, #tpu.memory_space<hbm>>) target(%dma_start3A_631 : memref<80x128xf32, #tpu.memory_space<vmem>>) offsets(%dma_start3A_634 : memref<80xi32, #tpu.memory_space<vmem>>) semaphore(%arg11 : memref<!tpu.dma_semaphore, #tpu.memory_space<semaphore_mem>>)
      %dma_wait3A_638 = arith.constant 1 : i32
      %dma_wait3A_639 = arith.constant 1 : i32
      %dma_wait3A_640 = arith.constant 0 : i32
      %dma_wait3A_641 = arith.constant 0 : i32
      %dma_wait3A_642 = arith.constant 0 : i32
      %dma_wait3A_643 = tpu.memref_slice %arg7[%dma_wait3A_640, %dma_wait3A_641, %dma_wait3A_642] : memref<3x80x128xf32, #tpu.memory_space<vmem>> -> memref<1x80x128xf32, #tpu.memory_space<vmem>>
      %dma_wait3A_644 = tpu.memref_squeeze %dma_wait3A_643 : memref<1x80x128xf32, #tpu.memory_space<vmem>> -> memref<80x128xf32, #tpu.memory_space<vmem>>
      %dma_wait3A_645 = arith.constant 0 : i32
      %dma_wait3A_646 = tpu.memref_slice %arg5[%dma_wait3A_638, %dma_wait3A_639, %dma_wait3A_645] : memref<2x5x80xi32, #tpu.memory_space<vmem>> -> memref<1x1x80xi32, #tpu.memory_space<vmem>>
      %dma_wait3A_647 = tpu.memref_squeeze %dma_wait3A_646 : memref<1x1x80xi32, #tpu.memory_space<vmem>> -> memref<80xi32, #tpu.memory_space<vmem>>
      %dma_wait3A_648 = arith.constant 0 : i32
      %dma_wait3A_649 = arith.constant 0 : i32
      %dma_wait3A_650 = tpu.memref_slice %arg3[%dma_wait3A_648, %dma_wait3A_649] : memref<10240x128xf32, #tpu.memory_space<hbm>> -> memref<10240x128xf32, #tpu.memory_space<hbm>>
      tpu.wait_indirect_dma semaphore(%arg9 : memref<!tpu.dma_semaphore, #tpu.memory_space<semaphore_mem>>) src(%dma_wait3A_650 : memref<10240x128xf32, #tpu.memory_space<hbm>>) dst(%dma_wait3A_644 : memref<80x128xf32, #tpu.memory_space<vmem>>)
      %dma_start3A_651 = arith.constant 0 : i32
      %dma_start3A_652 = arith.constant 1 : i32
      %dma_start3A_653 = arith.constant 1 : i32
      %dma_start3A_654 = arith.constant 0 : i32
      %dma_start3A_655 = arith.constant 0 : i32
      %dma_start3A_656 = tpu.memref_slice %arg7[%dma_start3A_651, %dma_start3A_654, %dma_start3A_655] : memref<3x80x128xf32, #tpu.memory_space<vmem>> -> memref<1x80x128xf32, #tpu.memory_space<vmem>>
      %dma_start3A_657 = tpu.memref_squeeze %dma_start3A_656 : memref<1x80x128xf32, #tpu.memory_space<vmem>> -> memref<80x128xf32, #tpu.memory_space<vmem>>
      %dma_start3A_658 = arith.constant 0 : i32
      %dma_start3A_659 = tpu.memref_slice %arg6[%dma_start3A_652, %dma_start3A_653, %dma_start3A_658] : memref<2x5x80xi32, #tpu.memory_space<vmem>> -> memref<1x1x80xi32, #tpu.memory_space<vmem>>
      %dma_start3A_660 = tpu.memref_squeeze %dma_start3A_659 : memref<1x1x80xi32, #tpu.memory_space<vmem>> -> memref<80xi32, #tpu.memory_space<vmem>>
      %dma_start3A_661 = arith.constant 0 : i32
      %dma_start3A_662 = arith.constant 0 : i32
      %dma_start3A_663 = tpu.memref_slice %arg8[%dma_start3A_661, %dma_start3A_662] : memref<10240x128xf32, #tpu.memory_space<vmem_shared>> -> memref<10240x128xf32, #tpu.memory_space<vmem_shared>>
      tpu.enqueue_indirect_dma source(%dma_start3A_657 : memref<80x128xf32, #tpu.memory_space<vmem>>) target(%dma_start3A_663 : memref<10240x128xf32, #tpu.memory_space<vmem_shared>>) offsets(%dma_start3A_660 : memref<80xi32, #tpu.memory_space<vmem>>) semaphore(%arg12 : memref<!tpu.dma_semaphore, #tpu.memory_space<semaphore_mem>>) {add = true}
      %dma_wait3A_664 = arith.constant 0 : i32
      %dma_wait3A_665 = arith.constant 1 : i32
      %dma_wait3A_666 = arith.constant 1 : i32
      %dma_wait3A_667 = arith.constant 0 : i32
      %dma_wait3A_668 = arith.constant 0 : i32
      %dma_wait3A_669 = tpu.memref_slice %arg7[%dma_wait3A_664, %dma_wait3A_667, %dma_wait3A_668] : memref<3x80x128xf32, #tpu.memory_space<vmem>> -> memref<1x80x128xf32, #tpu.memory_space<vmem>>
      %dma_wait3A_670 = tpu.memref_squeeze %dma_wait3A_669 : memref<1x80x128xf32, #tpu.memory_space<vmem>> -> memref<80x128xf32, #tpu.memory_space<vmem>>
      %dma_wait3A_671 = arith.constant 0 : i32
      %dma_wait3A_672 = tpu.memref_slice %arg6[%dma_wait3A_665, %dma_wait3A_666, %dma_wait3A_671] : memref<2x5x80xi32, #tpu.memory_space<vmem>> -> memref<1x1x80xi32, #tpu.memory_space<vmem>>
      %dma_wait3A_673 = tpu.memref_squeeze %dma_wait3A_672 : memref<1x1x80xi32, #tpu.memory_space<vmem>> -> memref<80xi32, #tpu.memory_space<vmem>>
      %dma_wait3A_674 = arith.constant 0 : i32
      %dma_wait3A_675 = arith.constant 0 : i32
      %dma_wait3A_676 = tpu.memref_slice %arg8[%dma_wait3A_674, %dma_wait3A_675] : memref<10240x128xf32, #tpu.memory_space<vmem_shared>> -> memref<10240x128xf32, #tpu.memory_space<vmem_shared>>
      tpu.wait_indirect_dma semaphore(%arg12 : memref<!tpu.dma_semaphore, #tpu.memory_space<semaphore_mem>>) src(%dma_wait3A_670 : memref<80x128xf32, #tpu.memory_space<vmem>>) dst(%dma_wait3A_676 : memref<10240x128xf32, #tpu.memory_space<vmem_shared>>)
      %dma_start3A_677 = arith.constant 1 : i32
      %dma_start3A_678 = arith.constant 4 : i32
      %dma_start3A_679 = arith.constant 0 : i32
      %dma_start3A_680 = arith.constant 0 : i32
      %dma_start3A_681 = arith.constant 0 : i32
      %dma_start3A_682 = tpu.memref_slice %arg7[%dma_start3A_679, %dma_start3A_680, %dma_start3A_681] : memref<3x80x128xf32, #tpu.memory_space<vmem>> -> memref<1x80x128xf32, #tpu.memory_space<vmem>>
      %dma_start3A_683 = tpu.memref_squeeze %dma_start3A_682 : memref<1x80x128xf32, #tpu.memory_space<vmem>> -> memref<80x128xf32, #tpu.memory_space<vmem>>
      %dma_start3A_684 = arith.constant 0 : i32
      %dma_start3A_685 = tpu.memref_slice %arg5[%dma_start3A_677, %dma_start3A_678, %dma_start3A_684] : memref<2x5x80xi32, #tpu.memory_space<vmem>> -> memref<1x1x80xi32, #tpu.memory_space<vmem>>
      %dma_start3A_686 = tpu.memref_squeeze %dma_start3A_685 : memref<1x1x80xi32, #tpu.memory_space<vmem>> -> memref<80xi32, #tpu.memory_space<vmem>>
      %dma_start3A_687 = arith.constant 0 : i32
      %dma_start3A_688 = arith.constant 0 : i32
      %dma_start3A_689 = tpu.memref_slice %arg3[%dma_start3A_687, %dma_start3A_688] : memref<10240x128xf32, #tpu.memory_space<hbm>> -> memref<10240x128xf32, #tpu.memory_space<hbm>>
      tpu.enqueue_indirect_dma source(%dma_start3A_689 : memref<10240x128xf32, #tpu.memory_space<hbm>>) target(%dma_start3A_683 : memref<80x128xf32, #tpu.memory_space<vmem>>) offsets(%dma_start3A_686 : memref<80xi32, #tpu.memory_space<vmem>>) semaphore(%arg9 : memref<!tpu.dma_semaphore, #tpu.memory_space<semaphore_mem>>)
      %dma_wait3A_690 = arith.constant 1 : i32
      %dma_wait3A_691 = arith.constant 2 : i32
      %dma_wait3A_692 = arith.constant 1 : i32
      %dma_wait3A_693 = arith.constant 0 : i32
      %dma_wait3A_694 = arith.constant 0 : i32
      %dma_wait3A_695 = tpu.memref_slice %arg7[%dma_wait3A_692, %dma_wait3A_693, %dma_wait3A_694] : memref<3x80x128xf32, #tpu.memory_space<vmem>> -> memref<1x80x128xf32, #tpu.memory_space<vmem>>
      %dma_wait3A_696 = tpu.memref_squeeze %dma_wait3A_695 : memref<1x80x128xf32, #tpu.memory_space<vmem>> -> memref<80x128xf32, #tpu.memory_space<vmem>>
      %dma_wait3A_697 = arith.constant 0 : i32
      %dma_wait3A_698 = tpu.memref_slice %arg5[%dma_wait3A_690, %dma_wait3A_691, %dma_wait3A_697] : memref<2x5x80xi32, #tpu.memory_space<vmem>> -> memref<1x1x80xi32, #tpu.memory_space<vmem>>
      %dma_wait3A_699 = tpu.memref_squeeze %dma_wait3A_698 : memref<1x1x80xi32, #tpu.memory_space<vmem>> -> memref<80xi32, #tpu.memory_space<vmem>>
      %dma_wait3A_700 = arith.constant 0 : i32
      %dma_wait3A_701 = arith.constant 0 : i32
      %dma_wait3A_702 = tpu.memref_slice %arg3[%dma_wait3A_700, %dma_wait3A_701] : memref<10240x128xf32, #tpu.memory_space<hbm>> -> memref<10240x128xf32, #tpu.memory_space<hbm>>
      tpu.wait_indirect_dma semaphore(%arg10 : memref<!tpu.dma_semaphore, #tpu.memory_space<semaphore_mem>>) src(%dma_wait3A_702 : memref<10240x128xf32, #tpu.memory_space<hbm>>) dst(%dma_wait3A_696 : memref<80x128xf32, #tpu.memory_space<vmem>>)
      %dma_start3A_703 = arith.constant 1 : i32
      %dma_start3A_704 = arith.constant 1 : i32
      %dma_start3A_705 = arith.constant 2 : i32
      %dma_start3A_706 = arith.constant 0 : i32
      %dma_start3A_707 = arith.constant 0 : i32
      %dma_start3A_708 = tpu.memref_slice %arg7[%dma_start3A_703, %dma_start3A_706, %dma_start3A_707] : memref<3x80x128xf32, #tpu.memory_space<vmem>> -> memref<1x80x128xf32, #tpu.memory_space<vmem>>
      %dma_start3A_709 = tpu.memref_squeeze %dma_start3A_708 : memref<1x80x128xf32, #tpu.memory_space<vmem>> -> memref<80x128xf32, #tpu.memory_space<vmem>>
      %dma_start3A_710 = arith.constant 0 : i32
      %dma_start3A_711 = tpu.memref_slice %arg6[%dma_start3A_704, %dma_start3A_705, %dma_start3A_710] : memref<2x5x80xi32, #tpu.memory_space<vmem>> -> memref<1x1x80xi32, #tpu.memory_space<vmem>>
      %dma_start3A_712 = tpu.memref_squeeze %dma_start3A_711 : memref<1x1x80xi32, #tpu.memory_space<vmem>> -> memref<80xi32, #tpu.memory_space<vmem>>
      %dma_start3A_713 = arith.constant 0 : i32
      %dma_start3A_714 = arith.constant 0 : i32
      %dma_start3A_715 = tpu.memref_slice %arg8[%dma_start3A_713, %dma_start3A_714] : memref<10240x128xf32, #tpu.memory_space<vmem_shared>> -> memref<10240x128xf32, #tpu.memory_space<vmem_shared>>
      tpu.enqueue_indirect_dma source(%dma_start3A_709 : memref<80x128xf32, #tpu.memory_space<vmem>>) target(%dma_start3A_715 : memref<10240x128xf32, #tpu.memory_space<vmem_shared>>) offsets(%dma_start3A_712 : memref<80xi32, #tpu.memory_space<vmem>>) semaphore(%arg13 : memref<!tpu.dma_semaphore, #tpu.memory_space<semaphore_mem>>) {add = true}
      %dma_wait3A_716 = arith.constant 1 : i32
      %dma_wait3A_717 = arith.constant 3 : i32
      %dma_wait3A_718 = arith.constant 2 : i32
      %dma_wait3A_719 = arith.constant 0 : i32
      %dma_wait3A_720 = arith.constant 0 : i32
      %dma_wait3A_721 = tpu.memref_slice %arg7[%dma_wait3A_718, %dma_wait3A_719, %dma_wait3A_720] : memref<3x80x128xf32, #tpu.memory_space<vmem>> -> memref<1x80x128xf32, #tpu.memory_space<vmem>>
      %dma_wait3A_722 = tpu.memref_squeeze %dma_wait3A_721 : memref<1x80x128xf32, #tpu.memory_space<vmem>> -> memref<80x128xf32, #tpu.memory_space<vmem>>
      %dma_wait3A_723 = arith.constant 0 : i32
      %dma_wait3A_724 = tpu.memref_slice %arg5[%dma_wait3A_716, %dma_wait3A_717, %dma_wait3A_723] : memref<2x5x80xi32, #tpu.memory_space<vmem>> -> memref<1x1x80xi32, #tpu.memory_space<vmem>>
      %dma_wait3A_725 = tpu.memref_squeeze %dma_wait3A_724 : memref<1x1x80xi32, #tpu.memory_space<vmem>> -> memref<80xi32, #tpu.memory_space<vmem>>
      %dma_wait3A_726 = arith.constant 0 : i32
      %dma_wait3A_727 = arith.constant 0 : i32
      %dma_wait3A_728 = tpu.memref_slice %arg3[%dma_wait3A_726, %dma_wait3A_727] : memref<10240x128xf32, #tpu.memory_space<hbm>> -> memref<10240x128xf32, #tpu.memory_space<hbm>>
      tpu.wait_indirect_dma semaphore(%arg11 : memref<!tpu.dma_semaphore, #tpu.memory_space<semaphore_mem>>) src(%dma_wait3A_728 : memref<10240x128xf32, #tpu.memory_space<hbm>>) dst(%dma_wait3A_722 : memref<80x128xf32, #tpu.memory_space<vmem>>)
      %dma_start3A_729 = arith.constant 2 : i32
      %dma_start3A_730 = arith.constant 1 : i32
      %dma_start3A_731 = arith.constant 3 : i32
      %dma_start3A_732 = arith.constant 0 : i32
      %dma_start3A_733 = arith.constant 0 : i32
      %dma_start3A_734 = tpu.memref_slice %arg7[%dma_start3A_729, %dma_start3A_732, %dma_start3A_733] : memref<3x80x128xf32, #tpu.memory_space<vmem>> -> memref<1x80x128xf32, #tpu.memory_space<vmem>>
      %dma_start3A_735 = tpu.memref_squeeze %dma_start3A_734 : memref<1x80x128xf32, #tpu.memory_space<vmem>> -> memref<80x128xf32, #tpu.memory_space<vmem>>
      %dma_start3A_736 = arith.constant 0 : i32
      %dma_start3A_737 = tpu.memref_slice %arg6[%dma_start3A_730, %dma_start3A_731, %dma_start3A_736] : memref<2x5x80xi32, #tpu.memory_space<vmem>> -> memref<1x1x80xi32, #tpu.memory_space<vmem>>
      %dma_start3A_738 = tpu.memref_squeeze %dma_start3A_737 : memref<1x1x80xi32, #tpu.memory_space<vmem>> -> memref<80xi32, #tpu.memory_space<vmem>>
      %dma_start3A_739 = arith.constant 0 : i32
      %dma_start3A_740 = arith.constant 0 : i32
      %dma_start3A_741 = tpu.memref_slice %arg8[%dma_start3A_739, %dma_start3A_740] : memref<10240x128xf32, #tpu.memory_space<vmem_shared>> -> memref<10240x128xf32, #tpu.memory_space<vmem_shared>>
      tpu.enqueue_indirect_dma source(%dma_start3A_735 : memref<80x128xf32, #tpu.memory_space<vmem>>) target(%dma_start3A_741 : memref<10240x128xf32, #tpu.memory_space<vmem_shared>>) offsets(%dma_start3A_738 : memref<80xi32, #tpu.memory_space<vmem>>) semaphore(%arg14 : memref<!tpu.dma_semaphore, #tpu.memory_space<semaphore_mem>>) {add = true}
      %dma_wait3A_742 = arith.constant 1 : i32
      %dma_wait3A_743 = arith.constant 4 : i32
      %dma_wait3A_744 = arith.constant 0 : i32
      %dma_wait3A_745 = arith.constant 0 : i32
      %dma_wait3A_746 = arith.constant 0 : i32
      %dma_wait3A_747 = tpu.memref_slice %arg7[%dma_wait3A_744, %dma_wait3A_745, %dma_wait3A_746] : memref<3x80x128xf32, #tpu.memory_space<vmem>> -> memref<1x80x128xf32, #tpu.memory_space<vmem>>
      %dma_wait3A_748 = tpu.memref_squeeze %dma_wait3A_747 : memref<1x80x128xf32, #tpu.memory_space<vmem>> -> memref<80x128xf32, #tpu.memory_space<vmem>>
      %dma_wait3A_749 = arith.constant 0 : i32
      %dma_wait3A_750 = tpu.memref_slice %arg5[%dma_wait3A_742, %dma_wait3A_743, %dma_wait3A_749] : memref<2x5x80xi32, #tpu.memory_space<vmem>> -> memref<1x1x80xi32, #tpu.memory_space<vmem>>
      %dma_wait3A_751 = tpu.memref_squeeze %dma_wait3A_750 : memref<1x1x80xi32, #tpu.memory_space<vmem>> -> memref<80xi32, #tpu.memory_space<vmem>>
      %dma_wait3A_752 = arith.constant 0 : i32
      %dma_wait3A_753 = arith.constant 0 : i32
      %dma_wait3A_754 = tpu.memref_slice %arg3[%dma_wait3A_752, %dma_wait3A_753] : memref<10240x128xf32, #tpu.memory_space<hbm>> -> memref<10240x128xf32, #tpu.memory_space<hbm>>
      tpu.wait_indirect_dma semaphore(%arg9 : memref<!tpu.dma_semaphore, #tpu.memory_space<semaphore_mem>>) src(%dma_wait3A_754 : memref<10240x128xf32, #tpu.memory_space<hbm>>) dst(%dma_wait3A_748 : memref<80x128xf32, #tpu.memory_space<vmem>>)
      %dma_start3A_755 = arith.constant 0 : i32
      %dma_start3A_756 = arith.constant 1 : i32
      %dma_start3A_757 = arith.constant 4 : i32
      %dma_start3A_758 = arith.constant 0 : i32
      %dma_start3A_759 = arith.constant 0 : i32
      %dma_start3A_760 = tpu.memref_slice %arg7[%dma_start3A_755, %dma_start3A_758, %dma_start3A_759] : memref<3x80x128xf32, #tpu.memory_space<vmem>> -> memref<1x80x128xf32, #tpu.memory_space<vmem>>
      %dma_start3A_761 = tpu.memref_squeeze %dma_start3A_760 : memref<1x80x128xf32, #tpu.memory_space<vmem>> -> memref<80x128xf32, #tpu.memory_space<vmem>>
      %dma_start3A_762 = arith.constant 0 : i32
      %dma_start3A_763 = tpu.memref_slice %arg6[%dma_start3A_756, %dma_start3A_757, %dma_start3A_762] : memref<2x5x80xi32, #tpu.memory_space<vmem>> -> memref<1x1x80xi32, #tpu.memory_space<vmem>>
      %dma_start3A_764 = tpu.memref_squeeze %dma_start3A_763 : memref<1x1x80xi32, #tpu.memory_space<vmem>> -> memref<80xi32, #tpu.memory_space<vmem>>
      %dma_start3A_765 = arith.constant 0 : i32
      %dma_start3A_766 = arith.constant 0 : i32
      %dma_start3A_767 = tpu.memref_slice %arg8[%dma_start3A_765, %dma_start3A_766] : memref<10240x128xf32, #tpu.memory_space<vmem_shared>> -> memref<10240x128xf32, #tpu.memory_space<vmem_shared>>
      tpu.enqueue_indirect_dma source(%dma_start3A_761 : memref<80x128xf32, #tpu.memory_space<vmem>>) target(%dma_start3A_767 : memref<10240x128xf32, #tpu.memory_space<vmem_shared>>) offsets(%dma_start3A_764 : memref<80xi32, #tpu.memory_space<vmem>>) semaphore(%arg12 : memref<!tpu.dma_semaphore, #tpu.memory_space<semaphore_mem>>) {add = true}
      %dma_wait3A_768 = arith.constant 1 : i32
      %dma_wait3A_769 = arith.constant 1 : i32
      %dma_wait3A_770 = arith.constant 2 : i32
      %dma_wait3A_771 = arith.constant 0 : i32
      %dma_wait3A_772 = arith.constant 0 : i32
      %dma_wait3A_773 = tpu.memref_slice %arg7[%dma_wait3A_768, %dma_wait3A_771, %dma_wait3A_772] : memref<3x80x128xf32, #tpu.memory_space<vmem>> -> memref<1x80x128xf32, #tpu.memory_space<vmem>>
      %dma_wait3A_774 = tpu.memref_squeeze %dma_wait3A_773 : memref<1x80x128xf32, #tpu.memory_space<vmem>> -> memref<80x128xf32, #tpu.memory_space<vmem>>
      %dma_wait3A_775 = arith.constant 0 : i32
      %dma_wait3A_776 = tpu.memref_slice %arg6[%dma_wait3A_769, %dma_wait3A_770, %dma_wait3A_775] : memref<2x5x80xi32, #tpu.memory_space<vmem>> -> memref<1x1x80xi32, #tpu.memory_space<vmem>>
      %dma_wait3A_777 = tpu.memref_squeeze %dma_wait3A_776 : memref<1x1x80xi32, #tpu.memory_space<vmem>> -> memref<80xi32, #tpu.memory_space<vmem>>
      %dma_wait3A_778 = arith.constant 0 : i32
      %dma_wait3A_779 = arith.constant 0 : i32
      %dma_wait3A_780 = tpu.memref_slice %arg8[%dma_wait3A_778, %dma_wait3A_779] : memref<10240x128xf32, #tpu.memory_space<vmem_shared>> -> memref<10240x128xf32, #tpu.memory_space<vmem_shared>>
      tpu.wait_indirect_dma semaphore(%arg13 : memref<!tpu.dma_semaphore, #tpu.memory_space<semaphore_mem>>) src(%dma_wait3A_774 : memref<80x128xf32, #tpu.memory_space<vmem>>) dst(%dma_wait3A_780 : memref<10240x128xf32, #tpu.memory_space<vmem_shared>>)
      %dma_wait3A_781 = arith.constant 2 : i32
      %dma_wait3A_782 = arith.constant 1 : i32
      %dma_wait3A_783 = arith.constant 3 : i32
      %dma_wait3A_784 = arith.constant 0 : i32
      %dma_wait3A_785 = arith.constant 0 : i32
      %dma_wait3A_786 = tpu.memref_slice %arg7[%dma_wait3A_781, %dma_wait3A_784, %dma_wait3A_785] : memref<3x80x128xf32, #tpu.memory_space<vmem>> -> memref<1x80x128xf32, #tpu.memory_space<vmem>>
      %dma_wait3A_787 = tpu.memref_squeeze %dma_wait3A_786 : memref<1x80x128xf32, #tpu.memory_space<vmem>> -> memref<80x128xf32, #tpu.memory_space<vmem>>
      %dma_wait3A_788 = arith.constant 0 : i32
      %dma_wait3A_789 = tpu.memref_slice %arg6[%dma_wait3A_782, %dma_wait3A_783, %dma_wait3A_788] : memref<2x5x80xi32, #tpu.memory_space<vmem>> -> memref<1x1x80xi32, #tpu.memory_space<vmem>>
      %dma_wait3A_790 = tpu.memref_squeeze %dma_wait3A_789 : memref<1x1x80xi32, #tpu.memory_space<vmem>> -> memref<80xi32, #tpu.memory_space<vmem>>
      %dma_wait3A_791 = arith.constant 0 : i32
      %dma_wait3A_792 = arith.constant 0 : i32
      %dma_wait3A_793 = tpu.memref_slice %arg8[%dma_wait3A_791, %dma_wait3A_792] : memref<10240x128xf32, #tpu.memory_space<vmem_shared>> -> memref<10240x128xf32, #tpu.memory_space<vmem_shared>>
      tpu.wait_indirect_dma semaphore(%arg14 : memref<!tpu.dma_semaphore, #tpu.memory_space<semaphore_mem>>) src(%dma_wait3A_787 : memref<80x128xf32, #tpu.memory_space<vmem>>) dst(%dma_wait3A_793 : memref<10240x128xf32, #tpu.memory_space<vmem_shared>>)
      %dma_wait3A_794 = arith.constant 0 : i32
      %dma_wait3A_795 = arith.constant 1 : i32
      %dma_wait3A_796 = arith.constant 4 : i32
      %dma_wait3A_797 = arith.constant 0 : i32
      %dma_wait3A_798 = arith.constant 0 : i32
      %dma_wait3A_799 = tpu.memref_slice %arg7[%dma_wait3A_794, %dma_wait3A_797, %dma_wait3A_798] : memref<3x80x128xf32, #tpu.memory_space<vmem>> -> memref<1x80x128xf32, #tpu.memory_space<vmem>>
      %dma_wait3A_800 = tpu.memref_squeeze %dma_wait3A_799 : memref<1x80x128xf32, #tpu.memory_space<vmem>> -> memref<80x128xf32, #tpu.memory_space<vmem>>
      %dma_wait3A_801 = arith.constant 0 : i32
      %dma_wait3A_802 = tpu.memref_slice %arg6[%dma_wait3A_795, %dma_wait3A_796, %dma_wait3A_801] : memref<2x5x80xi32, #tpu.memory_space<vmem>> -> memref<1x1x80xi32, #tpu.memory_space<vmem>>
      %dma_wait3A_803 = tpu.memref_squeeze %dma_wait3A_802 : memref<1x1x80xi32, #tpu.memory_space<vmem>> -> memref<80xi32, #tpu.memory_space<vmem>>
      %dma_wait3A_804 = arith.constant 0 : i32
      %dma_wait3A_805 = arith.constant 0 : i32
      %dma_wait3A_806 = tpu.memref_slice %arg8[%dma_wait3A_804, %dma_wait3A_805] : memref<10240x128xf32, #tpu.memory_space<vmem_shared>> -> memref<10240x128xf32, #tpu.memory_space<vmem_shared>>
      tpu.wait_indirect_dma semaphore(%arg12 : memref<!tpu.dma_semaphore, #tpu.memory_space<semaphore_mem>>) src(%dma_wait3A_800 : memref<80x128xf32, #tpu.memory_space<vmem>>) dst(%dma_wait3A_806 : memref<10240x128xf32, #tpu.memory_space<vmem_shared>>)
      %scan3A_807 = arith.constant 0 : i32
      scf.yield %scan3A_807 : i32
    }
    %scan3A_14 = arith.constant 12 : i32
    %run_scoped3A = arith.constant 0 : i32
    %run_scoped3A_15 = arith.constant 24 : i32
    %run_scoped3A_16 = arith.constant 0 : i32
    "tpu.region"() ({
      %run_scoped3A_279 = tpu.sem_alloc : memref<!tpu.dma_semaphore, #tpu.memory_space<semaphore_mem>>
      %dma_start3A_280 = arith.constant 0 : i32
      %dma_start3A_281 = arith.constant 0 : i32
      %dma_start3A_282 = tpu.memref_slice %arg5[%run_scoped3A_16, %dma_start3A_280, %dma_start3A_281] : memref<2x5x80xi32, #tpu.memory_space<vmem>> -> memref<1x5x80xi32, #tpu.memory_space<vmem>>
      %dma_start3A_283 = tpu.memref_squeeze %dma_start3A_282 : memref<1x5x80xi32, #tpu.memory_space<vmem>> -> memref<5x80xi32, #tpu.memory_space<vmem>>
      %dma_start3A_284 = arith.constant 0 : i32
      %dma_start3A_285 = arith.constant 0 : i32
      %dma_start3A_286 = tpu.memref_slice %arg2[%run_scoped3A, %add3A, %run_scoped3A_15, %dma_start3A_284, %dma_start3A_285] : memref<2x32x25x5x80xi32, #tpu.memory_space<hbm>> -> memref<1x1x1x5x80xi32, #tpu.memory_space<hbm>>
      %dma_start3A_287 = tpu.memref_squeeze %dma_start3A_286 : memref<1x1x1x5x80xi32, #tpu.memory_space<hbm>> -> memref<5x80xi32, #tpu.memory_space<hbm>>
      %dma_start3A_288 = arith.constant 0 : i32
      %dma_start3A_289 = arith.constant 0 : i32
      %dma_start3A_290 = tpu.memref_slice %arg5[%run_scoped3A_16, %dma_start3A_288, %dma_start3A_289] : memref<2x5x80xi32, #tpu.memory_space<vmem>> -> memref<1x5x80xi32, #tpu.memory_space<vmem>>
      %dma_start3A_291 = tpu.memref_squeeze %dma_start3A_290 : memref<1x5x80xi32, #tpu.memory_space<vmem>> -> memref<5x80xi32, #tpu.memory_space<vmem>>
      %dma_start3A_292 = arith.constant 0 : i32
      %dma_start3A_293 = arith.constant 0 : i32
      %dma_start3A_294 = tpu.memref_slice %arg2[%run_scoped3A, %add3A, %run_scoped3A_15, %dma_start3A_292, %dma_start3A_293] : memref<2x32x25x5x80xi32, #tpu.memory_space<hbm>> -> memref<1x1x1x5x80xi32, #tpu.memory_space<hbm>>
      %dma_start3A_295 = tpu.memref_squeeze %dma_start3A_294 : memref<1x1x1x5x80xi32, #tpu.memory_space<hbm>> -> memref<5x80xi32, #tpu.memory_space<hbm>>
      tpu.enqueue_dma source(%dma_start3A_295 : memref<5x80xi32, #tpu.memory_space<hbm>>) target(%dma_start3A_291 : memref<5x80xi32, #tpu.memory_space<vmem>>) target_semaphore(%run_scoped3A_279 : memref<!tpu.dma_semaphore, #tpu.memory_space<semaphore_mem>>)
      %dma_wait3A_296 = arith.constant 0 : i32
      %dma_wait3A_297 = arith.constant 0 : i32
      %dma_wait3A_298 = tpu.memref_slice %arg5[%run_scoped3A_16, %dma_wait3A_296, %dma_wait3A_297] : memref<2x5x80xi32, #tpu.memory_space<vmem>> -> memref<1x5x80xi32, #tpu.memory_space<vmem>>
      %dma_wait3A_299 = tpu.memref_squeeze %dma_wait3A_298 : memref<1x5x80xi32, #tpu.memory_space<vmem>> -> memref<5x80xi32, #tpu.memory_space<vmem>>
      %dma_wait3A_300 = arith.constant 0 : i32
      %dma_wait3A_301 = arith.constant 0 : i32
      %dma_wait3A_302 = tpu.memref_slice %arg2[%run_scoped3A, %add3A, %run_scoped3A_15, %dma_wait3A_300, %dma_wait3A_301] : memref<2x32x25x5x80xi32, #tpu.memory_space<hbm>> -> memref<1x1x1x5x80xi32, #tpu.memory_space<hbm>>
      %dma_wait3A_303 = tpu.memref_squeeze %dma_wait3A_302 : memref<1x1x1x5x80xi32, #tpu.memory_space<hbm>> -> memref<5x80xi32, #tpu.memory_space<hbm>>
      %dma_wait3A_304 = arith.constant 0 : i32
      %dma_wait3A_305 = arith.constant 0 : i32
      %dma_wait3A_306 = tpu.memref_slice %arg5[%run_scoped3A_16, %dma_wait3A_304, %dma_wait3A_305] : memref<2x5x80xi32, #tpu.memory_space<vmem>> -> memref<1x5x80xi32, #tpu.memory_space<vmem>>
      %dma_wait3A_307 = tpu.memref_squeeze %dma_wait3A_306 : memref<1x5x80xi32, #tpu.memory_space<vmem>> -> memref<5x80xi32, #tpu.memory_space<vmem>>
      %dma_wait3A_308 = arith.constant 0 : i32
      %dma_wait3A_309 = arith.constant 0 : i32
      %dma_wait3A_310 = tpu.memref_slice %arg2[%run_scoped3A, %add3A, %run_scoped3A_15, %dma_wait3A_308, %dma_wait3A_309] : memref<2x32x25x5x80xi32, #tpu.memory_space<hbm>> -> memref<1x1x1x5x80xi32, #tpu.memory_space<hbm>>
      %dma_wait3A_311 = tpu.memref_squeeze %dma_wait3A_310 : memref<1x1x1x5x80xi32, #tpu.memory_space<hbm>> -> memref<5x80xi32, #tpu.memory_space<hbm>>
      tpu.wait_dma2 semaphore(%run_scoped3A_279 : memref<!tpu.dma_semaphore, #tpu.memory_space<semaphore_mem>>) src(%dma_wait3A_311 : memref<5x80xi32, #tpu.memory_space<hbm>>) dst(%dma_wait3A_307 : memref<5x80xi32, #tpu.memory_space<vmem>>)
      tpu.yield
    }) : () -> ()
    %run_scoped3A_17 = arith.constant 1 : i32
    %run_scoped3A_18 = arith.constant 24 : i32
    %run_scoped3A_19 = arith.constant 0 : i32
    "tpu.region"() ({
      %run_scoped3A_279 = tpu.sem_alloc : memref<!tpu.dma_semaphore, #tpu.memory_space<semaphore_mem>>
      %dma_start3A_280 = arith.constant 0 : i32
      %dma_start3A_281 = arith.constant 0 : i32
      %dma_start3A_282 = tpu.memref_slice %arg6[%run_scoped3A_19, %dma_start3A_280, %dma_start3A_281] : memref<2x5x80xi32, #tpu.memory_space<vmem>> -> memref<1x5x80xi32, #tpu.memory_space<vmem>>
      %dma_start3A_283 = tpu.memref_squeeze %dma_start3A_282 : memref<1x5x80xi32, #tpu.memory_space<vmem>> -> memref<5x80xi32, #tpu.memory_space<vmem>>
      %dma_start3A_284 = arith.constant 0 : i32
      %dma_start3A_285 = arith.constant 0 : i32
      %dma_start3A_286 = tpu.memref_slice %arg2[%run_scoped3A_17, %add3A, %run_scoped3A_18, %dma_start3A_284, %dma_start3A_285] : memref<2x32x25x5x80xi32, #tpu.memory_space<hbm>> -> memref<1x1x1x5x80xi32, #tpu.memory_space<hbm>>
      %dma_start3A_287 = tpu.memref_squeeze %dma_start3A_286 : memref<1x1x1x5x80xi32, #tpu.memory_space<hbm>> -> memref<5x80xi32, #tpu.memory_space<hbm>>
      %dma_start3A_288 = arith.constant 0 : i32
      %dma_start3A_289 = arith.constant 0 : i32
      %dma_start3A_290 = tpu.memref_slice %arg6[%run_scoped3A_19, %dma_start3A_288, %dma_start3A_289] : memref<2x5x80xi32, #tpu.memory_space<vmem>> -> memref<1x5x80xi32, #tpu.memory_space<vmem>>
      %dma_start3A_291 = tpu.memref_squeeze %dma_start3A_290 : memref<1x5x80xi32, #tpu.memory_space<vmem>> -> memref<5x80xi32, #tpu.memory_space<vmem>>
      %dma_start3A_292 = arith.constant 0 : i32
      %dma_start3A_293 = arith.constant 0 : i32
      %dma_start3A_294 = tpu.memref_slice %arg2[%run_scoped3A_17, %add3A, %run_scoped3A_18, %dma_start3A_292, %dma_start3A_293] : memref<2x32x25x5x80xi32, #tpu.memory_space<hbm>> -> memref<1x1x1x5x80xi32, #tpu.memory_space<hbm>>
      %dma_start3A_295 = tpu.memref_squeeze %dma_start3A_294 : memref<1x1x1x5x80xi32, #tpu.memory_space<hbm>> -> memref<5x80xi32, #tpu.memory_space<hbm>>
      tpu.enqueue_dma source(%dma_start3A_295 : memref<5x80xi32, #tpu.memory_space<hbm>>) target(%dma_start3A_291 : memref<5x80xi32, #tpu.memory_space<vmem>>) target_semaphore(%run_scoped3A_279 : memref<!tpu.dma_semaphore, #tpu.memory_space<semaphore_mem>>)
      %dma_wait3A_296 = arith.constant 0 : i32
      %dma_wait3A_297 = arith.constant 0 : i32
      %dma_wait3A_298 = tpu.memref_slice %arg6[%run_scoped3A_19, %dma_wait3A_296, %dma_wait3A_297] : memref<2x5x80xi32, #tpu.memory_space<vmem>> -> memref<1x5x80xi32, #tpu.memory_space<vmem>>
      %dma_wait3A_299 = tpu.memref_squeeze %dma_wait3A_298 : memref<1x5x80xi32, #tpu.memory_space<vmem>> -> memref<5x80xi32, #tpu.memory_space<vmem>>
      %dma_wait3A_300 = arith.constant 0 : i32
      %dma_wait3A_301 = arith.constant 0 : i32
      %dma_wait3A_302 = tpu.memref_slice %arg2[%run_scoped3A_17, %add3A, %run_scoped3A_18, %dma_wait3A_300, %dma_wait3A_301] : memref<2x32x25x5x80xi32, #tpu.memory_space<hbm>> -> memref<1x1x1x5x80xi32, #tpu.memory_space<hbm>>
      %dma_wait3A_303 = tpu.memref_squeeze %dma_wait3A_302 : memref<1x1x1x5x80xi32, #tpu.memory_space<hbm>> -> memref<5x80xi32, #tpu.memory_space<hbm>>
      %dma_wait3A_304 = arith.constant 0 : i32
      %dma_wait3A_305 = arith.constant 0 : i32
      %dma_wait3A_306 = tpu.memref_slice %arg6[%run_scoped3A_19, %dma_wait3A_304, %dma_wait3A_305] : memref<2x5x80xi32, #tpu.memory_space<vmem>> -> memref<1x5x80xi32, #tpu.memory_space<vmem>>
      %dma_wait3A_307 = tpu.memref_squeeze %dma_wait3A_306 : memref<1x5x80xi32, #tpu.memory_space<vmem>> -> memref<5x80xi32, #tpu.memory_space<vmem>>
      %dma_wait3A_308 = arith.constant 0 : i32
      %dma_wait3A_309 = arith.constant 0 : i32
      %dma_wait3A_310 = tpu.memref_slice %arg2[%run_scoped3A_17, %add3A, %run_scoped3A_18, %dma_wait3A_308, %dma_wait3A_309] : memref<2x32x25x5x80xi32, #tpu.memory_space<hbm>> -> memref<1x1x1x5x80xi32, #tpu.memory_space<hbm>>
      %dma_wait3A_311 = tpu.memref_squeeze %dma_wait3A_310 : memref<1x1x1x5x80xi32, #tpu.memory_space<hbm>> -> memref<5x80xi32, #tpu.memory_space<hbm>>
      tpu.wait_dma2 semaphore(%run_scoped3A_279 : memref<!tpu.dma_semaphore, #tpu.memory_space<semaphore_mem>>) src(%dma_wait3A_311 : memref<5x80xi32, #tpu.memory_space<hbm>>) dst(%dma_wait3A_307 : memref<5x80xi32, #tpu.memory_space<vmem>>)
      tpu.yield
    }) : () -> ()
    %dma_start3A = arith.constant 0 : i32
    %dma_start3A_20 = arith.constant 0 : i32
    %dma_start3A_21 = arith.constant 0 : i32
    %dma_start3A_22 = arith.constant 0 : i32
    %dma_start3A_23 = arith.constant 0 : i32
    %dma_start3A_24 = tpu.memref_slice %arg7[%dma_start3A_21, %dma_start3A_22, %dma_start3A_23] : memref<3x80x128xf32, #tpu.memory_space<vmem>> -> memref<1x80x128xf32, #tpu.memory_space<vmem>>
    %dma_start3A_25 = tpu.memref_squeeze %dma_start3A_24 : memref<1x80x128xf32, #tpu.memory_space<vmem>> -> memref<80x128xf32, #tpu.memory_space<vmem>>
    %dma_start3A_26 = arith.constant 0 : i32
    %dma_start3A_27 = tpu.memref_slice %arg5[%dma_start3A, %dma_start3A_20, %dma_start3A_26] : memref<2x5x80xi32, #tpu.memory_space<vmem>> -> memref<1x1x80xi32, #tpu.memory_space<vmem>>
    %dma_start3A_28 = tpu.memref_squeeze %dma_start3A_27 : memref<1x1x80xi32, #tpu.memory_space<vmem>> -> memref<80xi32, #tpu.memory_space<vmem>>
    %dma_start3A_29 = arith.constant 0 : i32
    %dma_start3A_30 = arith.constant 0 : i32
    %dma_start3A_31 = tpu.memref_slice %arg3[%dma_start3A_29, %dma_start3A_30] : memref<10240x128xf32, #tpu.memory_space<hbm>> -> memref<10240x128xf32, #tpu.memory_space<hbm>>
    tpu.enqueue_indirect_dma source(%dma_start3A_31 : memref<10240x128xf32, #tpu.memory_space<hbm>>) target(%dma_start3A_25 : memref<80x128xf32, #tpu.memory_space<vmem>>) offsets(%dma_start3A_28 : memref<80xi32, #tpu.memory_space<vmem>>) semaphore(%arg9 : memref<!tpu.dma_semaphore, #tpu.memory_space<semaphore_mem>>)
    %dma_start3A_32 = arith.constant 0 : i32
    %dma_start3A_33 = arith.constant 1 : i32
    %dma_start3A_34 = arith.constant 1 : i32
    %dma_start3A_35 = arith.constant 0 : i32
    %dma_start3A_36 = arith.constant 0 : i32
    %dma_start3A_37 = tpu.memref_slice %arg7[%dma_start3A_34, %dma_start3A_35, %dma_start3A_36] : memref<3x80x128xf32, #tpu.memory_space<vmem>> -> memref<1x80x128xf32, #tpu.memory_space<vmem>>
    %dma_start3A_38 = tpu.memref_squeeze %dma_start3A_37 : memref<1x80x128xf32, #tpu.memory_space<vmem>> -> memref<80x128xf32, #tpu.memory_space<vmem>>
    %dma_start3A_39 = arith.constant 0 : i32
    %dma_start3A_40 = tpu.memref_slice %arg5[%dma_start3A_32, %dma_start3A_33, %dma_start3A_39] : memref<2x5x80xi32, #tpu.memory_space<vmem>> -> memref<1x1x80xi32, #tpu.memory_space<vmem>>
    %dma_start3A_41 = tpu.memref_squeeze %dma_start3A_40 : memref<1x1x80xi32, #tpu.memory_space<vmem>> -> memref<80xi32, #tpu.memory_space<vmem>>
    %dma_start3A_42 = arith.constant 0 : i32
    %dma_start3A_43 = arith.constant 0 : i32
    %dma_start3A_44 = tpu.memref_slice %arg3[%dma_start3A_42, %dma_start3A_43] : memref<10240x128xf32, #tpu.memory_space<hbm>> -> memref<10240x128xf32, #tpu.memory_space<hbm>>
    tpu.enqueue_indirect_dma source(%dma_start3A_44 : memref<10240x128xf32, #tpu.memory_space<hbm>>) target(%dma_start3A_38 : memref<80x128xf32, #tpu.memory_space<vmem>>) offsets(%dma_start3A_41 : memref<80xi32, #tpu.memory_space<vmem>>) semaphore(%arg10 : memref<!tpu.dma_semaphore, #tpu.memory_space<semaphore_mem>>)
    %dma_start3A_45 = arith.constant 0 : i32
    %dma_start3A_46 = arith.constant 2 : i32
    %dma_start3A_47 = arith.constant 2 : i32
    %dma_start3A_48 = arith.constant 0 : i32
    %dma_start3A_49 = arith.constant 0 : i32
    %dma_start3A_50 = tpu.memref_slice %arg7[%dma_start3A_47, %dma_start3A_48, %dma_start3A_49] : memref<3x80x128xf32, #tpu.memory_space<vmem>> -> memref<1x80x128xf32, #tpu.memory_space<vmem>>
    %dma_start3A_51 = tpu.memref_squeeze %dma_start3A_50 : memref<1x80x128xf32, #tpu.memory_space<vmem>> -> memref<80x128xf32, #tpu.memory_space<vmem>>
    %dma_start3A_52 = arith.constant 0 : i32
    %dma_start3A_53 = tpu.memref_slice %arg5[%dma_start3A_45, %dma_start3A_46, %dma_start3A_52] : memref<2x5x80xi32, #tpu.memory_space<vmem>> -> memref<1x1x80xi32, #tpu.memory_space<vmem>>
    %dma_start3A_54 = tpu.memref_squeeze %dma_start3A_53 : memref<1x1x80xi32, #tpu.memory_space<vmem>> -> memref<80xi32, #tpu.memory_space<vmem>>
    %dma_start3A_55 = arith.constant 0 : i32
    %dma_start3A_56 = arith.constant 0 : i32
    %dma_start3A_57 = tpu.memref_slice %arg3[%dma_start3A_55, %dma_start3A_56] : memref<10240x128xf32, #tpu.memory_space<hbm>> -> memref<10240x128xf32, #tpu.memory_space<hbm>>
    tpu.enqueue_indirect_dma source(%dma_start3A_57 : memref<10240x128xf32, #tpu.memory_space<hbm>>) target(%dma_start3A_51 : memref<80x128xf32, #tpu.memory_space<vmem>>) offsets(%dma_start3A_54 : memref<80xi32, #tpu.memory_space<vmem>>) semaphore(%arg11 : memref<!tpu.dma_semaphore, #tpu.memory_space<semaphore_mem>>)
    %dma_wait3A = arith.constant 0 : i32
    %dma_wait3A_58 = arith.constant 0 : i32
    %dma_wait3A_59 = arith.constant 0 : i32
    %dma_wait3A_60 = arith.constant 0 : i32
    %dma_wait3A_61 = arith.constant 0 : i32
    %dma_wait3A_62 = tpu.memref_slice %arg7[%dma_wait3A_59, %dma_wait3A_60, %dma_wait3A_61] : memref<3x80x128xf32, #tpu.memory_space<vmem>> -> memref<1x80x128xf32, #tpu.memory_space<vmem>>
    %dma_wait3A_63 = tpu.memref_squeeze %dma_wait3A_62 : memref<1x80x128xf32, #tpu.memory_space<vmem>> -> memref<80x128xf32, #tpu.memory_space<vmem>>
    %dma_wait3A_64 = arith.constant 0 : i32
    %dma_wait3A_65 = tpu.memref_slice %arg5[%dma_wait3A, %dma_wait3A_58, %dma_wait3A_64] : memref<2x5x80xi32, #tpu.memory_space<vmem>> -> memref<1x1x80xi32, #tpu.memory_space<vmem>>
    %dma_wait3A_66 = tpu.memref_squeeze %dma_wait3A_65 : memref<1x1x80xi32, #tpu.memory_space<vmem>> -> memref<80xi32, #tpu.memory_space<vmem>>
    %dma_wait3A_67 = arith.constant 0 : i32
    %dma_wait3A_68 = arith.constant 0 : i32
    %dma_wait3A_69 = tpu.memref_slice %arg3[%dma_wait3A_67, %dma_wait3A_68] : memref<10240x128xf32, #tpu.memory_space<hbm>> -> memref<10240x128xf32, #tpu.memory_space<hbm>>
    tpu.wait_indirect_dma semaphore(%arg9 : memref<!tpu.dma_semaphore, #tpu.memory_space<semaphore_mem>>) src(%dma_wait3A_69 : memref<10240x128xf32, #tpu.memory_space<hbm>>) dst(%dma_wait3A_63 : memref<80x128xf32, #tpu.memory_space<vmem>>)
    %dma_start3A_70 = arith.constant 0 : i32
    %dma_start3A_71 = arith.constant 0 : i32
    %dma_start3A_72 = arith.constant 0 : i32
    %dma_start3A_73 = arith.constant 0 : i32
    %dma_start3A_74 = arith.constant 0 : i32
    %dma_start3A_75 = tpu.memref_slice %arg7[%dma_start3A_70, %dma_start3A_73, %dma_start3A_74] : memref<3x80x128xf32, #tpu.memory_space<vmem>> -> memref<1x80x128xf32, #tpu.memory_space<vmem>>
    %dma_start3A_76 = tpu.memref_squeeze %dma_start3A_75 : memref<1x80x128xf32, #tpu.memory_space<vmem>> -> memref<80x128xf32, #tpu.memory_space<vmem>>
    %dma_start3A_77 = arith.constant 0 : i32
    %dma_start3A_78 = tpu.memref_slice %arg6[%dma_start3A_71, %dma_start3A_72, %dma_start3A_77] : memref<2x5x80xi32, #tpu.memory_space<vmem>> -> memref<1x1x80xi32, #tpu.memory_space<vmem>>
    %dma_start3A_79 = tpu.memref_squeeze %dma_start3A_78 : memref<1x1x80xi32, #tpu.memory_space<vmem>> -> memref<80xi32, #tpu.memory_space<vmem>>
    %dma_start3A_80 = arith.constant 0 : i32
    %dma_start3A_81 = arith.constant 0 : i32
    %dma_start3A_82 = tpu.memref_slice %arg8[%dma_start3A_80, %dma_start3A_81] : memref<10240x128xf32, #tpu.memory_space<vmem_shared>> -> memref<10240x128xf32, #tpu.memory_space<vmem_shared>>
    tpu.enqueue_indirect_dma source(%dma_start3A_76 : memref<80x128xf32, #tpu.memory_space<vmem>>) target(%dma_start3A_82 : memref<10240x128xf32, #tpu.memory_space<vmem_shared>>) offsets(%dma_start3A_79 : memref<80xi32, #tpu.memory_space<vmem>>) semaphore(%arg12 : memref<!tpu.dma_semaphore, #tpu.memory_space<semaphore_mem>>) {add = true}
    %dma_wait3A_83 = arith.constant 0 : i32
    %dma_wait3A_84 = arith.constant 0 : i32
    %dma_wait3A_85 = arith.constant 0 : i32
    %dma_wait3A_86 = arith.constant 0 : i32
    %dma_wait3A_87 = arith.constant 0 : i32
    %dma_wait3A_88 = tpu.memref_slice %arg7[%dma_wait3A_83, %dma_wait3A_86, %dma_wait3A_87] : memref<3x80x128xf32, #tpu.memory_space<vmem>> -> memref<1x80x128xf32, #tpu.memory_space<vmem>>
    %dma_wait3A_89 = tpu.memref_squeeze %dma_wait3A_88 : memref<1x80x128xf32, #tpu.memory_space<vmem>> -> memref<80x128xf32, #tpu.memory_space<vmem>>
    %dma_wait3A_90 = arith.constant 0 : i32
    %dma_wait3A_91 = tpu.memref_slice %arg6[%dma_wait3A_84, %dma_wait3A_85, %dma_wait3A_90] : memref<2x5x80xi32, #tpu.memory_space<vmem>> -> memref<1x1x80xi32, #tpu.memory_space<vmem>>
    %dma_wait3A_92 = tpu.memref_squeeze %dma_wait3A_91 : memref<1x1x80xi32, #tpu.memory_space<vmem>> -> memref<80xi32, #tpu.memory_space<vmem>>
    %dma_wait3A_93 = arith.constant 0 : i32
    %dma_wait3A_94 = arith.constant 0 : i32
    %dma_wait3A_95 = tpu.memref_slice %arg8[%dma_wait3A_93, %dma_wait3A_94] : memref<10240x128xf32, #tpu.memory_space<vmem_shared>> -> memref<10240x128xf32, #tpu.memory_space<vmem_shared>>
    tpu.wait_indirect_dma semaphore(%arg12 : memref<!tpu.dma_semaphore, #tpu.memory_space<semaphore_mem>>) src(%dma_wait3A_89 : memref<80x128xf32, #tpu.memory_space<vmem>>) dst(%dma_wait3A_95 : memref<10240x128xf32, #tpu.memory_space<vmem_shared>>)
    %dma_start3A_96 = arith.constant 0 : i32
    %dma_start3A_97 = arith.constant 3 : i32
    %dma_start3A_98 = arith.constant 0 : i32
    %dma_start3A_99 = arith.constant 0 : i32
    %dma_start3A_100 = arith.constant 0 : i32
    %dma_start3A_101 = tpu.memref_slice %arg7[%dma_start3A_98, %dma_start3A_99, %dma_start3A_100] : memref<3x80x128xf32, #tpu.memory_space<vmem>> -> memref<1x80x128xf32, #tpu.memory_space<vmem>>
    %dma_start3A_102 = tpu.memref_squeeze %dma_start3A_101 : memref<1x80x128xf32, #tpu.memory_space<vmem>> -> memref<80x128xf32, #tpu.memory_space<vmem>>
    %dma_start3A_103 = arith.constant 0 : i32
    %dma_start3A_104 = tpu.memref_slice %arg5[%dma_start3A_96, %dma_start3A_97, %dma_start3A_103] : memref<2x5x80xi32, #tpu.memory_space<vmem>> -> memref<1x1x80xi32, #tpu.memory_space<vmem>>
    %dma_start3A_105 = tpu.memref_squeeze %dma_start3A_104 : memref<1x1x80xi32, #tpu.memory_space<vmem>> -> memref<80xi32, #tpu.memory_space<vmem>>
    %dma_start3A_106 = arith.constant 0 : i32
    %dma_start3A_107 = arith.constant 0 : i32
    %dma_start3A_108 = tpu.memref_slice %arg3[%dma_start3A_106, %dma_start3A_107] : memref<10240x128xf32, #tpu.memory_space<hbm>> -> memref<10240x128xf32, #tpu.memory_space<hbm>>
    tpu.enqueue_indirect_dma source(%dma_start3A_108 : memref<10240x128xf32, #tpu.memory_space<hbm>>) target(%dma_start3A_102 : memref<80x128xf32, #tpu.memory_space<vmem>>) offsets(%dma_start3A_105 : memref<80xi32, #tpu.memory_space<vmem>>) semaphore(%arg9 : memref<!tpu.dma_semaphore, #tpu.memory_space<semaphore_mem>>)
    %dma_wait3A_109 = arith.constant 0 : i32
    %dma_wait3A_110 = arith.constant 1 : i32
    %dma_wait3A_111 = arith.constant 1 : i32
    %dma_wait3A_112 = arith.constant 0 : i32
    %dma_wait3A_113 = arith.constant 0 : i32
    %dma_wait3A_114 = tpu.memref_slice %arg7[%dma_wait3A_111, %dma_wait3A_112, %dma_wait3A_113] : memref<3x80x128xf32, #tpu.memory_space<vmem>> -> memref<1x80x128xf32, #tpu.memory_space<vmem>>
    %dma_wait3A_115 = tpu.memref_squeeze %dma_wait3A_114 : memref<1x80x128xf32, #tpu.memory_space<vmem>> -> memref<80x128xf32, #tpu.memory_space<vmem>>
    %dma_wait3A_116 = arith.constant 0 : i32
    %dma_wait3A_117 = tpu.memref_slice %arg5[%dma_wait3A_109, %dma_wait3A_110, %dma_wait3A_116] : memref<2x5x80xi32, #tpu.memory_space<vmem>> -> memref<1x1x80xi32, #tpu.memory_space<vmem>>
    %dma_wait3A_118 = tpu.memref_squeeze %dma_wait3A_117 : memref<1x1x80xi32, #tpu.memory_space<vmem>> -> memref<80xi32, #tpu.memory_space<vmem>>
    %dma_wait3A_119 = arith.constant 0 : i32
    %dma_wait3A_120 = arith.constant 0 : i32
    %dma_wait3A_121 = tpu.memref_slice %arg3[%dma_wait3A_119, %dma_wait3A_120] : memref<10240x128xf32, #tpu.memory_space<hbm>> -> memref<10240x128xf32, #tpu.memory_space<hbm>>
    tpu.wait_indirect_dma semaphore(%arg10 : memref<!tpu.dma_semaphore, #tpu.memory_space<semaphore_mem>>) src(%dma_wait3A_121 : memref<10240x128xf32, #tpu.memory_space<hbm>>) dst(%dma_wait3A_115 : memref<80x128xf32, #tpu.memory_space<vmem>>)
    %dma_start3A_122 = arith.constant 1 : i32
    %dma_start3A_123 = arith.constant 0 : i32
    %dma_start3A_124 = arith.constant 1 : i32
    %dma_start3A_125 = arith.constant 0 : i32
    %dma_start3A_126 = arith.constant 0 : i32
    %dma_start3A_127 = tpu.memref_slice %arg7[%dma_start3A_122, %dma_start3A_125, %dma_start3A_126] : memref<3x80x128xf32, #tpu.memory_space<vmem>> -> memref<1x80x128xf32, #tpu.memory_space<vmem>>
    %dma_start3A_128 = tpu.memref_squeeze %dma_start3A_127 : memref<1x80x128xf32, #tpu.memory_space<vmem>> -> memref<80x128xf32, #tpu.memory_space<vmem>>
    %dma_start3A_129 = arith.constant 0 : i32
    %dma_start3A_130 = tpu.memref_slice %arg6[%dma_start3A_123, %dma_start3A_124, %dma_start3A_129] : memref<2x5x80xi32, #tpu.memory_space<vmem>> -> memref<1x1x80xi32, #tpu.memory_space<vmem>>
    %dma_start3A_131 = tpu.memref_squeeze %dma_start3A_130 : memref<1x1x80xi32, #tpu.memory_space<vmem>> -> memref<80xi32, #tpu.memory_space<vmem>>
    %dma_start3A_132 = arith.constant 0 : i32
    %dma_start3A_133 = arith.constant 0 : i32
    %dma_start3A_134 = tpu.memref_slice %arg8[%dma_start3A_132, %dma_start3A_133] : memref<10240x128xf32, #tpu.memory_space<vmem_shared>> -> memref<10240x128xf32, #tpu.memory_space<vmem_shared>>
    tpu.enqueue_indirect_dma source(%dma_start3A_128 : memref<80x128xf32, #tpu.memory_space<vmem>>) target(%dma_start3A_134 : memref<10240x128xf32, #tpu.memory_space<vmem_shared>>) offsets(%dma_start3A_131 : memref<80xi32, #tpu.memory_space<vmem>>) semaphore(%arg13 : memref<!tpu.dma_semaphore, #tpu.memory_space<semaphore_mem>>) {add = true}
    %dma_wait3A_135 = arith.constant 1 : i32
    %dma_wait3A_136 = arith.constant 0 : i32
    %dma_wait3A_137 = arith.constant 1 : i32
    %dma_wait3A_138 = arith.constant 0 : i32
    %dma_wait3A_139 = arith.constant 0 : i32
    %dma_wait3A_140 = tpu.memref_slice %arg7[%dma_wait3A_135, %dma_wait3A_138, %dma_wait3A_139] : memref<3x80x128xf32, #tpu.memory_space<vmem>> -> memref<1x80x128xf32, #tpu.memory_space<vmem>>
    %dma_wait3A_141 = tpu.memref_squeeze %dma_wait3A_140 : memref<1x80x128xf32, #tpu.memory_space<vmem>> -> memref<80x128xf32, #tpu.memory_space<vmem>>
    %dma_wait3A_142 = arith.constant 0 : i32
    %dma_wait3A_143 = tpu.memref_slice %arg6[%dma_wait3A_136, %dma_wait3A_137, %dma_wait3A_142] : memref<2x5x80xi32, #tpu.memory_space<vmem>> -> memref<1x1x80xi32, #tpu.memory_space<vmem>>
    %dma_wait3A_144 = tpu.memref_squeeze %dma_wait3A_143 : memref<1x1x80xi32, #tpu.memory_space<vmem>> -> memref<80xi32, #tpu.memory_space<vmem>>
    %dma_wait3A_145 = arith.constant 0 : i32
    %dma_wait3A_146 = arith.constant 0 : i32
    %dma_wait3A_147 = tpu.memref_slice %arg8[%dma_wait3A_145, %dma_wait3A_146] : memref<10240x128xf32, #tpu.memory_space<vmem_shared>> -> memref<10240x128xf32, #tpu.memory_space<vmem_shared>>
    tpu.wait_indirect_dma semaphore(%arg13 : memref<!tpu.dma_semaphore, #tpu.memory_space<semaphore_mem>>) src(%dma_wait3A_141 : memref<80x128xf32, #tpu.memory_space<vmem>>) dst(%dma_wait3A_147 : memref<10240x128xf32, #tpu.memory_space<vmem_shared>>)
    %dma_start3A_148 = arith.constant 0 : i32
    %dma_start3A_149 = arith.constant 4 : i32
    %dma_start3A_150 = arith.constant 1 : i32
    %dma_start3A_151 = arith.constant 0 : i32
    %dma_start3A_152 = arith.constant 0 : i32
    %dma_start3A_153 = tpu.memref_slice %arg7[%dma_start3A_150, %dma_start3A_151, %dma_start3A_152] : memref<3x80x128xf32, #tpu.memory_space<vmem>> -> memref<1x80x128xf32, #tpu.memory_space<vmem>>
    %dma_start3A_154 = tpu.memref_squeeze %dma_start3A_153 : memref<1x80x128xf32, #tpu.memory_space<vmem>> -> memref<80x128xf32, #tpu.memory_space<vmem>>
    %dma_start3A_155 = arith.constant 0 : i32
    %dma_start3A_156 = tpu.memref_slice %arg5[%dma_start3A_148, %dma_start3A_149, %dma_start3A_155] : memref<2x5x80xi32, #tpu.memory_space<vmem>> -> memref<1x1x80xi32, #tpu.memory_space<vmem>>
    %dma_start3A_157 = tpu.memref_squeeze %dma_start3A_156 : memref<1x1x80xi32, #tpu.memory_space<vmem>> -> memref<80xi32, #tpu.memory_space<vmem>>
    %dma_start3A_158 = arith.constant 0 : i32
    %dma_start3A_159 = arith.constant 0 : i32
    %dma_start3A_160 = tpu.memref_slice %arg3[%dma_start3A_158, %dma_start3A_159] : memref<10240x128xf32, #tpu.memory_space<hbm>> -> memref<10240x128xf32, #tpu.memory_space<hbm>>
    tpu.enqueue_indirect_dma source(%dma_start3A_160 : memref<10240x128xf32, #tpu.memory_space<hbm>>) target(%dma_start3A_154 : memref<80x128xf32, #tpu.memory_space<vmem>>) offsets(%dma_start3A_157 : memref<80xi32, #tpu.memory_space<vmem>>) semaphore(%arg10 : memref<!tpu.dma_semaphore, #tpu.memory_space<semaphore_mem>>)
    %dma_wait3A_161 = arith.constant 0 : i32
    %dma_wait3A_162 = arith.constant 2 : i32
    %dma_wait3A_163 = arith.constant 2 : i32
    %dma_wait3A_164 = arith.constant 0 : i32
    %dma_wait3A_165 = arith.constant 0 : i32
    %dma_wait3A_166 = tpu.memref_slice %arg7[%dma_wait3A_163, %dma_wait3A_164, %dma_wait3A_165] : memref<3x80x128xf32, #tpu.memory_space<vmem>> -> memref<1x80x128xf32, #tpu.memory_space<vmem>>
    %dma_wait3A_167 = tpu.memref_squeeze %dma_wait3A_166 : memref<1x80x128xf32, #tpu.memory_space<vmem>> -> memref<80x128xf32, #tpu.memory_space<vmem>>
    %dma_wait3A_168 = arith.constant 0 : i32
    %dma_wait3A_169 = tpu.memref_slice %arg5[%dma_wait3A_161, %dma_wait3A_162, %dma_wait3A_168] : memref<2x5x80xi32, #tpu.memory_space<vmem>> -> memref<1x1x80xi32, #tpu.memory_space<vmem>>
    %dma_wait3A_170 = tpu.memref_squeeze %dma_wait3A_169 : memref<1x1x80xi32, #tpu.memory_space<vmem>> -> memref<80xi32, #tpu.memory_space<vmem>>
    %dma_wait3A_171 = arith.constant 0 : i32
    %dma_wait3A_172 = arith.constant 0 : i32
    %dma_wait3A_173 = tpu.memref_slice %arg3[%dma_wait3A_171, %dma_wait3A_172] : memref<10240x128xf32, #tpu.memory_space<hbm>> -> memref<10240x128xf32, #tpu.memory_space<hbm>>
    tpu.wait_indirect_dma semaphore(%arg11 : memref<!tpu.dma_semaphore, #tpu.memory_space<semaphore_mem>>) src(%dma_wait3A_173 : memref<10240x128xf32, #tpu.memory_space<hbm>>) dst(%dma_wait3A_167 : memref<80x128xf32, #tpu.memory_space<vmem>>)
    %dma_start3A_174 = arith.constant 2 : i32
    %dma_start3A_175 = arith.constant 0 : i32
    %dma_start3A_176 = arith.constant 2 : i32
    %dma_start3A_177 = arith.constant 0 : i32
    %dma_start3A_178 = arith.constant 0 : i32
    %dma_start3A_179 = tpu.memref_slice %arg7[%dma_start3A_174, %dma_start3A_177, %dma_start3A_178] : memref<3x80x128xf32, #tpu.memory_space<vmem>> -> memref<1x80x128xf32, #tpu.memory_space<vmem>>
    %dma_start3A_180 = tpu.memref_squeeze %dma_start3A_179 : memref<1x80x128xf32, #tpu.memory_space<vmem>> -> memref<80x128xf32, #tpu.memory_space<vmem>>
    %dma_start3A_181 = arith.constant 0 : i32
    %dma_start3A_182 = tpu.memref_slice %arg6[%dma_start3A_175, %dma_start3A_176, %dma_start3A_181] : memref<2x5x80xi32, #tpu.memory_space<vmem>> -> memref<1x1x80xi32, #tpu.memory_space<vmem>>
    %dma_start3A_183 = tpu.memref_squeeze %dma_start3A_182 : memref<1x1x80xi32, #tpu.memory_space<vmem>> -> memref<80xi32, #tpu.memory_space<vmem>>
    %dma_start3A_184 = arith.constant 0 : i32
    %dma_start3A_185 = arith.constant 0 : i32
    %dma_start3A_186 = tpu.memref_slice %arg8[%dma_start3A_184, %dma_start3A_185] : memref<10240x128xf32, #tpu.memory_space<vmem_shared>> -> memref<10240x128xf32, #tpu.memory_space<vmem_shared>>
    tpu.enqueue_indirect_dma source(%dma_start3A_180 : memref<80x128xf32, #tpu.memory_space<vmem>>) target(%dma_start3A_186 : memref<10240x128xf32, #tpu.memory_space<vmem_shared>>) offsets(%dma_start3A_183 : memref<80xi32, #tpu.memory_space<vmem>>) semaphore(%arg14 : memref<!tpu.dma_semaphore, #tpu.memory_space<semaphore_mem>>) {add = true}
    %dma_wait3A_187 = arith.constant 0 : i32
    %dma_wait3A_188 = arith.constant 3 : i32
    %dma_wait3A_189 = arith.constant 0 : i32
    %dma_wait3A_190 = arith.constant 0 : i32
    %dma_wait3A_191 = arith.constant 0 : i32
    %dma_wait3A_192 = tpu.memref_slice %arg7[%dma_wait3A_189, %dma_wait3A_190, %dma_wait3A_191] : memref<3x80x128xf32, #tpu.memory_space<vmem>> -> memref<1x80x128xf32, #tpu.memory_space<vmem>>
    %dma_wait3A_193 = tpu.memref_squeeze %dma_wait3A_192 : memref<1x80x128xf32, #tpu.memory_space<vmem>> -> memref<80x128xf32, #tpu.memory_space<vmem>>
    %dma_wait3A_194 = arith.constant 0 : i32
    %dma_wait3A_195 = tpu.memref_slice %arg5[%dma_wait3A_187, %dma_wait3A_188, %dma_wait3A_194] : memref<2x5x80xi32, #tpu.memory_space<vmem>> -> memref<1x1x80xi32, #tpu.memory_space<vmem>>
    %dma_wait3A_196 = tpu.memref_squeeze %dma_wait3A_195 : memref<1x1x80xi32, #tpu.memory_space<vmem>> -> memref<80xi32, #tpu.memory_space<vmem>>
    %dma_wait3A_197 = arith.constant 0 : i32
    %dma_wait3A_198 = arith.constant 0 : i32
    %dma_wait3A_199 = tpu.memref_slice %arg3[%dma_wait3A_197, %dma_wait3A_198] : memref<10240x128xf32, #tpu.memory_space<hbm>> -> memref<10240x128xf32, #tpu.memory_space<hbm>>
    tpu.wait_indirect_dma semaphore(%arg9 : memref<!tpu.dma_semaphore, #tpu.memory_space<semaphore_mem>>) src(%dma_wait3A_199 : memref<10240x128xf32, #tpu.memory_space<hbm>>) dst(%dma_wait3A_193 : memref<80x128xf32, #tpu.memory_space<vmem>>)
    %dma_start3A_200 = arith.constant 0 : i32
    %dma_start3A_201 = arith.constant 0 : i32
    %dma_start3A_202 = arith.constant 3 : i32
    %dma_start3A_203 = arith.constant 0 : i32
    %dma_start3A_204 = arith.constant 0 : i32
    %dma_start3A_205 = tpu.memref_slice %arg7[%dma_start3A_200, %dma_start3A_203, %dma_start3A_204] : memref<3x80x128xf32, #tpu.memory_space<vmem>> -> memref<1x80x128xf32, #tpu.memory_space<vmem>>
    %dma_start3A_206 = tpu.memref_squeeze %dma_start3A_205 : memref<1x80x128xf32, #tpu.memory_space<vmem>> -> memref<80x128xf32, #tpu.memory_space<vmem>>
    %dma_start3A_207 = arith.constant 0 : i32
    %dma_start3A_208 = tpu.memref_slice %arg6[%dma_start3A_201, %dma_start3A_202, %dma_start3A_207] : memref<2x5x80xi32, #tpu.memory_space<vmem>> -> memref<1x1x80xi32, #tpu.memory_space<vmem>>
    %dma_start3A_209 = tpu.memref_squeeze %dma_start3A_208 : memref<1x1x80xi32, #tpu.memory_space<vmem>> -> memref<80xi32, #tpu.memory_space<vmem>>
    %dma_start3A_210 = arith.constant 0 : i32
    %dma_start3A_211 = arith.constant 0 : i32
    %dma_start3A_212 = tpu.memref_slice %arg8[%dma_start3A_210, %dma_start3A_211] : memref<10240x128xf32, #tpu.memory_space<vmem_shared>> -> memref<10240x128xf32, #tpu.memory_space<vmem_shared>>
    tpu.enqueue_indirect_dma source(%dma_start3A_206 : memref<80x128xf32, #tpu.memory_space<vmem>>) target(%dma_start3A_212 : memref<10240x128xf32, #tpu.memory_space<vmem_shared>>) offsets(%dma_start3A_209 : memref<80xi32, #tpu.memory_space<vmem>>) semaphore(%arg12 : memref<!tpu.dma_semaphore, #tpu.memory_space<semaphore_mem>>) {add = true}
    %dma_wait3A_213 = arith.constant 0 : i32
    %dma_wait3A_214 = arith.constant 4 : i32
    %dma_wait3A_215 = arith.constant 1 : i32
    %dma_wait3A_216 = arith.constant 0 : i32
    %dma_wait3A_217 = arith.constant 0 : i32
    %dma_wait3A_218 = tpu.memref_slice %arg7[%dma_wait3A_215, %dma_wait3A_216, %dma_wait3A_217] : memref<3x80x128xf32, #tpu.memory_space<vmem>> -> memref<1x80x128xf32, #tpu.memory_space<vmem>>
    %dma_wait3A_219 = tpu.memref_squeeze %dma_wait3A_218 : memref<1x80x128xf32, #tpu.memory_space<vmem>> -> memref<80x128xf32, #tpu.memory_space<vmem>>
    %dma_wait3A_220 = arith.constant 0 : i32
    %dma_wait3A_221 = tpu.memref_slice %arg5[%dma_wait3A_213, %dma_wait3A_214, %dma_wait3A_220] : memref<2x5x80xi32, #tpu.memory_space<vmem>> -> memref<1x1x80xi32, #tpu.memory_space<vmem>>
    %dma_wait3A_222 = tpu.memref_squeeze %dma_wait3A_221 : memref<1x1x80xi32, #tpu.memory_space<vmem>> -> memref<80xi32, #tpu.memory_space<vmem>>
    %dma_wait3A_223 = arith.constant 0 : i32
    %dma_wait3A_224 = arith.constant 0 : i32
    %dma_wait3A_225 = tpu.memref_slice %arg3[%dma_wait3A_223, %dma_wait3A_224] : memref<10240x128xf32, #tpu.memory_space<hbm>> -> memref<10240x128xf32, #tpu.memory_space<hbm>>
    tpu.wait_indirect_dma semaphore(%arg10 : memref<!tpu.dma_semaphore, #tpu.memory_space<semaphore_mem>>) src(%dma_wait3A_225 : memref<10240x128xf32, #tpu.memory_space<hbm>>) dst(%dma_wait3A_219 : memref<80x128xf32, #tpu.memory_space<vmem>>)
    %dma_start3A_226 = arith.constant 1 : i32
    %dma_start3A_227 = arith.constant 0 : i32
    %dma_start3A_228 = arith.constant 4 : i32
    %dma_start3A_229 = arith.constant 0 : i32
    %dma_start3A_230 = arith.constant 0 : i32
    %dma_start3A_231 = tpu.memref_slice %arg7[%dma_start3A_226, %dma_start3A_229, %dma_start3A_230] : memref<3x80x128xf32, #tpu.memory_space<vmem>> -> memref<1x80x128xf32, #tpu.memory_space<vmem>>
    %dma_start3A_232 = tpu.memref_squeeze %dma_start3A_231 : memref<1x80x128xf32, #tpu.memory_space<vmem>> -> memref<80x128xf32, #tpu.memory_space<vmem>>
    %dma_start3A_233 = arith.constant 0 : i32
    %dma_start3A_234 = tpu.memref_slice %arg6[%dma_start3A_227, %dma_start3A_228, %dma_start3A_233] : memref<2x5x80xi32, #tpu.memory_space<vmem>> -> memref<1x1x80xi32, #tpu.memory_space<vmem>>
    %dma_start3A_235 = tpu.memref_squeeze %dma_start3A_234 : memref<1x1x80xi32, #tpu.memory_space<vmem>> -> memref<80xi32, #tpu.memory_space<vmem>>
    %dma_start3A_236 = arith.constant 0 : i32
    %dma_start3A_237 = arith.constant 0 : i32
    %dma_start3A_238 = tpu.memref_slice %arg8[%dma_start3A_236, %dma_start3A_237] : memref<10240x128xf32, #tpu.memory_space<vmem_shared>> -> memref<10240x128xf32, #tpu.memory_space<vmem_shared>>
    tpu.enqueue_indirect_dma source(%dma_start3A_232 : memref<80x128xf32, #tpu.memory_space<vmem>>) target(%dma_start3A_238 : memref<10240x128xf32, #tpu.memory_space<vmem_shared>>) offsets(%dma_start3A_235 : memref<80xi32, #tpu.memory_space<vmem>>) semaphore(%arg13 : memref<!tpu.dma_semaphore, #tpu.memory_space<semaphore_mem>>) {add = true}
    %dma_wait3A_239 = arith.constant 2 : i32
    %dma_wait3A_240 = arith.constant 0 : i32
    %dma_wait3A_241 = arith.constant 2 : i32
    %dma_wait3A_242 = arith.constant 0 : i32
    %dma_wait3A_243 = arith.constant 0 : i32
    %dma_wait3A_244 = tpu.memref_slice %arg7[%dma_wait3A_239, %dma_wait3A_242, %dma_wait3A_243] : memref<3x80x128xf32, #tpu.memory_space<vmem>> -> memref<1x80x128xf32, #tpu.memory_space<vmem>>
    %dma_wait3A_245 = tpu.memref_squeeze %dma_wait3A_244 : memref<1x80x128xf32, #tpu.memory_space<vmem>> -> memref<80x128xf32, #tpu.memory_space<vmem>>
    %dma_wait3A_246 = arith.constant 0 : i32
    %dma_wait3A_247 = tpu.memref_slice %arg6[%dma_wait3A_240, %dma_wait3A_241, %dma_wait3A_246] : memref<2x5x80xi32, #tpu.memory_space<vmem>> -> memref<1x1x80xi32, #tpu.memory_space<vmem>>
    %dma_wait3A_248 = tpu.memref_squeeze %dma_wait3A_247 : memref<1x1x80xi32, #tpu.memory_space<vmem>> -> memref<80xi32, #tpu.memory_space<vmem>>
    %dma_wait3A_249 = arith.constant 0 : i32
    %dma_wait3A_250 = arith.constant 0 : i32
    %dma_wait3A_251 = tpu.memref_slice %arg8[%dma_wait3A_249, %dma_wait3A_250] : memref<10240x128xf32, #tpu.memory_space<vmem_shared>> -> memref<10240x128xf32, #tpu.memory_space<vmem_shared>>
    tpu.wait_indirect_dma semaphore(%arg14 : memref<!tpu.dma_semaphore, #tpu.memory_space<semaphore_mem>>) src(%dma_wait3A_245 : memref<80x128xf32, #tpu.memory_space<vmem>>) dst(%dma_wait3A_251 : memref<10240x128xf32, #tpu.memory_space<vmem_shared>>)
    %dma_wait3A_252 = arith.constant 0 : i32
    %dma_wait3A_253 = arith.constant 0 : i32
    %dma_wait3A_254 = arith.constant 3 : i32
    %dma_wait3A_255 = arith.constant 0 : i32
    %dma_wait3A_256 = arith.constant 0 : i32
    %dma_wait3A_257 = tpu.memref_slice %arg7[%dma_wait3A_252, %dma_wait3A_255, %dma_wait3A_256] : memref<3x80x128xf32, #tpu.memory_space<vmem>> -> memref<1x80x128xf32, #tpu.memory_space<vmem>>
    %dma_wait3A_258 = tpu.memref_squeeze %dma_wait3A_257 : memref<1x80x128xf32, #tpu.memory_space<vmem>> -> memref<80x128xf32, #tpu.memory_space<vmem>>
    %dma_wait3A_259 = arith.constant 0 : i32
    %dma_wait3A_260 = tpu.memref_slice %arg6[%dma_wait3A_253, %dma_wait3A_254, %dma_wait3A_259] : memref<2x5x80xi32, #tpu.memory_space<vmem>> -> memref<1x1x80xi32, #tpu.memory_space<vmem>>
    %dma_wait3A_261 = tpu.memref_squeeze %dma_wait3A_260 : memref<1x1x80xi32, #tpu.memory_space<vmem>> -> memref<80xi32, #tpu.memory_space<vmem>>
    %dma_wait3A_262 = arith.constant 0 : i32
    %dma_wait3A_263 = arith.constant 0 : i32
    %dma_wait3A_264 = tpu.memref_slice %arg8[%dma_wait3A_262, %dma_wait3A_263] : memref<10240x128xf32, #tpu.memory_space<vmem_shared>> -> memref<10240x128xf32, #tpu.memory_space<vmem_shared>>
    tpu.wait_indirect_dma semaphore(%arg12 : memref<!tpu.dma_semaphore, #tpu.memory_space<semaphore_mem>>) src(%dma_wait3A_258 : memref<80x128xf32, #tpu.memory_space<vmem>>) dst(%dma_wait3A_264 : memref<10240x128xf32, #tpu.memory_space<vmem_shared>>)
    %dma_wait3A_265 = arith.constant 1 : i32
    %dma_wait3A_266 = arith.constant 0 : i32
    %dma_wait3A_267 = arith.constant 4 : i32
    %dma_wait3A_268 = arith.constant 0 : i32
    %dma_wait3A_269 = arith.constant 0 : i32
    %dma_wait3A_270 = tpu.memref_slice %arg7[%dma_wait3A_265, %dma_wait3A_268, %dma_wait3A_269] : memref<3x80x128xf32, #tpu.memory_space<vmem>> -> memref<1x80x128xf32, #tpu.memory_space<vmem>>
    %dma_wait3A_271 = tpu.memref_squeeze %dma_wait3A_270 : memref<1x80x128xf32, #tpu.memory_space<vmem>> -> memref<80x128xf32, #tpu.memory_space<vmem>>
    %dma_wait3A_272 = arith.constant 0 : i32
    %dma_wait3A_273 = tpu.memref_slice %arg6[%dma_wait3A_266, %dma_wait3A_267, %dma_wait3A_272] : memref<2x5x80xi32, #tpu.memory_space<vmem>> -> memref<1x1x80xi32, #tpu.memory_space<vmem>>
    %dma_wait3A_274 = tpu.memref_squeeze %dma_wait3A_273 : memref<1x1x80xi32, #tpu.memory_space<vmem>> -> memref<80xi32, #tpu.memory_space<vmem>>
    %dma_wait3A_275 = arith.constant 0 : i32
    %dma_wait3A_276 = arith.constant 0 : i32
    %dma_wait3A_277 = tpu.memref_slice %arg8[%dma_wait3A_275, %dma_wait3A_276] : memref<10240x128xf32, #tpu.memory_space<vmem_shared>> -> memref<10240x128xf32, #tpu.memory_space<vmem_shared>>
    tpu.wait_indirect_dma semaphore(%arg13 : memref<!tpu.dma_semaphore, #tpu.memory_space<semaphore_mem>>) src(%dma_wait3A_271 : memref<80x128xf32, #tpu.memory_space<vmem>>) dst(%dma_wait3A_277 : memref<10240x128xf32, #tpu.memory_space<vmem_shared>>)
    %barrier3A_278 = arith.constant 0 : index
    tpu.barrier barrier_id(%barrier3A_278)
    "tpu.region"() ({
      %run_scoped3A_279 = tpu.sem_alloc : memref<!tpu.dma_semaphore, #tpu.memory_space<semaphore_mem>>
      %dma_start3A_280 = arith.constant 0 : i32
      %dma_start3A_281 = tpu.memref_slice %arg4[%arg0, %mul3A_2, %dma_start3A_280] : memref<2x10240x128xf32, #tpu.memory_space<hbm>> -> memref<1x640x128xf32, #tpu.memory_space<hbm>>
      %dma_start3A_282 = tpu.memref_squeeze %dma_start3A_281 : memref<1x640x128xf32, #tpu.memory_space<hbm>> -> memref<640x128xf32, #tpu.memory_space<hbm>>
      %dma_start3A_283 = arith.constant 0 : i32
      %dma_start3A_284 = tpu.memref_slice %arg8[%mul3A_2, %dma_start3A_283] : memref<10240x128xf32, #tpu.memory_space<vmem_shared>> -> memref<640x128xf32, #tpu.memory_space<vmem_shared>>
      tpu.enqueue_dma source(%dma_start3A_284 : memref<640x128xf32, #tpu.memory_space<vmem_shared>>) target(%dma_start3A_282 : memref<640x128xf32, #tpu.memory_space<hbm>>) target_semaphore(%run_scoped3A_279 : memref<!tpu.dma_semaphore, #tpu.memory_space<semaphore_mem>>)
      %dma_wait3A_285 = arith.constant 0 : i32
      %dma_wait3A_286 = tpu.memref_slice %arg4[%arg0, %mul3A_2, %dma_wait3A_285] : memref<2x10240x128xf32, #tpu.memory_space<hbm>> -> memref<1x640x128xf32, #tpu.memory_space<hbm>>
      %dma_wait3A_287 = tpu.memref_squeeze %dma_wait3A_286 : memref<1x640x128xf32, #tpu.memory_space<hbm>> -> memref<640x128xf32, #tpu.memory_space<hbm>>
      %dma_wait3A_288 = arith.constant 0 : i32
      %dma_wait3A_289 = tpu.memref_slice %arg8[%mul3A_2, %dma_wait3A_288] : memref<10240x128xf32, #tpu.memory_space<vmem_shared>> -> memref<640x128xf32, #tpu.memory_space<vmem_shared>>
      tpu.wait_dma2 semaphore(%run_scoped3A_279 : memref<!tpu.dma_semaphore, #tpu.memory_space<semaphore_mem>>) src(%dma_wait3A_289 : memref<640x128xf32, #tpu.memory_space<vmem_shared>>) dst(%dma_wait3A_287 : memref<640x128xf32, #tpu.memory_space<hbm>>)
      tpu.yield
    }) : () -> ()
    return
  }
}

module attributes {stable_mosaic.version = 14 : i64} {
  func.func @_mm_body(%arg0: i32, %arg1: memref<1000x128xf32, #tpu.memory_space<vmem>>, %arg2: memref<128x128xf32, #tpu.memory_space<vmem>>, %arg3: memref<1000x1xf32, #tpu.memory_space<vmem>>, %arg4: memref<1000x128xf32, #tpu.memory_space<vmem>>) attributes {dimension_semantics = [#tpu.dimension_semantics<arbitrary>], iteration_bounds = array<i64: 10>, scalar_prefetch = 0 : i64, scratch_operands = 0 : i64, tpu.core_type = #tpu.core_type<tc>, window_params = [{transform_indices = @transform_0, window_bounds = array<i64: 1000, 128>}, {pipeline_mode = #tpu.pipeline_mode<synchronous>, transform_indices = @transform_1, window_bounds = array<i64: 128, 128>}, {transform_indices = @transform_2, window_bounds = array<i64: 1000, 1>}, {transform_indices = @transform_3, window_bounds = array<i64: 1000, 128>}]} {
    %get3A = arith.constant 0 : index
    %get3A_0 = arith.constant 0 : index
    %get3A_1 = vector.load %arg1[%get3A, %get3A_0] : memref<1000x128xf32, #tpu.memory_space<vmem>>, vector<1000x128xf32>
    %get3A_2 = arith.constant 0 : index
    %get3A_3 = arith.constant 0 : index
    %get3A_4 = vector.load %arg2[%get3A_2, %get3A_3] : memref<128x128xf32, #tpu.memory_space<vmem>>, vector<128x128xf32>
    %dot_general3A = arith.constant dense<0.000000e+00> : vector<1000x128xf32>
    %dot_general3A_5 = tpu.matmul %get3A_1, %get3A_4, %dot_general3A {dimension_numbers = #tpu.dot_dimension_numbers<[1], [0], [0], [1], [0, 0, 1, 1], [], []>, transpose_lhs_hint = false} : vector<1000x128xf32>, vector<128x128xf32>, vector<1000x128xf32> -> vector<1000x128xf32>
    %get3A_6 = arith.constant 0 : index
    %get3A_7 = arith.constant 0 : index
    %get3A_8 = vector.load %arg3[%get3A_6, %get3A_7] : memref<1000x1xf32, #tpu.memory_space<vmem>>, vector<1000x1xf32>
    %mul3A = vector.broadcast %get3A_8 : vector<1000x1xf32> to vector<1000x128xf32>
    %mul3A_9 = arith.mulf %dot_general3A_5, %mul3A : vector<1000x128xf32>
    %swap3A = arith.constant 0 : index
    %swap3A_10 = arith.constant 0 : index
    %swap3A_11 = vector.load %arg4[%swap3A, %swap3A_10] : memref<1000x128xf32, #tpu.memory_space<vmem>>, vector<1000x128xf32>
    tpu.vector_store %arg4[%swap3A, %swap3A_10], %mul3A_9 {strides = array<i32>} : memref<1000x128xf32, #tpu.memory_space<vmem>>, vector<1000x128xf32>,
    return
  }
  func.func @transform_0(%arg0: i32) -> (i32, i32) {
    %c0_i32 = arith.constant 0 : i32
    %c0_i32_0 = arith.constant 0 : i32
    return %arg0, %c0_i32 : i32, i32
  }
  func.func @transform_1(%arg0: i32) -> (i32, i32) {
    %c0_i32 = arith.constant 0 : i32
    %c0_i32_0 = arith.constant 0 : i32
    %c0_i32_1 = arith.constant 0 : i32
    return %c0_i32, %c0_i32_0 : i32, i32
  }
  func.func @transform_2(%arg0: i32) -> (i32, i32) {
    %c0_i32 = arith.constant 0 : i32
    %c0_i32_0 = arith.constant 0 : i32
    return %arg0, %c0_i32 : i32, i32
  }
  func.func @transform_3(%arg0: i32) -> (i32, i32) {
    %c0_i32 = arith.constant 0 : i32
    %c0_i32_0 = arith.constant 0 : i32
    return %arg0, %c0_i32 : i32, i32
  }
}

module attributes {stable_mosaic.version = 14 : i64} {
  func.func @_combine_body(%arg0: i32, %arg1: memref<2x1000x128xf32, #tpu.memory_space<vmem>>, %arg2: memref<1000x1xf32, #tpu.memory_space<vmem>>, %arg3: memref<1x128xf32, #tpu.memory_space<vmem>>, %arg4: memref<1000x128xf32, #tpu.memory_space<vmem>>) attributes {dimension_semantics = [#tpu.dimension_semantics<arbitrary>], iteration_bounds = array<i64: 10>, scalar_prefetch = 0 : i64, scratch_operands = 0 : i64, tpu.core_type = #tpu.core_type<tc>, window_params = [{transform_indices = @transform_0, window_bounds = array<i64: 2, 1000, 128>}, {transform_indices = @transform_1, window_bounds = array<i64: 1000, 1>}, {pipeline_mode = #tpu.pipeline_mode<synchronous>, transform_indices = @transform_2, window_bounds = array<i64: 1, 128>}, {transform_indices = @transform_3, window_bounds = array<i64: 1000, 128>}]} {
    %get3A = arith.constant 0 : index
    %get3A_0 = arith.constant 0 : index
    %get3A_1 = arith.constant 0 : index
    %get3A_2 = vector.load %arg1[%get3A, %get3A_0, %get3A_1] : memref<2x1000x128xf32, #tpu.memory_space<vmem>>, vector<1x1000x128xf32>
    %get3A_3 = vector.shape_cast %get3A_2 : vector<1x1000x128xf32> to vector<1000x128xf32>
    %get3A_4 = arith.constant 1 : index
    %get3A_5 = arith.constant 0 : index
    %get3A_6 = arith.constant 0 : index
    %get3A_7 = vector.load %arg1[%get3A_4, %get3A_5, %get3A_6] : memref<2x1000x128xf32, #tpu.memory_space<vmem>>, vector<1x1000x128xf32>
    %get3A_8 = vector.shape_cast %get3A_7 : vector<1x1000x128xf32> to vector<1000x128xf32>
    %add3A = arith.addf %get3A_3, %get3A_8 : vector<1000x128xf32>
    %get3A_9 = arith.constant 0 : index
    %get3A_10 = arith.constant 0 : index
    %get3A_11 = vector.load %arg2[%get3A_9, %get3A_10] : memref<1000x1xf32, #tpu.memory_space<vmem>>, vector<1000x1xf32>
    %mul3A = vector.broadcast %get3A_11 : vector<1000x1xf32> to vector<1000x128xf32>
    %mul3A_12 = arith.mulf %add3A, %mul3A : vector<1000x128xf32>
    %get3A_13 = arith.constant 0 : index
    %get3A_14 = arith.constant 0 : index
    %get3A_15 = vector.load %arg3[%get3A_13, %get3A_14] : memref<1x128xf32, #tpu.memory_space<vmem>>, vector<1x128xf32>
    %add3A_16 = vector.broadcast %get3A_15 : vector<1x128xf32> to vector<1000x128xf32>
    %add3A_17 = arith.addf %mul3A_12, %add3A_16 : vector<1000x128xf32>
    %swap3A = arith.constant 0 : index
    %swap3A_18 = arith.constant 0 : index
    %swap3A_19 = vector.load %arg4[%swap3A, %swap3A_18] : memref<1000x128xf32, #tpu.memory_space<vmem>>, vector<1000x128xf32>
    tpu.vector_store %arg4[%swap3A, %swap3A_18], %add3A_17 {strides = array<i32>} : memref<1000x128xf32, #tpu.memory_space<vmem>>, vector<1000x128xf32>,
    return
  }
  func.func @transform_0(%arg0: i32) -> (i32, i32, i32) {
    %c0_i32 = arith.constant 0 : i32
    %c0_i32_0 = arith.constant 0 : i32
    %c0_i32_1 = arith.constant 0 : i32
    return %c0_i32, %arg0, %c0_i32_0 : i32, i32, i32
  }
  func.func @transform_1(%arg0: i32) -> (i32, i32) {
    %c0_i32 = arith.constant 0 : i32
    %c0_i32_0 = arith.constant 0 : i32
    return %arg0, %c0_i32 : i32, i32
  }
  func.func @transform_2(%arg0: i32) -> (i32, i32) {
    %c0_i32 = arith.constant 0 : i32
    %c0_i32_0 = arith.constant 0 : i32
    %c0_i32_1 = arith.constant 0 : i32
    return %c0_i32, %c0_i32_0 : i32, i32
  }
  func.func @transform_3(%arg0: i32) -> (i32, i32) {
    %c0_i32 = arith.constant 0 : i32
    %c0_i32_0 = arith.constant 0 : i32
    return %arg0, %c0_i32 : i32, i32
  }
}

</mosaic_0001>

<sc_bundles>
// kernel: kernel.6.cloned.1.call-start
scs
__scs_entry_jumppad:
0x0: {  	(pc) =	sbr.rel $0x88, $3  }
0x1: {  	(tag) =	ssettag $0x0;
	lr =	simm.s32 $0x1  }
0x2: {  	[smem:$0x3F9D] =	sst lr;
	_ =	strace $0xD0000000  }
0x3: {  	_ = 	snop  }
0x4: {  	_ = 	snop  }
0x5: {  	_ = 	snop  }
0x6: {  	_ = 	snop  }
0x7: {  	_ = 	snop  }
__scs_overlays_trampoline_lowered:
0x8: {  	[smem:$0x3FAC] =	sst s0  }
0x9: {  	[smem:$0x3FAD] =	sst s1  }
0xa: {  	[smem:$0x3FAE] =	sst s2  }
0xb: {  	[smem:$0x3FAF] =	sst s3  }
0xc: {  	[smem:$0x3FB0] =	sst s4  }
0xd: {  	[smem:$0x3FB1] =	sst s5  }
0xe: {  	[smem:$0x3FB2] =	sst s6  }
0xf: {  	[smem:$0x3FB3] =	sst s7  }
0x10: {  	[smem:$0x3FB4] =	sst s8  }
0x11: {  	[smem:$0x3FB5] =	sst s9;
	s0 =	simm.s32 @!p0 $0x0  }
0x12: {  	s1 =	sld [smem:$0x3F9B];
	s0 =	simm.s32 @p0 $0x1  }
0x13: {  	[smem:$0x3FB6] =	sst s0;
	s0 =	simm.s32 @!p1 $0x0  }
0x14: {  	s2 =	sld [smem:$0x3F9A];
	s0 =	simm.s32 @p1 $0x1  }
0x15: {  	[smem:$0x3FB7] =	sst s0;
	s0 =	simm.s32 @!p2 $0x0  }
0x16: {  	s3 =	sld [smem:$0x3FDB];
	s0 =	simm.s32 @p2 $0x1  }
0x17: {  	s4 =	simm.s32 $0x1BF5;
	[smem:$0x3FB9] =	sst s0  }
0x18: {  	s0 =	sld [smem:$0x3F9C];
	_ =	swait.ge [sflag:s4], $0x0  }
0x19: {  	s7 =	sld [smem:$0x3F9D]  }
0x1a: {  	s8 =	sadd.s32 $0xFFFFE003, lr  }
0x1b: {  	s9 =	sadd.s32 $0xFFFFFEF7, lr;
	s5 =	simm.s32 $0xFFFFFFFF;
	p2 =	slt.u32 s8, $0xFFFFF086  }
0x1c: {  	p1 =	slt.u32 s9, $0xF7A;
	s5 =	simm.s32 @!p2 $0x0  }
0x1d: {  	s5 =	simm.s32 @p1 $0x1;
	p0 =	seq.s32 s7, s2  }
0x1e: {  	s7 =	smul.u32 @!p0 $0xF7A, s2;
	p2 =	seq.s32 @!p0 s5, $0x0  }
0x1f: {  	s9 =	smul.u32 $0xF7A, s1;
	s8 =	simm.s32 @!p0 $0x1BF5;
	p2 =	por !p2, p0  }
0x20: {  	[sflag:s8] =	ssyncset.s32 @!p0 $0xFFFFF086;
	s6 =	sadd.s32 @!p0 s3, s7;
	s7 =	simm.s32 @!p0 $0x108  }
0x21: {  	s3 =	sadd.s32 s3, s9;
	s6 =	sadd.s32 @!p0 $0x88, s6;
	s7 =	simm.s32 @p2 $0x1082  }
0x22: {  	[simem:s7], [sflag:s8] =	dma.local @!p0 [hbm:s6], $0xF7A  }
0x23: {  	s9 =	sor.u32 $0xD0000000, s2;
	s6 =	simm.s32 $0x108;
	_ =	swait.ge @!p0 [sflag:s8], $0x0  }
0x24: {  	s3 =	sadd.s32 $0x88, s3;
	s6 =	simm.s32 @!p1 $0x1082;
	[sflag:s4] =	ssyncset.s32 $0xFFFFF086  }
0x25: {  	[simem:s6], [sflag:s4] =	dma.local [hbm:s3], $0xF7A  }
0x26: {  	[smem:$0x3F9D] =	sst s1;
	(tag) =	ssettag s2;
	_ =	strace s9  }
0x27: {  	s1 =	sld [smem:$0x3FAD]  }
0x28: {  	s2 =	sld [smem:$0x3FAE]  }
0x29: {  	s4 =	sld [smem:$0x3FB0]  }
0x2a: {  	p0 =	seq.s32 s5, $0x0;
	s5 =	sld [smem:$0x3FB1]  }
0x2b: {  	s6 =	sld [smem:$0x3FB2]  }
0x2c: {  	s7 =	sld [smem:$0x3FB3]  }
0x2d: {  	s3 =	simm.s32 $0x108;
	s8 =	sld [smem:$0x3FB4]  }
0x2e: {  	s3 =	simm.s32 @!p0 $0x1082;
	s9 =	sld [smem:$0x3FB5]  }
0x2f: {  	lr =	sadd.s32 s0, s3;
	s0 =	sld [smem:$0x3FAC]  }
0x30: {  	s3 =	sld [smem:$0x3FAF]  }
0x31: {  	[smem:$0x3FB8] =	sst s10  }
0x32: {  	s10 =	sld [smem:$0x3FB6];
	_ =	sdelay $0x3  }
0x33: {  	p0 =	seq.s32 s10, $0x1;
	s10 =	sld [smem:$0x3FB8];
	_ =	sdelay $0x3  }
0x34: {  	[smem:$0x3FB8] =	sst s10  }
0x35: {  	s10 =	sld [smem:$0x3FB7];
	_ =	sdelay $0x3  }
0x36: {  	p1 =	seq.s32 s10, $0x1;
	s10 =	sld [smem:$0x3FB8];
	_ =	sdelay $0x3  }
0x37: {  	[smem:$0x3FB8] =	sst s10  }
0x38: {  	s10 =	sld [smem:$0x3FB9]  }
0x39: {  	_ = 	snop;
	(pc) =	sbr.ind lr, $3  }
0x3a: {  	_ = 	snop  }
0x3b: {  	_ = 	snop  }
0x3c: {  	p2 =	seq.s32 s10, $0x1;
	s10 =	sld [smem:$0x3FB8]  }
0x3d: {  	_ =	shalt  }
0x3e: {  	_ =	shalt  }
0x3f: {  	_ =	shalt  }
0x40: {  	_ =	shalt  }
0x41: {  	_ =	shalt  }
0x42: {  	_ =	shalt  }
0x43: {  	_ =	shalt  }
0x44: {  	_ =	shalt  }
0x45: {  	_ =	shalt  }
0x46: {  	_ =	shalt  }
0x47: {  	_ =	shalt  }
0x48: {  	_ =	shalt  }
0x49: {  	_ =	shalt  }
0x4a: {  	_ =	shalt  }
0x4b: {  	_ =	shalt  }
0x4c: {  	_ =	shalt  }
0x4d: {  	_ =	shalt  }
0x4e: {  	_ =	shalt  }
0x4f: {  	_ =	shalt  }
0x50: {  	_ =	shalt  }
0x51: {  	_ =	shalt  }
0x52: {  	_ =	shalt  }
0x53: {  	_ =	shalt  }
0x54: {  	_ =	shalt  }
0x55: {  	_ =	shalt  }
0x56: {  	_ =	shalt  }
0x57: {  	_ =	shalt  }
0x58: {  	_ =	shalt  }
0x59: {  	_ =	shalt  }
0x5a: {  	_ =	shalt  }
0x5b: {  	_ =	shalt  }
0x5c: {  	_ =	shalt  }
0x5d: {  	_ =	shalt  }
0x5e: {  	_ =	shalt  }
0x5f: {  	_ =	shalt  }
0x60: {  	_ =	shalt  }
0x61: {  	_ =	shalt  }
0x62: {  	_ =	shalt  }
0x63: {  	_ =	shalt  }
0x64: {  	_ =	shalt  }
0x65: {  	_ =	shalt  }
0x66: {  	_ =	shalt  }
0x67: {  	_ =	shalt  }
0x68: {  	_ =	shalt  }
0x69: {  	_ =	shalt  }
0x6a: {  	_ =	shalt  }
0x6b: {  	_ =	shalt  }
0x6c: {  	_ =	shalt  }
0x6d: {  	_ =	shalt  }
0x6e: {  	_ =	shalt  }
0x6f: {  	_ =	shalt  }
0x70: {  	_ =	shalt  }
0x71: {  	_ =	shalt  }
0x72: {  	_ =	shalt  }
0x73: {  	_ =	shalt  }
0x74: {  	_ =	shalt  }
0x75: {  	_ =	shalt  }
0x76: {  	_ =	shalt  }
0x77: {  	_ =	shalt  }
0x78: {  	_ =	shalt  }
0x79: {  	_ =	shalt  }
0x7a: {  	_ =	shalt  }
0x7b: {  	_ =	shalt  }
0x7c: {  	_ =	shalt  }
0x7d: {  	_ =	shalt  }
0x7e: {  	_ =	shalt  }
0x7f: {  	_ =	shalt  }
0x80: {  	_ =	shalt  }
0x81: {  	_ =	shalt  }
0x82: {  	_ =	shalt  }
0x83: {  	_ =	shalt  }
0x84: {  	_ =	shalt  }
0x85: {  	_ =	shalt  }
0x86: {  	_ =	shalt  }
0x87: {  	_ =	shalt  }
.Lfunc_end0:
.L_simem_size_0:
called_computation_lowered:
.L_overlay_start_0:
0x88: {  	s2 =	sld [smem:$0x3FD9]  }
0x89: {  	s3 =	sld [smem:$0x3FFE];
	_ =	sdelay $0x1  }
0x8a: {  	s1 =	srdreg.scid  }
0x8b: {  	s0 =	sand.u32 $0x1, s1  }
0x8c: {  	s17 =	sshll.u32 s0, $0xA;
	s2 =	sadd.s32 s3, s2  }
0x8d: {  	s2 =	sadd.s32 s2, s17  }
0x8e: {  	[smem:$0x3FC4] =	sst s2  }
0x8f: {  	_ = 	snop  }
0x90: {  	s2 =	sld [smem:$0x3FD0];
	(tm) =	ssettm $0x1  }
0x91: {  	s18 =	sld [smem:$0x3FFB];
	_ =	sdelay $0x3  }
0x92: {  	_ =	strace s18  }
0x93: {  	s3 =	sld [smem:$0x3FFC];
	_ =	sdelay $0x3  }
0x94: {  	_ =	strace s3  }
0x95: {  	s3 =	sld [smem:$0x3FFD];
	_ =	sdelay $0x3  }
0x96: {  	_ =	strace s3  }
0x97: {  	_ =	strace $0x8FFFFFFF  }
0x98: {  	s19 =	sld [smem:$0x3FDB];
	_ =	sdelay $0x1  }
0x99: {  	s4 =	simm.s32 $_scs_section_size  }
0x9a: {  	s5 =	simm.s32 $_size__tile_overlayer_lowered;
	s6 =	simm.s32 $_tile_overlayer_lowered  }
0x9b: {  	s22 =	simm.s32 $0x1BFF;
	s21 =	sshll.u32 s6, $0x1;
	s3 =	sadd.s32 s4, s19  }
0x9c: {  	s7 =	simm.s32 $0x0;
	s20 =	sshll.u32 s5, $0x1;
	s5 =	sadd.s32 s21, s3  }
0x9d: {  	[timem:s7], [sflag:s22] =	dma.local [hbm:s5], s20  }
0x9e: {  	_ =	swait.ge [sflag:s22], s20  }
0x9f: {  	s4 =	ssub.s32 $0x0, s20;
	[sflag:s22] =	ssyncset.done $0x0  }
0xa0: {  	[sflag:s22] =	ssyncadd.s32 s4;
	_ =	sdelay $0x1  }
0xa1: {  	s23 =	simm.s32 $0x1B8B  }
0xa2: {  	_ =	swait.ge [sflag:s23], $0x1  }
0xa3: {  	[sflag:s23] =	ssyncset.done $0x0  }
0xa4: {  	s25 =	simm.s32 $0x1B8E;
	s24 =	sld [smem:$0x3FFE];
	[sflag:s23] =	ssyncadd.s32 $0xFFFFFFFF  }
0xa5: {  	s26 =	simm.s32 $execute0_lowered;
	[smem:$0x3FD2] =	sst s25  }
0xa6: {  	s5 =	sshll.u32 s26, $0x1;
	_ =	strace $0x80000046;
	[dreg:$0x1] =	wrdreg $0xFFFFFFFF  }
0xa7: {  	s28 =	simm.s32 $_size_execute0_lowered;
	s3 =	sadd.s32 s3, s5;
	[dreg:$0x0] =	wrdreg $0x0  }
0xa8: {  	s5 =	sshll.u32 s28, $0x1;
	[dreg:$0x2] =	wrdreg s3  }
0xa9: {  	[dreg:$0x3] =	wrdreg s5  }
0xaa: {  	[dreg:$0x4] =	wrdreg $0xC0  }
0xab: {  	_ =	task [dreg:s7], $0x5FFFF  }
0xac: {  	[dreg:$0x1] =	wrdreg $0xFFFFFFFF  }
0xad: {  	[dreg:$0x0] =	wrdreg $0x60  }
0xae: {  	[dreg:$0x2] =	wrdreg s24  }
0xaf: {  	[dreg:$0x3] =	wrdreg s2  }
0xb0: {  	[dreg:$0x4] =	wrdreg $0x67000  }
0xb1: {  	[dreg:$0x5] =	wrdreg $0x9  }
0xb2: {  	_ =	task.clear_ibuf [dreg:s7], $0x6FFFF;
	_ =	strace $0x90000046  }
0xb3: {  	s29 =	simm.s32 $0x9;
	_ =	strace $0x80000048  }
0xb4: {  	_ =	swait.ge [sflag:s29], $0x1  }
0xb5: {  	[sflag:s29] =	ssyncadd.s32 $0xFFFFFFFF  }
0xb6: {  	_ =	strace $0x90000048  }
0xb7: {  	_ =	sfence  }
0xb8: {  	s30 =	sld [smem:$0x0];
	_ =	sdelay $0x2  }
0xb9: {  	s31 =	sshll.u32 s1, $0xD;
	s1 =	sshrl.u32 s1, $0x2  }
0xba: {  	s3 =	sand.u32 $0x4000, s31;
	s1 =	sadd.s32 s1, s30  }
0xbb: {  	s0 =	sor.u32 s3, s0;
	s1 =	sshll.u32 s1, $0x11  }
0xbc: {  	s0 =	sor.u32 s1, s0  }
0xbd: {  	s0 =	sadd.s32 $0x8F2B, s0  }
0xbe: {  	[sflag:s0] =	ssyncadd.remote.s32 $0x1  }
0xbf: {  	_ =	sfence.sel $0xFFFF  }
0xc0: {  	[dreg:$0x0] =	wrdreg $0xFFFFFFFF;
	(pc) =	sbr.abs _section_cstart, $3  }
0xc1: {  	[dreg:$0x1] =	wrdreg $0xFFFFFFFF  }
0xc2: {  	_ =	task.clear_ibuf [dreg:s7], $0x2FFFF;
	_ =	strace $0x9FFFFFFF  }
0xc3: {  	(tm) =	ssettm $0x7FFFFFFF  }
tec
execute0_lowered:
.L_overlay_start_1:
0x0: {  	(tag) =	ssettag $0x1  }
0x1: {  	s4 =	rddreg [dreg:$0x0]  }
0x2: {  	s6 =	rddreg [dreg:$0x1];
	s1 =	srdreg.scid  }
0x3: {  	s0 =	stileid.u32;
	s2 =	rddreg [dreg:$0x2];
	s3 =	simm.s32 $0x0  }
0x4: {  	s12 =	simm.s32 $0x1;
	s15 =	simm.s32 $0x20;
	s16 =	simm.s32 $0x10  }
0x5: {  	s17 =	simm.s32 $0x0;
	s5 =	sand.u32 $0x1, s1;
	s1 =	rddreg [dreg:$0x3]  }
0x6: {  	s7 =	sshll.u32 s0, $0x1;
	[smem:$0x7FF] =	sst s3;
	s9 =	smul.u32 $0x500, s0  }
0x7: {  	s11 =	smul.u32 $0xA00, s0;
	s13 =	sshll.u32 s0, $0x6;
	s7 =	sor.u32 s5, s7  }
0x8: {  	_ =	strace $0x80000047;
	s8 =	ssub.s32 $0x2, s5;
	s5 =	sshll.u32 s5, $0x7  }
0x9: {  	s13 =	sor.u32 $0x1C02, s13;
	s7 =	smul.u32 $0x6400, s7;
	s10 =	sshrl.u32 s8, $0x1  }
0xa: {  	s5 =	sor.u32 s5, s9;
	s31 =	sshrl.u32 s11, $0x2;
	s11 =	simm.s32 $0x6400  }
0xb: {  	s8 =	ssub.s32 s8, s10;
	s9 =	sshrl.u32 s5, $0x3;
	s5 =	sadd.s32 s31, s2  }
0xc: {  	s10 =	simm.s32 $0x50;
	s7 =	sshrl.u32 s7, $0x3;
	s6 =	sadd.s32 s6, s9  }
0xd: {  	s9 =	simm.s32 $0x6480;
	s14 =	sshrl.u32 s5, $0x3;
	s4 =	sadd.s32 s4, s7  }
0xe: {  	v0 =	vimm.f32 $0.0e+00;
	v1 =	vimm.f32 $1.000000000e+00;
	s7 =	smax.u32 s8, $0x1;
	s8 =	simm.s32 $0x2;
	s4 =	sadd.s32 $0x1A800, s4  }
.LBB2_1:
0xf: {  	s18 =	simm.s32 $0x80  }
0x10: {  	s21 =	sadd.s32 $0x0, s4;
	s19 =	simm.s32 $0x400;
	s20 =	simm.s32 $0x0  }
.LBB2_2:
0x11: {  	[tilespmem:s20], [sflag:$0x2] =	stream.linear.gather [hbm4b:s21+s3], $0x280, $0x38;
	[tilespmem:$0x6980] =	vst v63  }
0x12: {  	s21 =	smov.u32 s18;
	s20 =	smov.u32 s19;
	p0 =	sne.s32 s18, $0xC00  }
.Ltmp0:
0x13: {  	s18 =	sadd.s32 $0x80, s18;
	(pc) =	sbr.rel @p0 .LBB2_2-.Ltmp0, $2  }
0x14: {  	_ =	sdelay $0x2  }
0x15: {  	s19 =	sadd.s32 $0x400, s19;
	s21 =	sadd.s32 s21, s4  }
0x16: {  	[tilespmem:s20], [sflag:$0x2] =	stream.linear.gather [hbm4b:s21+s3], $0x280, $0x38;
	[tilespmem:$0x6980] =	vst v63  }
0x17: {  	_ =	swait.ge [sflag:s8], $0x3E80  }
0x18: {  	[sflag:s8] =	ssyncset.done $0x0  }
0x19: {  	[sflag:s8] =	ssyncadd.s32 $0xFFFFC180  }
0x1a: {  	[tilespmem:$0x6480] =	vst v0  }
0x1b: {  	[tilespmem:$0x6490] =	vst v0  }
0x1c: {  	[tilespmem:$0x64A0] =	vst v0  }
0x1d: {  	[tilespmem:$0x64B0] =	vst v0  }
0x1e: {  	[tilespmem:$0x64C0] =	vst v0  }
0x1f: {  	[tilespmem:$0x64D0] =	vst v0  }
0x20: {  	[tilespmem:$0x64E0] =	vst v0  }
0x21: {  	[tilespmem:$0x64F0] =	vst v0  }
0x22: {  	[tilespmem:$0x6500] =	vst v0  }
0x23: {  	[tilespmem:$0x6510] =	vst v0  }
0x24: {  	[tilespmem:$0x6520] =	vst v0  }
0x25: {  	[tilespmem:$0x6530] =	vst v0  }
0x26: {  	[tilespmem:$0x6540] =	vst v0  }
0x27: {  	[tilespmem:$0x6550] =	vst v0  }
0x28: {  	[tilespmem:$0x6560] =	vst v0  }
0x29: {  	[tilespmem:$0x6570] =	vst v0  }
0x2a: {  	[tilespmem:$0x6580] =	vst v0  }
0x2b: {  	[tilespmem:$0x6590] =	vst v0  }
0x2c: {  	[tilespmem:$0x65A0] =	vst v0  }
0x2d: {  	[tilespmem:$0x65B0] =	vst v0  }
0x2e: {  	[tilespmem:$0x65C0] =	vst v0  }
0x2f: {  	[tilespmem:$0x65D0] =	vst v0  }
0x30: {  	[tilespmem:$0x65E0] =	vst v0  }
0x31: {  	[tilespmem:$0x65F0] =	vst v0  }
0x32: {  	[tilespmem:$0x6600] =	vst v0  }
0x33: {  	[tilespmem:$0x6610] =	vst v0  }
0x34: {  	[tilespmem:$0x6620] =	vst v0  }
0x35: {  	[tilespmem:$0x6630] =	vst v0  }
0x36: {  	[tilespmem:$0x6640] =	vst v0  }
0x37: {  	[tilespmem:$0x6650] =	vst v0  }
0x38: {  	[tilespmem:$0x6660] =	vst v0  }
0x39: {  	[tilespmem:$0x6670] =	vst v0  }
0x3a: {  	[tilespmem:$0x6680] =	vst v0  }
0x3b: {  	[tilespmem:$0x6690] =	vst v0  }
0x3c: {  	[tilespmem:$0x66A0] =	vst v0  }
0x3d: {  	[tilespmem:$0x66B0] =	vst v0  }
0x3e: {  	[tilespmem:$0x66C0] =	vst v0  }
0x3f: {  	[tilespmem:$0x66D0] =	vst v0  }
0x40: {  	[tilespmem:$0x66E0] =	vst v0  }
0x41: {  	[tilespmem:$0x66F0] =	vst v0  }
0x42: {  	[tilespmem:$0x6400] =	vst v1  }
0x43: {  	[tilespmem:$0x6410] =	vst v1  }
0x44: {  	[tilespmem:$0x6420] =	vst v1  }
0x45: {  	[tilespmem:$0x6430] =	vst v1  }
0x46: {  	[tilespmem:$0x6440] =	vst v1  }
0x47: {  	[spmem:s5] =	stream.linear.scatter [tilespmem:s9], [sflag:$0x2], $0x280, $0x38;
	[tilespmem:$0x6980] =	vst v63  }
0x48: {  	_ =	swait.ge [sflag:s8], $0x280  }
0x49: {  	[sflag:s8] =	ssyncset.done $0x0  }
0x4a: {  	[sflag:s8] =	ssyncadd.s32 $0xFFFFFD80  }
0x4b: {  	s18 =	simm.s32 $0x0;
	[bflag:$0x0] =	sbarrier.arrive $0xFFFF  }
0x4c: {  	[spmem:s2] =	stream.indirect.scatter.add.f32 [tilespmem:s11], [sflag:$0x1], $0x1, s18, s10, $0xb8;
	[tilespmem:$0x6980] =	vst v63  }
0x4d: {  	s28 =	simm.s32 $0x80  }
0x4e: {  	[spmem:s2] =	stream.indirect.scatter.add.f32 [tilespmem:s11], [sflag:$0x1], $0x1, s28, s10, $0xb8;
	[tilespmem:$0x6980] =	vst v63  }
0x4f: {  	s29 =	simm.s32 $0x100  }
0x50: {  	[spmem:s2] =	stream.indirect.scatter.add.f32 [tilespmem:s11], [sflag:$0x1], $0x1, s29, s10, $0xb8;
	[tilespmem:$0x6980] =	vst v63  }
0x51: {  	s30 =	simm.s32 $0x180  }
0x52: {  	[spmem:s2] =	stream.indirect.scatter.add.f32 [tilespmem:s11], [sflag:$0x1], $0x1, s30, s10, $0xb8;
	[tilespmem:$0x6980] =	vst v63  }
0x53: {  	s31 =	simm.s32 $0x200  }
0x54: {  	[spmem:s2] =	stream.indirect.scatter.add.f32 [tilespmem:s11], [sflag:$0x1], $0x1, s31, s10, $0xb8;
	[tilespmem:$0x6980] =	vst v63  }
0x55: {  	_ =	swait.ge [sflag:s12], $0x50  }
0x56: {  	[sflag:s12] =	ssyncset.done $0x0  }
0x57: {  	[sflag:s12] =	ssyncadd.s32 $0xFFFFFFB0  }
0x58: {  	_ =	swait.ge [sflag:s12], $0x50  }
0x59: {  	[sflag:s12] =	ssyncset.done $0x0  }
0x5a: {  	[sflag:s12] =	ssyncadd.s32 $0xFFFFFFB0  }
0x5b: {  	_ =	swait.ge [sflag:s12], $0x50  }
0x5c: {  	[sflag:s12] =	ssyncset.done $0x0  }
0x5d: {  	[sflag:s12] =	ssyncadd.s32 $0xFFFFFFB0  }
0x5e: {  	_ =	swait.ge [sflag:s12], $0x50  }
0x5f: {  	[sflag:s12] =	ssyncset.done $0x0  }
0x60: {  	[sflag:s12] =	ssyncadd.s32 $0xFFFFFFB0  }
0x61: {  	_ =	swait.ge [sflag:s12], $0x50  }
0x62: {  	s19 =	simm.s32 $0x2000;
	s18 =	simm.s32 $0x1000;
	[sflag:s12] =	ssyncset.done $0x0  }
.LBB2_4:
0x63: {  	s20 =	sshra.s32 s18, $0x2  }
0x64: {  	[sflag:s12] =	ssyncadd.s32 $0xFFFFFFB0;
	s18 =	smov.u32 s19;
	s21 =	sadd.s32 $0x1000, s19  }
0x65: {  	[spmem:s2] =	stream.indirect.scatter.add.f32 [tilespmem:s11], [sflag:$0x1], $0x1, s20, s10, $0xb8;
	[tilespmem:$0x6980] =	vst v63  }
0x66: {  	p0 =	sne.s32 s19, $0x18000;
	s19 =	sadd.s32 $0x80, s20  }
0x67: {  	[spmem:s2] =	stream.indirect.scatter.add.f32 [tilespmem:s11], [sflag:$0x1], $0x1, s19, s10, $0xb8;
	[tilespmem:$0x6980] =	vst v63  }
0x68: {  	s19 =	sadd.s32 $0x100, s20  }
0x69: {  	[spmem:s2] =	stream.indirect.scatter.add.f32 [tilespmem:s11], [sflag:$0x1], $0x1, s19, s10, $0xb8;
	[tilespmem:$0x6980] =	vst v63  }
0x6a: {  	s19 =	sadd.s32 $0x180, s20  }
0x6b: {  	[spmem:s2] =	stream.indirect.scatter.add.f32 [tilespmem:s11], [sflag:$0x1], $0x1, s19, s10, $0xb8;
	[tilespmem:$0x6980] =	vst v63  }
0x6c: {  	s19 =	sadd.s32 $0x200, s20  }
0x6d: {  	[spmem:s2] =	stream.indirect.scatter.add.f32 [tilespmem:s11], [sflag:$0x1], $0x1, s19, s10, $0xb8;
	[tilespmem:$0x6980] =	vst v63  }
0x6e: {  	_ =	swait.ge [sflag:s12], $0x50  }
0x6f: {  	[sflag:s12] =	ssyncset.done $0x0  }
0x70: {  	[sflag:s12] =	ssyncadd.s32 $0xFFFFFFB0  }
0x71: {  	_ =	swait.ge [sflag:s12], $0x50  }
0x72: {  	[sflag:s12] =	ssyncset.done $0x0  }
0x73: {  	[sflag:s12] =	ssyncadd.s32 $0xFFFFFFB0  }
0x74: {  	_ =	swait.ge [sflag:s12], $0x50  }
0x75: {  	[sflag:s12] =	ssyncset.done $0x0  }
0x76: {  	[sflag:s12] =	ssyncadd.s32 $0xFFFFFFB0  }
.Ltmp1:
0x77: {  	_ =	swait.ge [sflag:s12], $0x50;
	(pc) =	sbr.rel @p0 .LBB2_4-.Ltmp1, $4  }
0x78: {  	[sflag:s12] =	ssyncset.done $0x0  }
0x79: {  	[sflag:s12] =	ssyncadd.s32 $0xFFFFFFB0  }
0x7a: {  	_ =	swait.ge [sflag:s12], $0x50  }
0x7b: {  	s19 =	smov.u32 s21;
	[sflag:s12] =	ssyncset.done $0x0  }
0x7c: {  	s18 =	sshra.s32 s18, $0x2;
	[sflag:s12] =	ssyncadd.s32 $0xFFFFFFB0  }
0x7d: {  	[spmem:s2] =	stream.indirect.scatter.add.f32 [tilespmem:s11], [sflag:$0x1], $0x1, s18, s10, $0xb8;
	[tilespmem:$0x6980] =	vst v63  }
0x7e: {  	s19 =	sadd.s32 $0x80, s18  }
0x7f: {  	[spmem:s2] =	stream.indirect.scatter.add.f32 [tilespmem:s11], [sflag:$0x1], $0x1, s19, s10, $0xb8;
	[tilespmem:$0x6980] =	vst v63  }
0x80: {  	s30 =	sadd.s32 $0x100, s18  }
0x81: {  	[spmem:s2] =	stream.indirect.scatter.add.f32 [tilespmem:s11], [sflag:$0x1], $0x1, s30, s10, $0xb8;
	[tilespmem:$0x6980] =	vst v63  }
0x82: {  	s31 =	sadd.s32 $0x180, s18  }
0x83: {  	[spmem:s2] =	stream.indirect.scatter.add.f32 [tilespmem:s11], [sflag:$0x1], $0x1, s31, s10, $0xb8;
	[tilespmem:$0x6980] =	vst v63  }
0x84: {  	s18 =	sadd.s32 $0x200, s18  }
0x85: {  	[spmem:s2] =	stream.indirect.scatter.add.f32 [tilespmem:s11], [sflag:$0x1], $0x1, s18, s10, $0xb8;
	[tilespmem:$0x6980] =	vst v63  }
0x86: {  	_ =	swait.ge [sflag:s12], $0x50  }
0x87: {  	[sflag:s12] =	ssyncset.done $0x0  }
0x88: {  	[sflag:s12] =	ssyncadd.s32 $0xFFFFFFB0  }
0x89: {  	_ =	swait.ge [sflag:s12], $0x50  }
0x8a: {  	[sflag:s12] =	ssyncset.done $0x0  }
0x8b: {  	[sflag:s12] =	ssyncadd.s32 $0xFFFFFFB0  }
0x8c: {  	_ =	swait.ge [sflag:s12], $0x50  }
0x8d: {  	[sflag:s12] =	ssyncset.done $0x0  }
0x8e: {  	[sflag:s12] =	ssyncadd.s32 $0xFFFFFFB0  }
0x8f: {  	_ =	swait.ge [sflag:s12], $0x50  }
0x90: {  	[sflag:s12] =	ssyncset.done $0x0  }
0x91: {  	[sflag:s12] =	ssyncadd.s32 $0xFFFFFFB0  }
0x92: {  	_ =	swait.ge [sflag:s12], $0x50  }
0x93: {  	s17 =	sadd.s32 $0x1, s17;
	[sflag:s12] =	ssyncset.done $0x0  }
0x94: {  	p0 =	sne.s32 s17, s7;
	[sflag:s12] =	ssyncadd.s32 $0xFFFFFFB0  }
.Ltmp2:
0x95: {  	[bflag:$0x0] =	sbarrier.arrive $0xFFFF;
	(pc) =	sbr.rel @p0 .LBB2_1-.Ltmp2, $4  }
0x96: {  	[hbm:s6@s15], [sflag:s13] =	dma.strided [spmem:s14@s16], $0x50, s12, $0x10   }
0x97: {  	_ =	swait.ge [sflag:s8], $0x50  }
0x98: {  	[sflag:s8] =	ssyncset.done $0x0  }
0x99: {  	[sflag:s8] =	ssyncadd.s32 $0xFFFFFFB0  }
0x9a: {  	_ =	sfence.sel $0x180000  }
0x9b: {  	[bflag:$0x0] =	sbarrier.arrive $0xFFFF  }
0x9c: {  	p0 =	sne.s32 s0, $0x0;
	_ =	strace $0x90000047  }
0x9d: {  	s0 =	sadd.s32 @!p0 $0x100000, s1;
	[bflag:$0x2] =	sbarrier.arrive $0xFFFF  }
0x9e: {  	[sflag:s0] =	ssyncadd.tile.s32 @!p0 $0x1;
	_ =	shalt  }
.Lfunc_end2:
_tile_overlayer_lowered:
.L_overlay_start_2:
0x9f: {  	(tag) =	ssettag $0x2  }
0xa0: {  	s0 =	rddreg [dreg:$0x0];
	s2 =	stileid.u32  }
0xa1: {  	s1 =	rddreg [dreg:$0x1];
	p0 =	sne.s32 s2, $0x0  }
0xa2: {  	s3 =	rddreg [dreg:$0x2];
	[bflag:$0x3] =	sbarrier.arrive $0xFFFF;
	s2 =	simm.s32 @!p0 $0x1C02  }
0xa3: {  	[timem:s3], [sflag:s2] =	dma.local @!p0 [hbm:s0], s1  }
0xa4: {  	s0 =	simm.s32 @!p0 $0x2  }
0xa5: {  	_ =	swait.ge @!p0 [sflag:s0], s1  }
0xa6: {  	s1 =	ssub.s32 @!p0 $0x0, s1;
	[sflag:s0] =	ssyncset.done @!p0 $0x0  }
0xa7: {  	[sflag:s0] =	ssyncadd.s32 @!p0 s1  }
0xa8: {  	[bflag:$0x3] =	sbarrier.arrive $0xFFFF  }
0xa9: {  	_ =	shalt  }

// kernel: kernel.9.cloned.1.call-start
scs
__scs_entry_jumppad:
0x0: {  	(pc) =	sbr.rel $0x88, $3  }
0x1: {  	(tag) =	ssettag $0x0;
	lr =	simm.s32 $0x1  }
0x2: {  	[smem:$0x3F9D] =	sst lr;
	_ =	strace $0xD0000000  }
0x3: {  	_ = 	snop  }
0x4: {  	_ = 	snop  }
0x5: {  	_ = 	snop  }
0x6: {  	_ = 	snop  }
0x7: {  	_ = 	snop  }
__scs_overlays_trampoline_lowered:
0x8: {  	[smem:$0x3FAC] =	sst s0  }
0x9: {  	[smem:$0x3FAD] =	sst s1  }
0xa: {  	[smem:$0x3FAE] =	sst s2  }
0xb: {  	[smem:$0x3FAF] =	sst s3  }
0xc: {  	[smem:$0x3FB0] =	sst s4  }
0xd: {  	[smem:$0x3FB1] =	sst s5  }
0xe: {  	[smem:$0x3FB2] =	sst s6  }
0xf: {  	[smem:$0x3FB3] =	sst s7  }
0x10: {  	[smem:$0x3FB4] =	sst s8  }
0x11: {  	[smem:$0x3FB5] =	sst s9;
	s0 =	simm.s32 @!p0 $0x0  }
0x12: {  	s1 =	sld [smem:$0x3F9B];
	s0 =	simm.s32 @p0 $0x1  }
0x13: {  	[smem:$0x3FB6] =	sst s0;
	s0 =	simm.s32 @!p1 $0x0  }
0x14: {  	s2 =	sld [smem:$0x3F9A];
	s0 =	simm.s32 @p1 $0x1  }
0x15: {  	[smem:$0x3FB7] =	sst s0;
	s0 =	simm.s32 @!p2 $0x0  }
0x16: {  	s3 =	sld [smem:$0x3FDB];
	s0 =	simm.s32 @p2 $0x1  }
0x17: {  	s4 =	simm.s32 $0x1BF5;
	[smem:$0x3FB9] =	sst s0  }
0x18: {  	s0 =	sld [smem:$0x3F9C];
	_ =	swait.ge [sflag:s4], $0x0  }
0x19: {  	s7 =	sld [smem:$0x3F9D]  }
0x1a: {  	s8 =	sadd.s32 $0xFFFFE003, lr  }
0x1b: {  	s9 =	sadd.s32 $0xFFFFFEF7, lr;
	s5 =	simm.s32 $0xFFFFFFFF;
	p2 =	slt.u32 s8, $0xFFFFF086  }
0x1c: {  	p1 =	slt.u32 s9, $0xF7A;
	s5 =	simm.s32 @!p2 $0x0  }
0x1d: {  	s5 =	simm.s32 @p1 $0x1;
	p0 =	seq.s32 s7, s2  }
0x1e: {  	s7 =	smul.u32 @!p0 $0xF7A, s2;
	p2 =	seq.s32 @!p0 s5, $0x0  }
0x1f: {  	s9 =	smul.u32 $0xF7A, s1;
	s8 =	simm.s32 @!p0 $0x1BF5;
	p2 =	por !p2, p0  }
0x20: {  	[sflag:s8] =	ssyncset.s32 @!p0 $0xFFFFF086;
	s6 =	sadd.s32 @!p0 s3, s7;
	s7 =	simm.s32 @!p0 $0x108  }
0x21: {  	s3 =	sadd.s32 s3, s9;
	s6 =	sadd.s32 @!p0 $0x88, s6;
	s7 =	simm.s32 @p2 $0x1082  }
0x22: {  	[simem:s7], [sflag:s8] =	dma.local @!p0 [hbm:s6], $0xF7A  }
0x23: {  	s9 =	sor.u32 $0xD0000000, s2;
	s6 =	simm.s32 $0x108;
	_ =	swait.ge @!p0 [sflag:s8], $0x0  }
0x24: {  	s3 =	sadd.s32 $0x88, s3;
	s6 =	simm.s32 @!p1 $0x1082;
	[sflag:s4] =	ssyncset.s32 $0xFFFFF086  }
0x25: {  	[simem:s6], [sflag:s4] =	dma.local [hbm:s3], $0xF7A  }
0x26: {  	[smem:$0x3F9D] =	sst s1;
	(tag) =	ssettag s2;
	_ =	strace s9  }
0x27: {  	s1 =	sld [smem:$0x3FAD]  }
0x28: {  	s2 =	sld [smem:$0x3FAE]  }
0x29: {  	s4 =	sld [smem:$0x3FB0]  }
0x2a: {  	p0 =	seq.s32 s5, $0x0;
	s5 =	sld [smem:$0x3FB1]  }
0x2b: {  	s6 =	sld [smem:$0x3FB2]  }
0x2c: {  	s7 =	sld [smem:$0x3FB3]  }
0x2d: {  	s3 =	simm.s32 $0x108;
	s8 =	sld [smem:$0x3FB4]  }
0x2e: {  	s3 =	simm.s32 @!p0 $0x1082;
	s9 =	sld [smem:$0x3FB5]  }
0x2f: {  	lr =	sadd.s32 s0, s3;
	s0 =	sld [smem:$0x3FAC]  }
0x30: {  	s3 =	sld [smem:$0x3FAF]  }
0x31: {  	[smem:$0x3FB8] =	sst s10  }
0x32: {  	s10 =	sld [smem:$0x3FB6];
	_ =	sdelay $0x3  }
0x33: {  	p0 =	seq.s32 s10, $0x1;
	s10 =	sld [smem:$0x3FB8];
	_ =	sdelay $0x3  }
0x34: {  	[smem:$0x3FB8] =	sst s10  }
0x35: {  	s10 =	sld [smem:$0x3FB7];
	_ =	sdelay $0x3  }
0x36: {  	p1 =	seq.s32 s10, $0x1;
	s10 =	sld [smem:$0x3FB8];
	_ =	sdelay $0x3  }
0x37: {  	[smem:$0x3FB8] =	sst s10  }
0x38: {  	s10 =	sld [smem:$0x3FB9]  }
0x39: {  	_ = 	snop;
	(pc) =	sbr.ind lr, $3  }
0x3a: {  	_ = 	snop  }
0x3b: {  	_ = 	snop  }
0x3c: {  	p2 =	seq.s32 s10, $0x1;
	s10 =	sld [smem:$0x3FB8]  }
0x3d: {  	_ =	shalt  }
0x3e: {  	_ =	shalt  }
0x3f: {  	_ =	shalt  }
0x40: {  	_ =	shalt  }
0x41: {  	_ =	shalt  }
0x42: {  	_ =	shalt  }
0x43: {  	_ =	shalt  }
0x44: {  	_ =	shalt  }
0x45: {  	_ =	shalt  }
0x46: {  	_ =	shalt  }
0x47: {  	_ =	shalt  }
0x48: {  	_ =	shalt  }
0x49: {  	_ =	shalt  }
0x4a: {  	_ =	shalt  }
0x4b: {  	_ =	shalt  }
0x4c: {  	_ =	shalt  }
0x4d: {  	_ =	shalt  }
0x4e: {  	_ =	shalt  }
0x4f: {  	_ =	shalt  }
0x50: {  	_ =	shalt  }
0x51: {  	_ =	shalt  }
0x52: {  	_ =	shalt  }
0x53: {  	_ =	shalt  }
0x54: {  	_ =	shalt  }
0x55: {  	_ =	shalt  }
0x56: {  	_ =	shalt  }
0x57: {  	_ =	shalt  }
0x58: {  	_ =	shalt  }
0x59: {  	_ =	shalt  }
0x5a: {  	_ =	shalt  }
0x5b: {  	_ =	shalt  }
0x5c: {  	_ =	shalt  }
0x5d: {  	_ =	shalt  }
0x5e: {  	_ =	shalt  }
0x5f: {  	_ =	shalt  }
0x60: {  	_ =	shalt  }
0x61: {  	_ =	shalt  }
0x62: {  	_ =	shalt  }
0x63: {  	_ =	shalt  }
0x64: {  	_ =	shalt  }
0x65: {  	_ =	shalt  }
0x66: {  	_ =	shalt  }
0x67: {  	_ =	shalt  }
0x68: {  	_ =	shalt  }
0x69: {  	_ =	shalt  }
0x6a: {  	_ =	shalt  }
0x6b: {  	_ =	shalt  }
0x6c: {  	_ =	shalt  }
0x6d: {  	_ =	shalt  }
0x6e: {  	_ =	shalt  }
0x6f: {  	_ =	shalt  }
0x70: {  	_ =	shalt  }
0x71: {  	_ =	shalt  }
0x72: {  	_ =	shalt  }
0x73: {  	_ =	shalt  }
0x74: {  	_ =	shalt  }
0x75: {  	_ =	shalt  }
0x76: {  	_ =	shalt  }
0x77: {  	_ =	shalt  }
0x78: {  	_ =	shalt  }
0x79: {  	_ =	shalt  }
0x7a: {  	_ =	shalt  }
0x7b: {  	_ =	shalt  }
0x7c: {  	_ =	shalt  }
0x7d: {  	_ =	shalt  }
0x7e: {  	_ =	shalt  }
0x7f: {  	_ =	shalt  }
0x80: {  	_ =	shalt  }
0x81: {  	_ =	shalt  }
0x82: {  	_ =	shalt  }
0x83: {  	_ =	shalt  }
0x84: {  	_ =	shalt  }
0x85: {  	_ =	shalt  }
0x86: {  	_ =	shalt  }
0x87: {  	_ =	shalt  }
.Lfunc_end0:
.L_simem_size_0:
called_computation.1_lowered:
.L_overlay_start_0:
0x88: {  	s2 =	sld [smem:$0x3FD9]  }
0x89: {  	s3 =	sld [smem:$0x3FFE];
	_ =	sdelay $0x1  }
0x8a: {  	s1 =	srdreg.scid  }
0x8b: {  	s0 =	sand.u32 $0x1, s1  }
0x8c: {  	s16 =	sshll.u32 s0, $0xA;
	s2 =	sadd.s32 s3, s2  }
0x8d: {  	s2 =	sadd.s32 s2, s16  }
0x8e: {  	[smem:$0x3FC4] =	sst s2  }
0x8f: {  	_ = 	snop  }
0x90: {  	(tm) =	ssettm $0x1  }
0x91: {  	s17 =	sld [smem:$0x3FFB];
	_ =	sdelay $0x3  }
0x92: {  	_ =	strace s17  }
0x93: {  	s2 =	sld [smem:$0x3FFC];
	_ =	sdelay $0x3  }
0x94: {  	_ =	strace s2  }
0x95: {  	s2 =	sld [smem:$0x3FFD];
	_ =	sdelay $0x3  }
0x96: {  	_ =	strace s2  }
0x97: {  	_ =	strace $0x8FFFFFFF  }
0x98: {  	s18 =	sld [smem:$0x3FDB];
	_ =	sdelay $0x1  }
0x99: {  	s19 =	simm.s32 $_scs_section_size  }
0x9a: {  	s4 =	simm.s32 $_size__tile_overlayer_lowered;
	s5 =	simm.s32 $_tile_overlayer_lowered  }
0x9b: {  	s22 =	simm.s32 $0x1BFF;
	s21 =	sshll.u32 s5, $0x1;
	s2 =	sadd.s32 s19, s18  }
0x9c: {  	s6 =	simm.s32 $0x0;
	s20 =	sshll.u32 s4, $0x1;
	s4 =	sadd.s32 s21, s2  }
0x9d: {  	[timem:s6], [sflag:s22] =	dma.local [hbm:s4], s20  }
0x9e: {  	_ =	swait.ge [sflag:s22], s20  }
0x9f: {  	s3 =	ssub.s32 $0x0, s20;
	[sflag:s22] =	ssyncset.done $0x0  }
0xa0: {  	[sflag:s22] =	ssyncadd.s32 s3;
	_ =	sdelay $0x1  }
0xa1: {  	s23 =	simm.s32 $0x1B8B  }
0xa2: {  	_ =	swait.ge [sflag:s23], $0x1  }
0xa3: {  	[sflag:s23] =	ssyncset.done $0x0  }
0xa4: {  	s25 =	simm.s32 $0x1B8E;
	s24 =	sld [smem:$0x3FFE];
	[sflag:s23] =	ssyncadd.s32 $0xFFFFFFFF  }
0xa5: {  	s26 =	simm.s32 $execute0_lowered;
	[smem:$0x3FD2] =	sst s25  }
0xa6: {  	s4 =	sshll.u32 s26, $0x1;
	_ =	strace $0x80000049;
	[dreg:$0x1] =	wrdreg $0xFFFFFFFF  }
0xa7: {  	s28 =	simm.s32 $_size_execute0_lowered;
	s2 =	sadd.s32 s2, s4;
	[dreg:$0x0] =	wrdreg $0x0  }
0xa8: {  	s4 =	sshll.u32 s28, $0x1;
	[dreg:$0x2] =	wrdreg s2  }
0xa9: {  	[dreg:$0x3] =	wrdreg s4  }
0xaa: {  	[dreg:$0x4] =	wrdreg $0xC0  }
0xab: {  	_ =	task [dreg:s6], $0x5FFFF  }
0xac: {  	[dreg:$0x1] =	wrdreg $0xFFFFFFFF  }
0xad: {  	[dreg:$0x0] =	wrdreg $0x60  }
0xae: {  	[dreg:$0x2] =	wrdreg s24  }
0xaf: {  	[dreg:$0x3] =	wrdreg $0x88000  }
0xb0: {  	[dreg:$0x4] =	wrdreg $0x9  }
0xb1: {  	_ =	task.clear_ibuf [dreg:s6], $0x5FFFF;
	_ =	strace $0x90000049  }
0xb2: {  	s29 =	simm.s32 $0x9;
	_ =	strace $0x8000004B  }
0xb3: {  	_ =	swait.ge [sflag:s29], $0x1  }
0xb4: {  	[sflag:s29] =	ssyncadd.s32 $0xFFFFFFFF  }
0xb5: {  	_ =	strace $0x9000004B  }
0xb6: {  	_ =	sfence  }
0xb7: {  	s30 =	sld [smem:$0x0];
	_ =	sdelay $0x2  }
0xb8: {  	s31 =	sshll.u32 s1, $0xD;
	s1 =	sshrl.u32 s1, $0x2  }
0xb9: {  	s3 =	sand.u32 $0x4000, s31;
	s1 =	sadd.s32 s1, s30  }
0xba: {  	s0 =	sor.u32 s3, s0;
	s1 =	sshll.u32 s1, $0x11  }
0xbb: {  	s0 =	sor.u32 s1, s0  }
0xbc: {  	s0 =	sadd.s32 $0x8F2B, s0  }
0xbd: {  	[sflag:s0] =	ssyncadd.remote.s32 $0x1  }
0xbe: {  	_ =	sfence.sel $0xFFFF  }
0xbf: {  	[dreg:$0x0] =	wrdreg $0xFFFFFFFF;
	(pc) =	sbr.abs _section_cstart, $3  }
0xc0: {  	[dreg:$0x1] =	wrdreg $0xFFFFFFFF  }
0xc1: {  	_ =	task.clear_ibuf [dreg:s6], $0x2FFFF;
	_ =	strace $0x9FFFFFFF  }
0xc2: {  	(tm) =	ssettm $0x7FFFFFFF  }
0xc3: {  	_ =	shalt  }
tec
execute0_lowered:
.L_overlay_start_1:
0x0: {  	(tag) =	ssettag $0x1  }
0x1: {  	s0 =	rddreg [dreg:$0x0]  }
0x2: {  	s1 =	rddreg [dreg:$0x1];
	s2 =	srdreg.scid;
	s3 =	simm.s32 $0x0  }
0x3: {  	s11 =	stileid.u32;
	s18 =	simm.s32 $0x480;
	s28 =	simm.s32 $0x3800  }
0x4: {  	s29 =	simm.s32 $0x100;
	s30 =	simm.s32 $0x6000;
	s6 =	smul.u32 $0x14000, s11  }
0x5: {  	s31 =	simm.s32 $0x1;
	s2 =	sand.u32 $0x1, s2;
	s9 =	smul.u32 $0x50000, s11  }
0x6: {  	[smem:$0x7FF] =	sst s3;
	s7 =	sadd.s32 $0x1800, s0;
	s21 =	smul.u32 $0x2800, s11  }
0x7: {  	s4 =	sadd.s32 $0x33800, s0;
	s19 =	sshll.u32 s11, $0x1;
	s22 =	smul.u32 $0xC800, s11  }
0x8: {  	s5 =	smul.u32 $0x140000, s2;
	_ =	strace $0x8000004A;
	s8 =	ssub.s32 $0x2, s2  }
0x9: {  	s23 =	smul.u32 $0x6400, s2;
	p0 =	sne.s32 s2, $0x0;
	[dreg:$0x5] =	wrdreg s18  }
0xa: {  	s10 =	sshrl.u32 s8, $0x1;
	s9 =	sshrl.u32 s9, $0x2;
	s5 =	sadd.s32 s6, s5  }
0xb: {  	s6 =	sor.u32 s2, s19;
	s20 =	ssub.s32 s8, s10;
	s8 =	sadd.s32 s4, s21  }
0xc: {  	s12 =	sadd.s32 s9, s1;
	s19 =	simm.s32 $0x500;
	[dreg:$0xe] =	wrdreg s8  }
0xd: {  	s26 =	sadd.s32 s23, s22;
	s21 =	simm.s32 $0x580;
	[dreg:$0x6] =	wrdreg s19  }
0xe: {  	s22 =	simm.s32 $0xC80;
	s23 =	simm.s32 $0x600;
	[dreg:$0x7] =	wrdreg s21  }
0xf: {  	s5 =	sshrl.u32 s5, $0x3;
	s6 =	smul.u32 $0x6400, s6;
	[dreg:$0xd] =	wrdreg s12  }
0x10: {  	s25 =	smax.u32 s20, $0x1;
	s8 =	sadd.s32 $0x2800, s12;
	[dreg:$0x8] =	wrdreg s22  }
0x11: {  	s9 =	sadd.s32 $0x5000, s12;
	s10 =	sadd.s32 $0xC8000, s26;
	[dreg:$0x9] =	wrdreg s23  }
0x12: {  	s13 =	sadd.s32 $0x7800, s12;
	s14 =	sadd.s32 $0xA000, s12;
	[dreg:$0x12] =	wrdreg s25  }
0x13: {  	s15 =	sadd.s32 $0xC800, s12;
	s16 =	sadd.s32 $0xF000, s12;
	[dreg:$0x13] =	wrdreg s8  }
0x14: {  	s17 =	sadd.s32 $0x11800, s12;
	s20 =	sshll.u32 s11, $0x6;
	[dreg:$0x14] =	wrdreg s9  }
0x15: {  	s19 =	sshrl.u32 s12, $0x3;
	s21 =	simm.s32 $0x400;
	[dreg:$0x15] =	wrdreg s13  }
0x16: {  	s22 =	simm.s32 $0x800;
	s23 =	simm.s32 $0xC00;
	[dreg:$0x16] =	wrdreg s14  }
0x17: {  	s11 =	simm.s32 $0x880;
	s12 =	simm.s32 $0x5;
	[dreg:$0x17] =	wrdreg s15  }
0x18: {  	s0 =	sadd.s32 s5, s0;
	s5 =	sshrl.u32 s10, $0x3;
	[dreg:$0x18] =	wrdreg s16  }
0x19: {  	[dreg:$0x19] =	wrdreg s17;
	s2 =	sor.u32 $0x1C07, s20;
	s20 =	simm.s32 $0x7  }
0x1a: {  	s25 =	simm.s32 $0xD80;
	s13 =	simm.s32 $0x200;
	s14 =	simm.s32 $0x3  }
0x1b: {  	s15 =	simm.s32 $0x900;
	s16 =	simm.s32 $0x6;
	s17 =	simm.s32 $0x980  }
0x1c: {  	s6 =	sshrl.u32 s6, $0x3;
	s0 =	sadd.s32 $0x5B800, s0;
	[dreg:$0x1a] =	wrdreg s2  }
0x1d: {  	s5 =	sadd.s32 s5, s7;
	[dreg:$0xb] =	wrdreg s25;
	s25 =	simm.s32 $0x1000  }
0x1e: {  	s2 =	simm.s32 $0x180;
	s6 =	sadd.s32 s7, s6;
	[dreg:$0x11] =	wrdreg s0  }
0x1f: {  	s0 =	sshrl.u32 s26, $0x3;
	[dreg:$0x3] =	wrdreg s5;
	s26 =	simm.s32 $0xE00  }
0x20: {  	s5 =	simm.s32 $0xA00;
	s24 =	sadd.s32 $0xC00, s6;
	[dreg:$0xc] =	wrdreg s26  }
0x21: {  	s6 =	sadd.s32 $0x19C00, s6;
	s0 =	sadd.s32 s0, s7;
	[dreg:$0xf] =	wrdreg s24  }
0x22: {  	s26 =	simm.s32 $0x80;
	s7 =	simm.s32 $0x0;
	[dreg:$0x10] =	wrdreg s6  }
0x23: {  	[dreg:$0x4] =	wrdreg s0;
	s24 =	simm.s32 $0xD00;
	s0 =	simm.s32 $0x4  }
0x24: {  	v0 =	vimm.f32 $0.0e+00;
	s6 =	simm.s32 $0x2;
	[dreg:$0xa] =	wrdreg s24;
	s24 =	simm.s32 $0x50  }
.LBB2_1:
.Ltmp0:
0x25: {  	(pc) =	sbr.rel @p0 .LBB2_3-.Ltmp0, $2  }
0x26: {  	_ =	sdelay $0x2  }
0x27: {  	s9 =	simm.s32 $0x1C0  }
.Ltmp1:
0x28: {  	(pc) =	sbr.rel .LBB2_6-.Ltmp1, $4  }
0x29: {  	_ = 	snop  }
0x2a: {  	s8 =	rddreg [dreg:$0xe]  }
0x2b: {  	s9 =	rddreg [dreg:$0x1a]  }
0x2c: {  	[spmem:s19], [sflag:s9] =	dma.local [hbm:s8], $0x2800  }
.LBB2_3:
0x2d: {  	s8 =	sshra.s32 s9, $0x2;
	s9 =	sadd.s32 $0x200, s9  }
.LBB2_4:
0x2e: {  	p1 =	seq.s32 s9, $0x9FC0;
	[tilespmem:s8+$0x1000] =	vst v0  }
0x2f: {  	[tilespmem:s8+$0xF90] =	vst v0  }
0x30: {  	[tilespmem:s8+$0xFA0] =	vst v0  }
.Ltmp2:
0x31: {  	[tilespmem:s8+$0xFB0] =	vst v0;
	(pc) =	sbr.rel @!p1 .LBB2_4-.Ltmp2, $4  }
0x32: {  	[tilespmem:s8+$0xFC0] =	vst v0  }
0x33: {  	[tilespmem:s8+$0xFD0] =	vst v0  }
0x34: {  	[tilespmem:s8+$0xFE0] =	vst v0  }
0x35: {  	[tilespmem:s8+$0xFF0] =	vst v0;
	s8 =	sshra.s32 s9, $0x2;
	s9 =	sadd.s32 $0x200, s9  }
0x36: {  	[tilespmem:s8+$0x1000] =	vst v0  }
0x37: {  	[tilespmem:s8+$0xF90] =	vst v0  }
0x38: {  	[tilespmem:s8+$0xFA0] =	vst v0  }
0x39: {  	[tilespmem:s8+$0xFB0] =	vst v0  }
0x3a: {  	[tilespmem:s8+$0xFC0] =	vst v0  }
0x3b: {  	[tilespmem:s8+$0xFD0] =	vst v0  }
0x3c: {  	[tilespmem:s8+$0xFE0] =	vst v0  }
0x3d: {  	[tilespmem:s8+$0xFF0] =	vst v0;
	s10 =	rddreg [dreg:$0xd]  }
0x3e: {  	[spmem:s10] =	stream.linear.scatter [tilespmem:s25], [sflag:$0x7], $0x2800, $0x38;
	[tilespmem:$0x1C800] =	vst v63  }
0x3f: {  	_ =	swait.ge [sflag:s20], $0x2800  }
0x40: {  	[sflag:s20] =	ssyncset.done $0x0  }
0x41: {  	s18 =	rddreg [dreg:$0x13];
	[sflag:s20] =	ssyncadd.s32 $0xFFFFD800  }
0x42: {  	[spmem:s18] =	stream.linear.scatter [tilespmem:s25], [sflag:$0x7], $0x2800, $0x38;
	[tilespmem:$0x1C800] =	vst v63  }
0x43: {  	_ =	swait.ge [sflag:s20], $0x2800  }
0x44: {  	[sflag:s20] =	ssyncset.done $0x0  }
0x45: {  	s9 =	rddreg [dreg:$0x14];
	[sflag:s20] =	ssyncadd.s32 $0xFFFFD800  }
0x46: {  	[spmem:s9] =	stream.linear.scatter [tilespmem:s25], [sflag:$0x7], $0x2800, $0x38;
	[tilespmem:$0x1C800] =	vst v63  }
0x47: {  	_ =	swait.ge [sflag:s20], $0x2800  }
0x48: {  	[sflag:s20] =	ssyncset.done $0x0  }
0x49: {  	s10 =	rddreg [dreg:$0x15];
	[sflag:s20] =	ssyncadd.s32 $0xFFFFD800  }
0x4a: {  	[spmem:s10] =	stream.linear.scatter [tilespmem:s25], [sflag:$0x7], $0x2800, $0x38;
	[tilespmem:$0x1C800] =	vst v63  }
0x4b: {  	_ =	swait.ge [sflag:s20], $0x2800  }
0x4c: {  	[sflag:s20] =	ssyncset.done $0x0  }
0x4d: {  	s18 =	rddreg [dreg:$0x16];
	[sflag:s20] =	ssyncadd.s32 $0xFFFFD800  }
0x4e: {  	[spmem:s18] =	stream.linear.scatter [tilespmem:s25], [sflag:$0x7], $0x2800, $0x38;
	[tilespmem:$0x1C800] =	vst v63  }
0x4f: {  	_ =	swait.ge [sflag:s20], $0x2800  }
0x50: {  	[sflag:s20] =	ssyncset.done $0x0  }
0x51: {  	s9 =	rddreg [dreg:$0x17];
	[sflag:s20] =	ssyncadd.s32 $0xFFFFD800  }
0x52: {  	[spmem:s9] =	stream.linear.scatter [tilespmem:s25], [sflag:$0x7], $0x2800, $0x38;
	[tilespmem:$0x1C800] =	vst v63  }
0x53: {  	_ =	swait.ge [sflag:s20], $0x2800  }
0x54: {  	[sflag:s20] =	ssyncset.done $0x0  }
0x55: {  	s10 =	rddreg [dreg:$0x18];
	[sflag:s20] =	ssyncadd.s32 $0xFFFFD800  }
0x56: {  	[spmem:s10] =	stream.linear.scatter [tilespmem:s25], [sflag:$0x7], $0x2800, $0x38;
	[tilespmem:$0x1C800] =	vst v63  }
0x57: {  	_ =	swait.ge [sflag:s20], $0x2800  }
0x58: {  	[sflag:s20] =	ssyncset.done $0x0  }
0x59: {  	s18 =	rddreg [dreg:$0x19];
	[sflag:s20] =	ssyncadd.s32 $0xFFFFD800  }
0x5a: {  	[spmem:s18] =	stream.linear.scatter [tilespmem:s25], [sflag:$0x7], $0x2800, $0x38;
	[tilespmem:$0x1C800] =	vst v63  }
.LBB2_6:
0x5b: {  	_ =	swait.ge [sflag:s20], $0x2800  }
0x5c: {  	[sflag:s20] =	ssyncset.done $0x0  }
0x5d: {  	[sflag:s20] =	ssyncadd.s32 $0xFFFFD800  }
0x5e: {  	[bflag:$0x0] =	sbarrier.arrive $0xFFFF  }
0x5f: {  	s8 =	rddreg [dreg:$0x4]  }
0x60: {  	s8 =	sadd.s32 $0x0, s8  }
0x61: {  	[tilespmem:s3], [sflag:$0x7] =	stream.linear.gather [hbm4b:s8+s3], $0x280, $0x38;
	[tilespmem:$0x1C800] =	vst v63  }
0x62: {  	s8 =	sadd.s32 $0x80, s8  }
0x63: {  	[tilespmem:s21], [sflag:$0x7] =	stream.linear.gather [hbm4b:s8+s3], $0x280, $0x38;
	[tilespmem:$0x1C800] =	vst v63  }
0x64: {  	_ =	swait.ge [sflag:s20], $0x500  }
0x65: {  	s9 =	rddreg [dreg:$0x3];
	[sflag:s20] =	ssyncset.done $0x0  }
0x66: {  	[sflag:s20] =	ssyncadd.s32 $0xFFFFFB00;
	s8 =	sadd.s32 $0x0, s9  }
0x67: {  	[tilespmem:s22], [sflag:$0x7] =	stream.linear.gather [hbm4b:s8+s3], $0x280, $0x38;
	[tilespmem:$0x1C800] =	vst v63  }
0x68: {  	s8 =	sadd.s32 $0x80, s8  }
0x69: {  	[tilespmem:s23], [sflag:$0x7] =	stream.linear.gather [hbm4b:s8+s3], $0x280, $0x38;
	[tilespmem:$0x1C800] =	vst v63  }
0x6a: {  	_ =	swait.ge [sflag:s20], $0x500  }
0x6b: {  	[sflag:s20] =	ssyncset.done $0x0  }
0x6c: {  	[sflag:s20] =	ssyncadd.s32 $0xFFFFFB00  }
0x6d: {  	[tilespmem:s25], [sflag:$0x1] =	stream.indirect.gather [hbm4b:s4+s24], $0x80, s3, s24, $0xb8;
	[tilespmem:$0x1C800] =	vst v63  }
0x6e: {  	_ = 	snop  }
0x6f: {  	[tilespmem:s28], [sflag:$0x2] =	stream.indirect.gather [hbm4b:s4+s24], $0x80, s26, s24, $0xb8;
	[tilespmem:$0x1C800] =	vst v63  }
0x70: {  	_ = 	snop  }
0x71: {  	[tilespmem:s30], [sflag:$0x3] =	stream.indirect.gather [hbm4b:s4+s24], $0x80, s29, s24, $0xb8;
	[tilespmem:$0x1C800] =	vst v63  }
0x72: {  	_ =	swait.ge [sflag:s31], $0x2800  }
0x73: {  	[sflag:s31] =	ssyncset.done $0x0  }
0x74: {  	[sflag:s31] =	ssyncadd.s32 $0xFFFFD800  }
0x75: {  	[spmem:s1] =	stream.indirect.scatter.add.f32 [tilespmem:s25], [sflag:$0x4], $0x80, s22, s24, $0xb8;
	[tilespmem:$0x1C800] =	vst v63  }
0x76: {  	_ =	swait.ge [sflag:s0], $0x2800  }
0x77: {  	[sflag:s0] =	ssyncset.done $0x0  }
0x78: {  	[sflag:s0] =	ssyncadd.s32 $0xFFFFD800  }
0x79: {  	[tilespmem:s25], [sflag:$0x1] =	stream.indirect.gather [hbm4b:s4+s24], $0x80, s2, s24, $0xb8;
	[tilespmem:$0x1C800] =	vst v63  }
0x7a: {  	_ =	swait.ge [sflag:s6], $0x2800  }
0x7b: {  	[sflag:s6] =	ssyncset.done $0x0  }
0x7c: {  	[sflag:s6] =	ssyncadd.s32 $0xFFFFD800  }
0x7d: {  	[spmem:s1] =	stream.indirect.scatter.add.f32 [tilespmem:s28], [sflag:$0x5], $0x80, s11, s24, $0xb8;
	[tilespmem:$0x1C800] =	vst v63  }
0x7e: {  	_ =	swait.ge [sflag:s12], $0x2800  }
0x7f: {  	[sflag:s12] =	ssyncset.done $0x0  }
0x80: {  	[sflag:s12] =	ssyncadd.s32 $0xFFFFD800  }
0x81: {  	[tilespmem:s28], [sflag:$0x2] =	stream.indirect.gather [hbm4b:s4+s24], $0x80, s13, s24, $0xb8;
	[tilespmem:$0x1C800] =	vst v63  }
0x82: {  	_ =	swait.ge [sflag:s14], $0x2800  }
0x83: {  	[sflag:s14] =	ssyncset.done $0x0  }
0x84: {  	[sflag:s14] =	ssyncadd.s32 $0xFFFFD800  }
0x85: {  	[spmem:s1] =	stream.indirect.scatter.add.f32 [tilespmem:s30], [sflag:$0x6], $0x80, s15, s24, $0xb8;
	[tilespmem:$0x1C800] =	vst v63  }
0x86: {  	_ =	swait.ge [sflag:s16], $0x2800  }
0x87: {  	[sflag:s16] =	ssyncset.done $0x0  }
0x88: {  	[sflag:s16] =	ssyncadd.s32 $0xFFFFD800  }
0x89: {  	[tilespmem:s30], [sflag:$0x3] =	stream.indirect.gather [hbm4b:s4+s24], $0x80, s21, s24, $0xb8;
	[tilespmem:$0x1C800] =	vst v63  }
0x8a: {  	_ =	swait.ge [sflag:s31], $0x2800  }
0x8b: {  	[sflag:s31] =	ssyncset.done $0x0  }
0x8c: {  	[sflag:s31] =	ssyncadd.s32 $0xFFFFD800  }
0x8d: {  	[spmem:s1] =	stream.indirect.scatter.add.f32 [tilespmem:s25], [sflag:$0x4], $0x80, s17, s24, $0xb8;
	[tilespmem:$0x1C800] =	vst v63  }
0x8e: {  	_ =	swait.ge [sflag:s0], $0x2800  }
0x8f: {  	[sflag:s0] =	ssyncset.done $0x0  }
0x90: {  	s10 =	rddreg [dreg:$0x5];
	[sflag:s0] =	ssyncadd.s32 $0xFFFFD800  }
0x91: {  	[tilespmem:s25], [sflag:$0x1] =	stream.indirect.gather [hbm4b:s4+s24], $0x80, s10, s24, $0xb8;
	[tilespmem:$0x1C800] =	vst v63  }
0x92: {  	_ =	swait.ge [sflag:s6], $0x2800  }
0x93: {  	[sflag:s6] =	ssyncset.done $0x0  }
0x94: {  	[sflag:s6] =	ssyncadd.s32 $0xFFFFD800  }
0x95: {  	[spmem:s1] =	stream.indirect.scatter.add.f32 [tilespmem:s28], [sflag:$0x5], $0x80, s5, s24, $0xb8;
	[tilespmem:$0x1C800] =	vst v63  }
0x96: {  	_ =	swait.ge [sflag:s12], $0x2800  }
0x97: {  	[sflag:s12] =	ssyncset.done $0x0  }
0x98: {  	s18 =	rddreg [dreg:$0x6];
	[sflag:s12] =	ssyncadd.s32 $0xFFFFD800  }
0x99: {  	[tilespmem:s28], [sflag:$0x2] =	stream.indirect.gather [hbm4b:s4+s24], $0x80, s18, s24, $0xb8;
	[tilespmem:$0x1C800] =	vst v63  }
0x9a: {  	_ =	swait.ge [sflag:s14], $0x2800  }
0x9b: {  	[sflag:s14] =	ssyncset.done $0x0  }
0x9c: {  	[sflag:s14] =	ssyncadd.s32 $0xFFFFD800  }
0x9d: {  	[spmem:s1] =	stream.indirect.scatter.add.f32 [tilespmem:s30], [sflag:$0x6], $0x80, s23, s24, $0xb8;
	[tilespmem:$0x1C800] =	vst v63  }
0x9e: {  	_ =	swait.ge [sflag:s16], $0x2800  }
0x9f: {  	[sflag:s16] =	ssyncset.done $0x0  }
0xa0: {  	s9 =	rddreg [dreg:$0x7];
	[sflag:s16] =	ssyncadd.s32 $0xFFFFD800  }
0xa1: {  	[tilespmem:s30], [sflag:$0x3] =	stream.indirect.gather [hbm4b:s4+s24], $0x80, s9, s24, $0xb8;
	[tilespmem:$0x1C800] =	vst v63  }
0xa2: {  	_ =	swait.ge [sflag:s31], $0x2800  }
0xa3: {  	[sflag:s31] =	ssyncset.done $0x0  }
0xa4: {  	s10 =	rddreg [dreg:$0x8];
	[sflag:s31] =	ssyncadd.s32 $0xFFFFD800  }
0xa5: {  	[spmem:s1] =	stream.indirect.scatter.add.f32 [tilespmem:s25], [sflag:$0x4], $0x80, s10, s24, $0xb8;
	[tilespmem:$0x1C800] =	vst v63  }
0xa6: {  	_ =	swait.ge [sflag:s0], $0x2800  }
0xa7: {  	[sflag:s0] =	ssyncset.done $0x0  }
0xa8: {  	s18 =	rddreg [dreg:$0x9];
	[sflag:s0] =	ssyncadd.s32 $0xFFFFD800  }
0xa9: {  	[tilespmem:s25], [sflag:$0x1] =	stream.indirect.gather [hbm4b:s4+s24], $0x80, s18, s24, $0xb8;
	[tilespmem:$0x1C800] =	vst v63  }
0xaa: {  	_ =	swait.ge [sflag:s6], $0x2800  }
0xab: {  	[sflag:s6] =	ssyncset.done $0x0  }
0xac: {  	s9 =	rddreg [dreg:$0xa];
	[sflag:s6] =	ssyncadd.s32 $0xFFFFD800  }
0xad: {  	[spmem:s1] =	stream.indirect.scatter.add.f32 [tilespmem:s28], [sflag:$0x5], $0x80, s9, s24, $0xb8;
	[tilespmem:$0x1C800] =	vst v63  }
0xae: {  	_ =	swait.ge [sflag:s14], $0x2800  }
0xaf: {  	[sflag:s14] =	ssyncset.done $0x0  }
0xb0: {  	s10 =	rddreg [dreg:$0xb];
	[sflag:s14] =	ssyncadd.s32 $0xFFFFD800  }
0xb1: {  	[spmem:s1] =	stream.indirect.scatter.add.f32 [tilespmem:s30], [sflag:$0x6], $0x80, s10, s24, $0xb8;
	[tilespmem:$0x1C800] =	vst v63  }
0xb2: {  	_ =	swait.ge [sflag:s31], $0x2800  }
0xb3: {  	[sflag:s31] =	ssyncset.done $0x0  }
0xb4: {  	s18 =	rddreg [dreg:$0xc];
	[sflag:s31] =	ssyncadd.s32 $0xFFFFD800  }
0xb5: {  	[spmem:s1] =	stream.indirect.scatter.add.f32 [tilespmem:s25], [sflag:$0x4], $0x80, s18, s24, $0xb8;
	[tilespmem:$0x1C800] =	vst v63  }
0xb6: {  	_ =	swait.ge [sflag:s12], $0x2800  }
0xb7: {  	[sflag:s12] =	ssyncset.done $0x0  }
0xb8: {  	[sflag:s12] =	ssyncadd.s32 $0xFFFFD800  }
0xb9: {  	_ =	swait.ge [sflag:s16], $0x2800  }
0xba: {  	[sflag:s16] =	ssyncset.done $0x0  }
0xbb: {  	[sflag:s16] =	ssyncadd.s32 $0xFFFFD800  }
0xbc: {  	s8 =	simm.s32 $0x100;
	_ =	swait.ge [sflag:s0], $0x2800  }
0xbd: {  	s9 =	simm.s32 $0x200;
	s10 =	rddreg [dreg:$0x4];
	[sflag:s0] =	ssyncset.done $0x0  }
.LBB2_7:
0xbe: {  	[sflag:s0] =	ssyncadd.s32 $0xFFFFD800;
	s10 =	sadd.s32 s8, s10  }
0xbf: {  	[tilespmem:s3], [sflag:$0x7] =	stream.linear.gather [hbm4b:s10+s3], $0x280, $0x38;
	[tilespmem:$0x1C800] =	vst v63  }
0xc0: {  	s10 =	sadd.s32 $0x80, s10  }
0xc1: {  	[tilespmem:s21], [sflag:$0x7] =	stream.linear.gather [hbm4b:s10+s3], $0x280, $0x38;
	[tilespmem:$0x1C800] =	vst v63  }
0xc2: {  	_ =	swait.ge [sflag:s20], $0x500  }
0xc3: {  	s10 =	rddreg [dreg:$0x3];
	[sflag:s20] =	ssyncset.done $0x0  }
0xc4: {  	[sflag:s20] =	ssyncadd.s32 $0xFFFFFB00;
	s10 =	sadd.s32 s8, s10  }
0xc5: {  	[tilespmem:s22], [sflag:$0x7] =	stream.linear.gather [hbm4b:s10+s3], $0x280, $0x38;
	[tilespmem:$0x1C800] =	vst v63  }
0xc6: {  	s10 =	sadd.s32 $0x80, s10  }
0xc7: {  	[tilespmem:s23], [sflag:$0x7] =	stream.linear.gather [hbm4b:s10+s3], $0x280, $0x38;
	[tilespmem:$0x1C800] =	vst v63  }
0xc8: {  	_ =	swait.ge [sflag:s20], $0x500  }
0xc9: {  	[sflag:s20] =	ssyncset.done $0x0  }
0xca: {  	[sflag:s20] =	ssyncadd.s32 $0xFFFFFB00  }
0xcb: {  	[tilespmem:s25], [sflag:$0x1] =	stream.indirect.gather [hbm4b:s4+s24], $0x80, s3, s24, $0xb8;
	[tilespmem:$0x1C800] =	vst v63  }
0xcc: {  	_ = 	snop  }
0xcd: {  	[tilespmem:s28], [sflag:$0x2] =	stream.indirect.gather [hbm4b:s4+s24], $0x80, s26, s24, $0xb8;
	[tilespmem:$0x1C800] =	vst v63  }
0xce: {  	_ = 	snop  }
0xcf: {  	[tilespmem:s30], [sflag:$0x3] =	stream.indirect.gather [hbm4b:s4+s24], $0x80, s29, s24, $0xb8;
	[tilespmem:$0x1C800] =	vst v63  }
0xd0: {  	_ =	swait.ge [sflag:s31], $0x2800  }
0xd1: {  	[sflag:s31] =	ssyncset.done $0x0  }
0xd2: {  	[sflag:s31] =	ssyncadd.s32 $0xFFFFD800  }
0xd3: {  	[spmem:s1] =	stream.indirect.scatter.add.f32 [tilespmem:s25], [sflag:$0x4], $0x80, s22, s24, $0xb8;
	[tilespmem:$0x1C800] =	vst v63  }
0xd4: {  	_ =	swait.ge [sflag:s0], $0x2800  }
0xd5: {  	[sflag:s0] =	ssyncset.done $0x0  }
0xd6: {  	[sflag:s0] =	ssyncadd.s32 $0xFFFFD800  }
0xd7: {  	[tilespmem:s25], [sflag:$0x1] =	stream.indirect.gather [hbm4b:s4+s24], $0x80, s2, s24, $0xb8;
	[tilespmem:$0x1C800] =	vst v63  }
0xd8: {  	_ =	swait.ge [sflag:s6], $0x2800  }
0xd9: {  	[sflag:s6] =	ssyncset.done $0x0  }
0xda: {  	[sflag:s6] =	ssyncadd.s32 $0xFFFFD800  }
0xdb: {  	[spmem:s1] =	stream.indirect.scatter.add.f32 [tilespmem:s28], [sflag:$0x5], $0x80, s11, s24, $0xb8;
	[tilespmem:$0x1C800] =	vst v63  }
0xdc: {  	_ =	swait.ge [sflag:s12], $0x2800  }
0xdd: {  	[sflag:s12] =	ssyncset.done $0x0  }
0xde: {  	[sflag:s12] =	ssyncadd.s32 $0xFFFFD800  }
0xdf: {  	[tilespmem:s28], [sflag:$0x2] =	stream.indirect.gather [hbm4b:s4+s24], $0x80, s13, s24, $0xb8;
	[tilespmem:$0x1C800] =	vst v63  }
0xe0: {  	_ =	swait.ge [sflag:s14], $0x2800  }
0xe1: {  	[sflag:s14] =	ssyncset.done $0x0  }
0xe2: {  	[sflag:s14] =	ssyncadd.s32 $0xFFFFD800  }
0xe3: {  	[spmem:s1] =	stream.indirect.scatter.add.f32 [tilespmem:s30], [sflag:$0x6], $0x80, s15, s24, $0xb8;
	[tilespmem:$0x1C800] =	vst v63  }
0xe4: {  	_ =	swait.ge [sflag:s16], $0x2800  }
0xe5: {  	[sflag:s16] =	ssyncset.done $0x0  }
0xe6: {  	[sflag:s16] =	ssyncadd.s32 $0xFFFFD800  }
0xe7: {  	[tilespmem:s30], [sflag:$0x3] =	stream.indirect.gather [hbm4b:s4+s24], $0x80, s21, s24, $0xb8;
	[tilespmem:$0x1C800] =	vst v63  }
0xe8: {  	_ =	swait.ge [sflag:s31], $0x2800  }
0xe9: {  	[sflag:s31] =	ssyncset.done $0x0  }
0xea: {  	[sflag:s31] =	ssyncadd.s32 $0xFFFFD800  }
0xeb: {  	[spmem:s1] =	stream.indirect.scatter.add.f32 [tilespmem:s25], [sflag:$0x4], $0x80, s17, s24, $0xb8;
	[tilespmem:$0x1C800] =	vst v63  }
0xec: {  	_ =	swait.ge [sflag:s0], $0x2800  }
0xed: {  	s18 =	smov.u32 s9;
	[sflag:s0] =	ssyncset.done $0x0  }
0xee: {  	s8 =	smov.u32 s18;
	s18 =	rddreg [dreg:$0x5];
	[sflag:s0] =	ssyncadd.s32 $0xFFFFD800  }
0xef: {  	[tilespmem:s25], [sflag:$0x1] =	stream.indirect.gather [hbm4b:s4+s24], $0x80, s18, s24, $0xb8;
	[tilespmem:$0x1C800] =	vst v63  }
0xf0: {  	_ =	swait.ge [sflag:s6], $0x2800  }
0xf1: {  	[sflag:s6] =	ssyncset.done $0x0  }
0xf2: {  	[sflag:s6] =	ssyncadd.s32 $0xFFFFD800  }
0xf3: {  	[spmem:s1] =	stream.indirect.scatter.add.f32 [tilespmem:s28], [sflag:$0x5], $0x80, s5, s24, $0xb8;
	[tilespmem:$0x1C800] =	vst v63  }
0xf4: {  	_ =	swait.ge [sflag:s12], $0x2800  }
0xf5: {  	[sflag:s12] =	ssyncset.done $0x0  }
0xf6: {  	s18 =	rddreg [dreg:$0x6];
	[sflag:s12] =	ssyncadd.s32 $0xFFFFD800  }
0xf7: {  	[tilespmem:s28], [sflag:$0x2] =	stream.indirect.gather [hbm4b:s4+s24], $0x80, s18, s24, $0xb8;
	[tilespmem:$0x1C800] =	vst v63  }
0xf8: {  	_ =	swait.ge [sflag:s14], $0x2800  }
0xf9: {  	[sflag:s14] =	ssyncset.done $0x0  }
0xfa: {  	[sflag:s14] =	ssyncadd.s32 $0xFFFFD800  }
0xfb: {  	[spmem:s1] =	stream.indirect.scatter.add.f32 [tilespmem:s30], [sflag:$0x6], $0x80, s23, s24, $0xb8;
	[tilespmem:$0x1C800] =	vst v63  }
0xfc: {  	_ =	swait.ge [sflag:s16], $0x2800  }
0xfd: {  	[sflag:s16] =	ssyncset.done $0x0  }
0xfe: {  	s18 =	rddreg [dreg:$0x7];
	[sflag:s16] =	ssyncadd.s32 $0xFFFFD800  }
0xff: {  	[tilespmem:s30], [sflag:$0x3] =	stream.indirect.gather [hbm4b:s4+s24], $0x80, s18, s24, $0xb8;
	[tilespmem:$0x1C800] =	vst v63  }
0x100: {  	_ =	swait.ge [sflag:s31], $0x2800  }
0x101: {  	[sflag:s31] =	ssyncset.done $0x0  }
0x102: {  	s18 =	rddreg [dreg:$0x8];
	[sflag:s31] =	ssyncadd.s32 $0xFFFFD800  }
0x103: {  	[spmem:s1] =	stream.indirect.scatter.add.f32 [tilespmem:s25], [sflag:$0x4], $0x80, s18, s24, $0xb8;
	[tilespmem:$0x1C800] =	vst v63  }
0x104: {  	_ =	swait.ge [sflag:s0], $0x2800  }
0x105: {  	[sflag:s0] =	ssyncset.done $0x0  }
0x106: {  	s18 =	rddreg [dreg:$0x9];
	[sflag:s0] =	ssyncadd.s32 $0xFFFFD800  }
0x107: {  	[tilespmem:s25], [sflag:$0x1] =	stream.indirect.gather [hbm4b:s4+s24], $0x80, s18, s24, $0xb8;
	[tilespmem:$0x1C800] =	vst v63  }
0x108: {  	_ =	swait.ge [sflag:s6], $0x2800  }
0x109: {  	[sflag:s6] =	ssyncset.done $0x0  }
0x10a: {  	s18 =	rddreg [dreg:$0xa];
	[sflag:s6] =	ssyncadd.s32 $0xFFFFD800  }
0x10b: {  	[spmem:s1] =	stream.indirect.scatter.add.f32 [tilespmem:s28], [sflag:$0x5], $0x80, s18, s24, $0xb8;
	[tilespmem:$0x1C800] =	vst v63  }
0x10c: {  	_ =	swait.ge [sflag:s14], $0x2800  }
0x10d: {  	[sflag:s14] =	ssyncset.done $0x0  }
0x10e: {  	s18 =	rddreg [dreg:$0xb];
	[sflag:s14] =	ssyncadd.s32 $0xFFFFD800  }
0x10f: {  	[spmem:s1] =	stream.indirect.scatter.add.f32 [tilespmem:s30], [sflag:$0x6], $0x80, s18, s24, $0xb8;
	[tilespmem:$0x1C800] =	vst v63  }
0x110: {  	_ =	swait.ge [sflag:s31], $0x2800  }
0x111: {  	[sflag:s31] =	ssyncset.done $0x0  }
0x112: {  	s18 =	rddreg [dreg:$0xc];
	[sflag:s31] =	ssyncadd.s32 $0xFFFFD800  }
0x113: {  	[spmem:s1] =	stream.indirect.scatter.add.f32 [tilespmem:s25], [sflag:$0x4], $0x80, s18, s24, $0xb8;
	[tilespmem:$0x1C800] =	vst v63  }
0x114: {  	_ =	swait.ge [sflag:s12], $0x2800  }
0x115: {  	[sflag:s12] =	ssyncset.done $0x0  }
0x116: {  	p1 =	sne.s32 s9, $0xB00;
	[sflag:s12] =	ssyncadd.s32 $0xFFFFD800  }
.Ltmp3:
0x117: {  	_ =	swait.ge [sflag:s16], $0x2800;
	(pc) =	sbr.rel @p1 .LBB2_7-.Ltmp3, $4  }
0x118: {  	[sflag:s16] =	ssyncset.done $0x0  }
0x119: {  	[sflag:s16] =	ssyncadd.s32 $0xFFFFD800  }
0x11a: {  	_ =	swait.ge [sflag:s0], $0x2800  }
0x11b: {  	s9 =	sadd.s32 $0x100, s9;
	s10 =	rddreg [dreg:$0x4];
	[sflag:s0] =	ssyncset.done $0x0  }
0x11c: {  	[sflag:s0] =	ssyncadd.s32 $0xFFFFD800;
	s9 =	sadd.s32 s8, s10  }
0x11d: {  	[tilespmem:s3], [sflag:$0x7] =	stream.linear.gather [hbm4b:s9+s3], $0x280, $0x38;
	[tilespmem:$0x1C800] =	vst v63  }
0x11e: {  	s9 =	sadd.s32 $0x80, s9  }
0x11f: {  	[tilespmem:s21], [sflag:$0x7] =	stream.linear.gather [hbm4b:s9+s3], $0x280, $0x38;
	[tilespmem:$0x1C800] =	vst v63  }
0x120: {  	_ =	swait.ge [sflag:s20], $0x500  }
0x121: {  	s18 =	rddreg [dreg:$0x3];
	[sflag:s20] =	ssyncset.done $0x0  }
0x122: {  	s10 =	sadd.s32 s8, s18;
	[sflag:s20] =	ssyncadd.s32 $0xFFFFFB00  }
0x123: {  	[tilespmem:s22], [sflag:$0x7] =	stream.linear.gather [hbm4b:s10+s3], $0x280, $0x38;
	[tilespmem:$0x1C800] =	vst v63  }
0x124: {  	s8 =	sadd.s32 $0x80, s10  }
0x125: {  	[tilespmem:s23], [sflag:$0x7] =	stream.linear.gather [hbm4b:s8+s3], $0x280, $0x38;
	[tilespmem:$0x1C800] =	vst v63  }
0x126: {  	_ =	swait.ge [sflag:s20], $0x500  }
0x127: {  	[sflag:s20] =	ssyncset.done $0x0  }
0x128: {  	[sflag:s20] =	ssyncadd.s32 $0xFFFFFB00  }
0x129: {  	[tilespmem:s25], [sflag:$0x1] =	stream.indirect.gather [hbm4b:s4+s24], $0x80, s3, s24, $0xb8;
	[tilespmem:$0x1C800] =	vst v63  }
0x12a: {  	_ = 	snop  }
0x12b: {  	[tilespmem:s28], [sflag:$0x2] =	stream.indirect.gather [hbm4b:s4+s24], $0x80, s26, s24, $0xb8;
	[tilespmem:$0x1C800] =	vst v63  }
0x12c: {  	_ = 	snop  }
0x12d: {  	[tilespmem:s30], [sflag:$0x3] =	stream.indirect.gather [hbm4b:s4+s24], $0x80, s29, s24, $0xb8;
	[tilespmem:$0x1C800] =	vst v63  }
0x12e: {  	_ =	swait.ge [sflag:s31], $0x2800  }
0x12f: {  	[sflag:s31] =	ssyncset.done $0x0  }
0x130: {  	[sflag:s31] =	ssyncadd.s32 $0xFFFFD800  }
0x131: {  	[spmem:s1] =	stream.indirect.scatter.add.f32 [tilespmem:s25], [sflag:$0x4], $0x80, s22, s24, $0xb8;
	[tilespmem:$0x1C800] =	vst v63  }
0x132: {  	_ =	swait.ge [sflag:s0], $0x2800  }
0x133: {  	[sflag:s0] =	ssyncset.done $0x0  }
0x134: {  	[sflag:s0] =	ssyncadd.s32 $0xFFFFD800  }
0x135: {  	[tilespmem:s25], [sflag:$0x1] =	stream.indirect.gather [hbm4b:s4+s24], $0x80, s2, s24, $0xb8;
	[tilespmem:$0x1C800] =	vst v63  }
0x136: {  	_ =	swait.ge [sflag:s6], $0x2800  }
0x137: {  	[sflag:s6] =	ssyncset.done $0x0  }
0x138: {  	[sflag:s6] =	ssyncadd.s32 $0xFFFFD800  }
0x139: {  	[spmem:s1] =	stream.indirect.scatter.add.f32 [tilespmem:s28], [sflag:$0x5], $0x80, s11, s24, $0xb8;
	[tilespmem:$0x1C800] =	vst v63  }
0x13a: {  	_ =	swait.ge [sflag:s12], $0x2800  }
0x13b: {  	[sflag:s12] =	ssyncset.done $0x0  }
0x13c: {  	[sflag:s12] =	ssyncadd.s32 $0xFFFFD800  }
0x13d: {  	[tilespmem:s28], [sflag:$0x2] =	stream.indirect.gather [hbm4b:s4+s24], $0x80, s13, s24, $0xb8;
	[tilespmem:$0x1C800] =	vst v63  }
0x13e: {  	_ =	swait.ge [sflag:s14], $0x2800  }
0x13f: {  	[sflag:s14] =	ssyncset.done $0x0  }
0x140: {  	[sflag:s14] =	ssyncadd.s32 $0xFFFFD800  }
0x141: {  	[spmem:s1] =	stream.indirect.scatter.add.f32 [tilespmem:s30], [sflag:$0x6], $0x80, s15, s24, $0xb8;
	[tilespmem:$0x1C800] =	vst v63  }
0x142: {  	_ =	swait.ge [sflag:s16], $0x2800  }
0x143: {  	[sflag:s16] =	ssyncset.done $0x0  }
0x144: {  	[sflag:s16] =	ssyncadd.s32 $0xFFFFD800  }
0x145: {  	[tilespmem:s30], [sflag:$0x3] =	stream.indirect.gather [hbm4b:s4+s24], $0x80, s21, s24, $0xb8;
	[tilespmem:$0x1C800] =	vst v63  }
0x146: {  	_ =	swait.ge [sflag:s31], $0x2800  }
0x147: {  	[sflag:s31] =	ssyncset.done $0x0  }
0x148: {  	[sflag:s31] =	ssyncadd.s32 $0xFFFFD800  }
0x149: {  	[spmem:s1] =	stream.indirect.scatter.add.f32 [tilespmem:s25], [sflag:$0x4], $0x80, s17, s24, $0xb8;
	[tilespmem:$0x1C800] =	vst v63  }
0x14a: {  	_ =	swait.ge [sflag:s0], $0x2800  }
0x14b: {  	[sflag:s0] =	ssyncset.done $0x0  }
0x14c: {  	s18 =	rddreg [dreg:$0x5];
	[sflag:s0] =	ssyncadd.s32 $0xFFFFD800  }
0x14d: {  	[tilespmem:s25], [sflag:$0x1] =	stream.indirect.gather [hbm4b:s4+s24], $0x80, s18, s24, $0xb8;
	[tilespmem:$0x1C800] =	vst v63  }
0x14e: {  	_ =	swait.ge [sflag:s6], $0x2800  }
0x14f: {  	[sflag:s6] =	ssyncset.done $0x0  }
0x150: {  	[sflag:s6] =	ssyncadd.s32 $0xFFFFD800  }
0x151: {  	[spmem:s1] =	stream.indirect.scatter.add.f32 [tilespmem:s28], [sflag:$0x5], $0x80, s5, s24, $0xb8;
	[tilespmem:$0x1C800] =	vst v63  }
0x152: {  	_ =	swait.ge [sflag:s12], $0x2800  }
0x153: {  	[sflag:s12] =	ssyncset.done $0x0  }
0x154: {  	s9 =	rddreg [dreg:$0x6];
	[sflag:s12] =	ssyncadd.s32 $0xFFFFD800  }
0x155: {  	[tilespmem:s28], [sflag:$0x2] =	stream.indirect.gather [hbm4b:s4+s24], $0x80, s9, s24, $0xb8;
	[tilespmem:$0x1C800] =	vst v63  }
0x156: {  	_ =	swait.ge [sflag:s14], $0x2800  }
0x157: {  	[sflag:s14] =	ssyncset.done $0x0  }
0x158: {  	[sflag:s14] =	ssyncadd.s32 $0xFFFFD800  }
0x159: {  	[spmem:s1] =	stream.indirect.scatter.add.f32 [tilespmem:s30], [sflag:$0x6], $0x80, s23, s24, $0xb8;
	[tilespmem:$0x1C800] =	vst v63  }
0x15a: {  	_ =	swait.ge [sflag:s16], $0x2800  }
0x15b: {  	[sflag:s16] =	ssyncset.done $0x0  }
0x15c: {  	s10 =	rddreg [dreg:$0x7];
	[sflag:s16] =	ssyncadd.s32 $0xFFFFD800  }
0x15d: {  	[tilespmem:s30], [sflag:$0x3] =	stream.indirect.gather [hbm4b:s4+s24], $0x80, s10, s24, $0xb8;
	[tilespmem:$0x1C800] =	vst v63  }
0x15e: {  	_ =	swait.ge [sflag:s31], $0x2800  }
0x15f: {  	[sflag:s31] =	ssyncset.done $0x0  }
0x160: {  	s18 =	rddreg [dreg:$0x8];
	[sflag:s31] =	ssyncadd.s32 $0xFFFFD800  }
0x161: {  	[spmem:s1] =	stream.indirect.scatter.add.f32 [tilespmem:s25], [sflag:$0x4], $0x80, s18, s24, $0xb8;
	[tilespmem:$0x1C800] =	vst v63  }
0x162: {  	_ =	swait.ge [sflag:s0], $0x2800  }
0x163: {  	[sflag:s0] =	ssyncset.done $0x0  }
0x164: {  	s9 =	rddreg [dreg:$0x9];
	[sflag:s0] =	ssyncadd.s32 $0xFFFFD800  }
0x165: {  	[tilespmem:s25], [sflag:$0x1] =	stream.indirect.gather [hbm4b:s4+s24], $0x80, s9, s24, $0xb8;
	[tilespmem:$0x1C800] =	vst v63  }
0x166: {  	_ =	swait.ge [sflag:s6], $0x2800  }
0x167: {  	[sflag:s6] =	ssyncset.done $0x0  }
0x168: {  	s10 =	rddreg [dreg:$0xa];
	[sflag:s6] =	ssyncadd.s32 $0xFFFFD800  }
0x169: {  	[spmem:s1] =	stream.indirect.scatter.add.f32 [tilespmem:s28], [sflag:$0x5], $0x80, s10, s24, $0xb8;
	[tilespmem:$0x1C800] =	vst v63  }
0x16a: {  	_ =	swait.ge [sflag:s14], $0x2800  }
0x16b: {  	[sflag:s14] =	ssyncset.done $0x0  }
0x16c: {  	s18 =	rddreg [dreg:$0xb];
	[sflag:s14] =	ssyncadd.s32 $0xFFFFD800  }
0x16d: {  	[spmem:s1] =	stream.indirect.scatter.add.f32 [tilespmem:s30], [sflag:$0x6], $0x80, s18, s24, $0xb8;
	[tilespmem:$0x1C800] =	vst v63  }
0x16e: {  	_ =	swait.ge [sflag:s31], $0x2800  }
0x16f: {  	[sflag:s31] =	ssyncset.done $0x0  }
0x170: {  	s9 =	rddreg [dreg:$0xc];
	[sflag:s31] =	ssyncadd.s32 $0xFFFFD800  }
0x171: {  	[spmem:s1] =	stream.indirect.scatter.add.f32 [tilespmem:s25], [sflag:$0x4], $0x80, s9, s24, $0xb8;
	[tilespmem:$0x1C800] =	vst v63  }
0x172: {  	_ =	swait.ge [sflag:s12], $0x2800  }
0x173: {  	[sflag:s12] =	ssyncset.done $0x0  }
0x174: {  	[sflag:s12] =	ssyncadd.s32 $0xFFFFD800  }
0x175: {  	_ =	swait.ge [sflag:s16], $0x2800  }
0x176: {  	[sflag:s16] =	ssyncset.done $0x0  }
0x177: {  	[sflag:s16] =	ssyncadd.s32 $0xFFFFD800  }
0x178: {  	_ =	swait.ge [sflag:s0], $0x2800  }
0x179: {  	[sflag:s0] =	ssyncset.done $0x0  }
0x17a: {  	s10 =	rddreg [dreg:$0xf];
	[sflag:s0] =	ssyncadd.s32 $0xFFFFD800  }
0x17b: {  	[tilespmem:s3], [sflag:$0x7] =	stream.linear.gather [hbm4b:s10+s3], $0x280, $0x38;
	[tilespmem:$0x1C800] =	vst v63  }
0x17c: {  	_ =	swait.ge [sflag:s20], $0x280  }
0x17d: {  	[sflag:s20] =	ssyncset.done $0x0  }
0x17e: {  	s18 =	rddreg [dreg:$0x10];
	[sflag:s20] =	ssyncadd.s32 $0xFFFFFD80  }
0x17f: {  	[tilespmem:s22], [sflag:$0x7] =	stream.linear.gather [hbm4b:s18+s3], $0x280, $0x38;
	[tilespmem:$0x1C800] =	vst v63  }
0x180: {  	_ =	swait.ge [sflag:s20], $0x280  }
0x181: {  	[sflag:s20] =	ssyncset.done $0x0  }
0x182: {  	[sflag:s20] =	ssyncadd.s32 $0xFFFFFD80  }
0x183: {  	[tilespmem:s25], [sflag:$0x1] =	stream.indirect.gather [hbm4b:s4+s24], $0x80, s3, s24, $0xb8;
	[tilespmem:$0x1C800] =	vst v63  }
0x184: {  	_ = 	snop  }
0x185: {  	[tilespmem:s28], [sflag:$0x2] =	stream.indirect.gather [hbm4b:s4+s24], $0x80, s26, s24, $0xb8;
	[tilespmem:$0x1C800] =	vst v63  }
0x186: {  	_ = 	snop  }
0x187: {  	[tilespmem:s30], [sflag:$0x3] =	stream.indirect.gather [hbm4b:s4+s24], $0x80, s29, s24, $0xb8;
	[tilespmem:$0x1C800] =	vst v63  }
0x188: {  	_ =	swait.ge [sflag:s31], $0x2800  }
0x189: {  	[sflag:s31] =	ssyncset.done $0x0  }
0x18a: {  	[sflag:s31] =	ssyncadd.s32 $0xFFFFD800  }
0x18b: {  	[spmem:s1] =	stream.indirect.scatter.add.f32 [tilespmem:s25], [sflag:$0x4], $0x80, s22, s24, $0xb8;
	[tilespmem:$0x1C800] =	vst v63  }
0x18c: {  	_ =	swait.ge [sflag:s0], $0x2800  }
0x18d: {  	[sflag:s0] =	ssyncset.done $0x0  }
0x18e: {  	[sflag:s0] =	ssyncadd.s32 $0xFFFFD800  }
0x18f: {  	[tilespmem:s25], [sflag:$0x1] =	stream.indirect.gather [hbm4b:s4+s24], $0x80, s2, s24, $0xb8;
	[tilespmem:$0x1C800] =	vst v63  }
0x190: {  	_ =	swait.ge [sflag:s6], $0x2800  }
0x191: {  	[sflag:s6] =	ssyncset.done $0x0  }
0x192: {  	[sflag:s6] =	ssyncadd.s32 $0xFFFFD800  }
0x193: {  	[spmem:s1] =	stream.indirect.scatter.add.f32 [tilespmem:s28], [sflag:$0x5], $0x80, s11, s24, $0xb8;
	[tilespmem:$0x1C800] =	vst v63  }
0x194: {  	_ =	swait.ge [sflag:s12], $0x2800  }
0x195: {  	[sflag:s12] =	ssyncset.done $0x0  }
0x196: {  	[sflag:s12] =	ssyncadd.s32 $0xFFFFD800  }
0x197: {  	[tilespmem:s28], [sflag:$0x2] =	stream.indirect.gather [hbm4b:s4+s24], $0x80, s13, s24, $0xb8;
	[tilespmem:$0x1C800] =	vst v63  }
0x198: {  	_ =	swait.ge [sflag:s14], $0x2800  }
0x199: {  	[sflag:s14] =	ssyncset.done $0x0  }
0x19a: {  	[sflag:s14] =	ssyncadd.s32 $0xFFFFD800  }
0x19b: {  	[spmem:s1] =	stream.indirect.scatter.add.f32 [tilespmem:s30], [sflag:$0x6], $0x80, s15, s24, $0xb8;
	[tilespmem:$0x1C800] =	vst v63  }
0x19c: {  	_ =	swait.ge [sflag:s31], $0x2800  }
0x19d: {  	[sflag:s31] =	ssyncset.done $0x0  }
0x19e: {  	[sflag:s31] =	ssyncadd.s32 $0xFFFFD800  }
0x19f: {  	[spmem:s1] =	stream.indirect.scatter.add.f32 [tilespmem:s25], [sflag:$0x4], $0x80, s17, s24, $0xb8;
	[tilespmem:$0x1C800] =	vst v63  }
0x1a0: {  	_ =	swait.ge [sflag:s6], $0x2800  }
0x1a1: {  	[sflag:s6] =	ssyncset.done $0x0  }
0x1a2: {  	[sflag:s6] =	ssyncadd.s32 $0xFFFFD800  }
0x1a3: {  	[spmem:s1] =	stream.indirect.scatter.add.f32 [tilespmem:s28], [sflag:$0x5], $0x80, s5, s24, $0xb8;
	[tilespmem:$0x1C800] =	vst v63  }
0x1a4: {  	_ =	swait.ge [sflag:s16], $0x2800  }
0x1a5: {  	[sflag:s16] =	ssyncset.done $0x0  }
0x1a6: {  	[sflag:s16] =	ssyncadd.s32 $0xFFFFD800  }
0x1a7: {  	_ =	swait.ge [sflag:s0], $0x2800  }
0x1a8: {  	[sflag:s0] =	ssyncset.done $0x0  }
0x1a9: {  	[sflag:s0] =	ssyncadd.s32 $0xFFFFD800  }
0x1aa: {  	_ =	swait.ge [sflag:s12], $0x2800  }
0x1ab: {  	[sflag:s12] =	ssyncset.done $0x0  }
0x1ac: {  	[sflag:s12] =	ssyncadd.s32 $0xFFFFD800  }
0x1ad: {  	[bflag:$0x0] =	sbarrier.arrive $0xFFFF  }
0x1ae: {  	s9 =	rddreg [dreg:$0x11]  }
0x1af: {  	s10 =	rddreg [dreg:$0x1a]  }
0x1b0: {  	[hbm:s9], [sflag:s10] =	dma.local [spmem:s19], $0x2800  }
0x1b1: {  	_ =	swait.ge [sflag:s20], $0x2800  }
0x1b2: {  	s7 =	sadd.s32 $0x1, s7;
	s18 =	rddreg [dreg:$0x12]  }
0x1b3: {  	p1 =	sne.s32 s7, s18  }
.Ltmp4:
0x1b4: {  	_ = 	snop;
	(pc) =	sbr.rel @p1 .LBB2_1-.Ltmp4, $3  }
0x1b5: {  	_ =	sdelay $0x1  }
0x1b6: {  	[sflag:s20] =	ssyncset.done $0x0  }
0x1b7: {  	[sflag:s20] =	ssyncadd.s32 $0xFFFFD800  }
0x1b8: {  	_ =	sfence.sel $0x180000  }
0x1b9: {  	[bflag:$0x0] =	sbarrier.arrive $0xFFFF  }
0x1ba: {  	_ =	strace $0x9000004A  }
0x1bb: {  	s0 =	stileid.u32;
	[bflag:$0x2] =	sbarrier.arrive $0xFFFF  }
0x1bc: {  	p0 =	sne.s32 s0, $0x0;
	s0 =	rddreg [dreg:$0x2]  }
0x1bd: {  	s0 =	sadd.s32 @!p0 $0x100000, s0  }
0x1be: {  	[sflag:s0] =	ssyncadd.tile.s32 @!p0 $0x1;
	_ =	shalt  }
.Lfunc_end2:
_tile_overlayer_lowered:
.L_overlay_start_2:
0x1bf: {  	(tag) =	ssettag $0x2  }
0x1c0: {  	s0 =	rddreg [dreg:$0x0];
	s2 =	stileid.u32  }
0x1c1: {  	s1 =	rddreg [dreg:$0x1];
	p0 =	sne.s32 s2, $0x0  }
0x1c2: {  	s3 =	rddreg [dreg:$0x2];
	[bflag:$0x3] =	sbarrier.arrive $0xFFFF;
	s2 =	simm.s32 @!p0 $0x1C07  }
0x1c3: {  	[timem:s3], [sflag:s2] =	dma.local @!p0 [hbm:s0], s1  }
0x1c4: {  	s0 =	simm.s32 @!p0 $0x7  }
0x1c5: {  	_ =	swait.ge @!p0 [sflag:s0], s1  }
0x1c6: {  	s1 =	ssub.s32 @!p0 $0x0, s1;
	[sflag:s0] =	ssyncset.done @!p0 $0x0  }
0x1c7: {  	[sflag:s0] =	ssyncadd.s32 @!p0 s1  }
0x1c8: {  	[bflag:$0x3] =	sbarrier.arrive $0xFFFF  }
0x1c9: {  	_ =	shalt  }

</sc_bundles>
